<compile_context>
chip_gen: v7x
topology: tpu7x:2x2x1
jax: 0.10.2.dev20260603
libtpu: 0.0.44.dev20260713+nightly
codegen_flags: <defaults>
</compile_context>

<pallas_src>
import functools

import jax
import jax.numpy as jnp
from jax import lax
from jax.experimental import pallas as pl
from jax.experimental.pallas import tpu as pltpu
from jax.experimental.pallas import tpu_sc as plsc

NC = 2
NS = 16
LANES = 16
KW = 64
PAD_ROWS = 512


def _round_up(a, b):
    return (a + b - 1) // b * b


def _mm_body(x_ref, w_ref, aws_ref, awd_ref, h_ref, as_ref, ad_ref):
    h = jnp.dot(x_ref[...], w_ref[...], preferred_element_type=jnp.float32)
    h_ref[...] = h
    as_ref[...] = jnp.dot(h, aws_ref[...], preferred_element_type=jnp.float32)
    ad_ref[...] = jnp.dot(h, awd_ref[...], preferred_element_type=jnp.float32)


def _matmul_phase(x, W, aw_src, aw_dst, blk):
    n, d = x.shape
    grid = (n // blk,)
    return pl.pallas_call(
        _mm_body,
        grid=grid,
        in_specs=[
            pl.BlockSpec((blk, d), lambda i: (i, 0)),
            pl.BlockSpec((d, W.shape[1]), lambda i: (0, 0)),
            pl.BlockSpec((d, LANES), lambda i: (0, 0)),
            pl.BlockSpec((d, LANES), lambda i: (0, 0)),
        ],
        out_specs=[
            pl.BlockSpec((blk, W.shape[1]), lambda i: (i, 0)),
            pl.BlockSpec((blk, LANES), lambda i: (i, 0)),
            pl.BlockSpec((blk, LANES), lambda i: (i, 0)),
        ],
        out_shape=[
            jax.ShapeDtypeStruct((n, W.shape[1]), jnp.float32),
            jax.ShapeDtypeStruct((n, LANES), jnp.float32),
            jax.ShapeDtypeStruct((n, LANES), jnp.float32),
        ],
    )(x, W, aw_src, aw_dst)


def _sc_body(nwin, rows_per_tile, acc_rows_per_tile, np_rows,
             src_hbm, dst_hbm, h_hbm, asrc_hbm, adst_hbm,
             outp_hbm, denp_hbm,
             acc, dacc,
             src0, src1, dst0, dst1, h0, h1, as0, as1, ad0, ad1, sb0, sb1,
             sg0, sg1, ss0, ss1):
    c = lax.axis_index("c")
    s = lax.axis_index("s")
    t32 = c * NS + s
    nseg = h_hbm.shape[1] // LANES
    lanes_valid = lax.iota(jnp.int32, LANES) < 4

    srcb = (src0, src1)
    dstb = (dst0, dst1)
    hb = (h0, h1)
    asb = (as0, as1)
    adb = (ad0, ad1)
    sbb = (sb0, sb1)
    semg = (sg0, sg1)
    sems = (ss0, ss1)

    def _zrow(r, carry):
        for v in range(nseg):
            h0[r, pl.ds(v * LANES, LANES)] = jnp.zeros((LANES,), jnp.float32)
        sb0[r, :] = jnp.zeros((LANES,), jnp.float32)
        return carry

    lax.fori_loop(0, KW, _zrow, 0)

    r0 = s * acc_rows_per_tile
    off = 0
    while off < acc_rows_per_tile:
        step = min(KW, acc_rows_per_tile - off)
        pltpu.sync_copy(h0.at[pl.ds(0, step)], acc.at[pl.ds(r0 + off, step)])
        pltpu.sync_copy(sb0.at[pl.ds(0, step)], dacc.at[pl.ds(r0 + off, step)])
        off += step
    plsc.subcore_barrier()

    base = t32 * rows_per_tile

    def _issue_gather(j, b):
        pltpu.sync_copy(src_hbm.at[pl.ds(base + j, 1)], srcb[b])
        pltpu.sync_copy(dst_hbm.at[pl.ds(base + j, 1)], dstb[b])
        pltpu.async_copy(h_hbm.at[srcb[b].at[0]], hb[b], semg[b])
        pltpu.async_copy(asrc_hbm.at[srcb[b].at[0]], asb[b], semg[b])
        pltpu.async_copy(adst_hbm.at[dstb[b].at[0]], adb[b], semg[b])

    def _wait_gather(b):
        pltpu.make_async_copy(h_hbm.at[srcb[b].at[0]], hb[b], semg[b]).wait()
        pltpu.make_async_copy(asrc_hbm.at[srcb[b].at[0]], asb[b], semg[b]).wait()
        pltpu.make_async_copy(adst_hbm.at[dstb[b].at[0]], adb[b], semg[b]).wait()

    def _issue_scatter(b):
        pltpu.async_copy(sbb[b], dacc.at[dstb[b].at[0]], sems[b], add=True)
        pltpu.async_copy(hb[b], acc.at[dstb[b].at[0]], sems[b], add=True)

    def _wait_scatter(b):
        pltpu.make_async_copy(sbb[b], dacc.at[dstb[b].at[0]], sems[b]).wait()
        pltpu.make_async_copy(hb[b], acc.at[dstb[b].at[0]], sems[b]).wait()

    def _compute(b):
        hbuf = hb[b]
        abuf = asb[b]
        dbuf = adb[b]
        sbuf = sbb[b]

        def _edge(i, carry2):
            e = abuf[i, :] + dbuf[i, :]
            e = jnp.maximum(e, e * 0.2)
            sv = jnp.exp(e)
            sv = jnp.where(lanes_valid, sv, 0.0)
            sbuf[i, :] = sv
            for v in range(nseg):
                sl = pl.ds(v * LANES, LANES)
                hbuf[i, sl] = hbuf[i, sl] * sv[v // 2]
            return carry2

        lax.fori_loop(0, KW, _edge, 0)

    _issue_gather(0, 0)
    _wait_gather(0)
    _issue_gather(1, 1)
    _compute(0)
    _issue_scatter(0)

    def _outer(j2, carry):
        for k in range(2):
            j = 1 + j2 * 2 + k
            b = (1 + k) % 2
            nb = 1 - b
            _wait_gather(b)
            _wait_scatter(nb)
            _issue_gather(j + 1, nb)
            _compute(b)
            _issue_scatter(b)
        return carry

    lax.fori_loop(0, (nwin - 2) // 2, _outer, 0)

    _wait_gather(1)
    _compute(1)
    _issue_scatter(1)
    _wait_scatter(0)
    _wait_scatter(1)

    plsc.subcore_barrier()

    pltpu.sync_copy(acc.at[pl.ds(r0, acc_rows_per_tile)],
                    outp_hbm.at[pl.ds(c * np_rows + r0, acc_rows_per_tile)])
    pltpu.sync_copy(dacc.at[pl.ds(r0, acc_rows_per_tile)],
                    denp_hbm.at[pl.ds(c * np_rows + r0, acc_rows_per_tile)])


def _sc_phase(src2d, dst2d, h, a_src, a_dst, np_rows):
    n, d = h.shape
    rows_total = src2d.shape[0]
    rows_per_tile = rows_total // (NC * NS)
    nwin = rows_per_tile
    acc_rows_per_tile = np_rows // NS

    mesh = plsc.VectorSubcoreMesh(core_axis_name="c", subcore_axis_name="s")
    body = functools.partial(_sc_body, nwin, rows_per_tile, acc_rows_per_tile,
                             np_rows)
    f = pl.kernel(
        body,
        compiler_params=pltpu.CompilerParams(use_tc_tiling_on_sc=False),
        out_type=[
            jax.ShapeDtypeStruct((NC * np_rows, d), jnp.float32),
            jax.ShapeDtypeStruct((NC * np_rows, LANES), jnp.float32),
        ],
        mesh=mesh,
        scratch_types=[
            pltpu.VMEM_SHARED((np_rows, d), jnp.float32),
            pltpu.VMEM_SHARED((np_rows, LANES), jnp.float32),
            pltpu.VMEM((1, KW), jnp.int32),
            pltpu.VMEM((1, KW), jnp.int32),
            pltpu.VMEM((1, KW), jnp.int32),
            pltpu.VMEM((1, KW), jnp.int32),
            pltpu.VMEM((KW, d), jnp.float32),
            pltpu.VMEM((KW, d), jnp.float32),
            pltpu.VMEM((KW, LANES), jnp.float32),
            pltpu.VMEM((KW, LANES), jnp.float32),
            pltpu.VMEM((KW, LANES), jnp.float32),
            pltpu.VMEM((KW, LANES), jnp.float32),
            pltpu.VMEM((KW, LANES), jnp.float32),
            pltpu.VMEM((KW, LANES), jnp.float32),
            pltpu.SemaphoreType.DMA,
            pltpu.SemaphoreType.DMA,
            pltpu.SemaphoreType.DMA,
            pltpu.SemaphoreType.DMA,
        ],
    )
    return f(src2d, dst2d, h, a_src, a_dst)


def _fin_body(blk, p_ref, d_ref, o_ref):
    p = p_ref[...]
    dd = d_ref[...]
    ps = p[0] + p[1]
    dsum = dd[0] + dd[1]
    den = jnp.concatenate(
        [jnp.broadcast_to(dsum[:, hh:hh + 1], (blk, 32)) for hh in range(4)],
        axis=1)
    o_ref[...] = ps / (den + 1e-16)


def _finalize_phase(outp, denp, n, blk):
    np_rows = outp.shape[0] // NC
    d = outp.shape[1]
    p3 = outp.reshape(NC, np_rows, d)
    d3 = denp.reshape(NC, np_rows, LANES)
    grid = (n // blk,)
    return pl.pallas_call(
        functools.partial(_fin_body, blk),
        grid=grid,
        in_specs=[
            pl.BlockSpec((NC, blk, d), lambda i: (0, i, 0)),
            pl.BlockSpec((NC, blk, LANES), lambda i: (0, i, 0)),
        ],
        out_specs=pl.BlockSpec((blk, d), lambda i: (i, 0)),
        out_shape=jax.ShapeDtypeStruct((n, d), jnp.float32),
    )(p3, d3)


def kernel(x, edge_index, W, att_src, att_dst):
    n, d = x.shape
    e_cnt = edge_index.shape[1]
    hh, cc = att_src.shape

    eye_h = jnp.eye(hh, LANES, dtype=jnp.float32)
    aw_src = (att_src[:, :, None] * eye_h[:, None, :]).reshape(hh * cc, LANES)
    aw_dst = (att_dst[:, :, None] * eye_h[:, None, :]).reshape(hh * cc, LANES)

    np_rows = _round_up(n + PAD_ROWS, NS * 8)
    xp = jnp.concatenate(
        [x, jnp.zeros((np_rows - n, d), jnp.float32)], axis=0)
    h, a_src, a_dst = _matmul_phase(xp, W, aw_src, aw_dst, blk=np_rows // NS)

    per_tile = _round_up(_round_up(e_cnt, NC * NS) // (NC * NS), 2 * KW)
    ep = per_tile * NC * NS
    pad = ep - e_cnt
    padi = jnp.arange(pad, dtype=jnp.int32) % PAD_ROWS
    src_p = jnp.concatenate([edge_index[0].astype(jnp.int32), padi])
    dst_p = jnp.concatenate([edge_index[1].astype(jnp.int32), n + padi])
    src2d = src_p.reshape(ep // KW, KW)
    dst2d = dst_p.reshape(ep // KW, KW)

    outp, denp = _sc_phase(src2d, dst2d, h, a_src, a_dst, np_rows)

    return _finalize_phase(outp, denp, n, blk=1000)

# --- scband reference (transcript-rebuilt; emitter-appended) ---
"""Pipeline reference for scband-attention-conv-wrapper-81080392613998 (READ-ONLY COPY).

The authoritative reference and input builder live on the scoring server;
editing this copy changes nothing except your own understanding.
"""

import jax, jax.numpy as jnp
import numpy as np

N = 10000
E = 320000
D = 128
H = 4
C = 32


def setup_inputs(seed: int = 0) -> dict:
    key = jax.random.key(seed)
    k1, k2, k3, k4, k5 = jax.random.split(key, 5)
    x = jax.random.normal(k1, (N, D), dtype=jnp.float32)
    edge_index = jax.random.randint(k2, (2, E), 0, N)
    W = jax.random.normal(k3, (D, H * C), dtype=jnp.float32) * (1.0 / np.sqrt(D))
    att_src = jax.random.normal(k4, (H, C), dtype=jnp.float32) * 0.1
    att_dst = jax.random.normal(k5, (H, C), dtype=jnp.float32) * 0.1
    return {"x": x, "edge_index": edge_index, "W": W, "att_src": att_src, "att_dst": att_dst}


def reference(x, edge_index, W, att_src, att_dst):
    # GATConv(in=128, out=32, heads=4, concat=True); expected_dim = 4*32 = 128 == target_dim
    # so AttentionConvWrapper.proj is nn.Identity().
    src = edge_index[0]
    dst = edge_index[1]
    h = (x @ W).reshape(-1, H, C)                      # [N, H, C]
    a_src = jnp.sum(h * att_src[None, :, :], axis=-1)  # [N, H]
    a_dst = jnp.sum(h * att_dst[None, :, :], axis=-1)  # [N, H]
    e = a_src[src] + a_dst[dst]                        # [E, H] gather
    e = jax.nn.leaky_relu(e, negative_slope=0.2)
    # segment softmax over incoming edges per destination node
    m = jax.ops.segment_max(e, dst, num_segments=N)    # [N, H]
    m = jnp.where(jnp.isfinite(m), m, 0.0)
    ex = jnp.exp(e - m[dst])
    denom = jax.ops.segment_sum(ex, dst, num_segments=N)  # [N, H]
    alpha = ex / (denom[dst] + 1e-16)                  # [E, H]
    msg = h[src] * alpha[:, :, None]                   # [E, H, C] gather + weight
    out = jax.ops.segment_sum(msg, dst, num_segments=N)  # [N, H, C] scatter-add
    out = out.reshape(N, H * C)                        # concat heads -> [N, 128]
    return out  # proj is Identity

if __name__ == "__main__":
    import jax
    _d = setup_inputs()
    print(jax.jit(kernel)(*tuple(_d.values())))

</pallas_src>

<mosaic_0001>
#map = affine_map<(d0, d1) -> (0, 0)>
module attributes {stable_mosaic.version = 14 : i64} {
  func.func @_sc_body(%arg0: i32, %arg1: i32, %arg2: memref<5056x64xi32, #tpu.memory_space<hbm>>, %arg3: memref<5056x64xi32, #tpu.memory_space<hbm>>, %arg4: memref<10624x128xf32, #tpu.memory_space<hbm>>, %arg5: memref<10624x16xf32, #tpu.memory_space<hbm>>, %arg6: memref<10624x16xf32, #tpu.memory_space<hbm>>, %arg7: memref<21248x128xf32, #tpu.memory_space<hbm>>, %arg8: memref<21248x16xf32, #tpu.memory_space<hbm>>, %arg9: memref<10624x128xf32, #tpu.memory_space<vmem_shared>>, %arg10: memref<10624x16xf32, #tpu.memory_space<vmem_shared>>, %arg11: memref<1x64xi32, #tpu.memory_space<vmem>>, %arg12: memref<1x64xi32, #tpu.memory_space<vmem>>, %arg13: memref<1x64xi32, #tpu.memory_space<vmem>>, %arg14: memref<1x64xi32, #tpu.memory_space<vmem>>, %arg15: memref<64x128xf32, #tpu.memory_space<vmem>>, %arg16: memref<64x128xf32, #tpu.memory_space<vmem>>, %arg17: memref<64x16xf32, #tpu.memory_space<vmem>>, %arg18: memref<64x16xf32, #tpu.memory_space<vmem>>, %arg19: memref<64x16xf32, #tpu.memory_space<vmem>>, %arg20: memref<64x16xf32, #tpu.memory_space<vmem>>, %arg21: memref<64x16xf32, #tpu.memory_space<vmem>>, %arg22: memref<64x16xf32, #tpu.memory_space<vmem>>, %arg23: memref<!tpu.dma_semaphore, #tpu.memory_space<semaphore_mem>>, %arg24: memref<!tpu.dma_semaphore, #tpu.memory_space<semaphore_mem>>, %arg25: memref<!tpu.dma_semaphore, #tpu.memory_space<semaphore_mem>>, %arg26: memref<!tpu.dma_semaphore, #tpu.memory_space<semaphore_mem>>) attributes {dimension_semantics = [#tpu.dimension_semantics<core_parallel>, #tpu.dimension_semantics<subcore_parallel>], iteration_bounds = array<i64: 2, 16>, scalar_prefetch = 0 : i64, scratch_operands = 18 : i64, tpu.core_type = #tpu.core_type<sc_vector_subcore>, window_params = [{transform_indices = #map}, {transform_indices = #map}, {transform_indices = #map}, {transform_indices = #map}, {transform_indices = #map}, {transform_indices = #map}, {transform_indices = #map}]} {
    %mul3A = arith.constant 16 : i32
    %mul3A_0 = arith.muli %arg0, %mul3A : i32
    %add3A = arith.addi %mul3A_0, %arg1 : i32
    %iota3A = tpu.iota {dimensions = array<i32: 0>} : vector<16xi32>
    %lt3A = arith.constant 4 : i32
    %lt3A_1 = vector.broadcast %lt3A : i32 to vector<16xi32>
    %lt3A_2 = arith.cmpi slt, %iota3A, %lt3A_1 : vector<16xi32>
    %scan3A = arith.constant 0 : i32
    %scan3A_3 = arith.constant 0 : i32
    %scan3A_4 = arith.constant 64 : i32
    %scan3A_5 = arith.addi %scan3A_3, %scan3A_4 : i32
    %scan3A_6 = arith.constant 1 : i32
    scf.for %scan3A_227 = %scan3A_3 to %scan3A_5 step %scan3A_6  : i32 {
      %broadcast_in_dim3A = arith.constant 0.000000e+00 : f32
      %broadcast_in_dim3A_228 = vector.broadcast %broadcast_in_dim3A : f32 to vector<16xf32>
      %swap3A = arith.index_cast %scan3A_227 : i32 to index
      %swap3A_229 = arith.constant 0 : index
      %swap3A_230 = tpu.vector_load %arg15[%swap3A, %swap3A_229] {strides = array<i32>} : memref<64x128xf32, #tpu.memory_space<vmem>>, vector<1x16xf32>,
      %swap3A_231 = vector.shape_cast %swap3A_230 : vector<1x16xf32> to vector<16xf32>
      %swap3A_232 = vector.shape_cast %broadcast_in_dim3A_228 : vector<16xf32> to vector<1x16xf32>
      tpu.vector_store %arg15[%swap3A, %swap3A_229], %swap3A_232 {strides = array<i32>} : memref<64x128xf32, #tpu.memory_space<vmem>>, vector<1x16xf32>,
      %broadcast_in_dim3A_233 = arith.constant 0.000000e+00 : f32
      %broadcast_in_dim3A_234 = vector.broadcast %broadcast_in_dim3A_233 : f32 to vector<16xf32>
      %swap3A_235 = arith.index_cast %scan3A_227 : i32 to index
      %swap3A_236 = arith.constant 16 : index
      %swap3A_237 = tpu.vector_load %arg15[%swap3A_235, %swap3A_236] {strides = array<i32>} : memref<64x128xf32, #tpu.memory_space<vmem>>, vector<1x16xf32>,
      %swap3A_238 = vector.shape_cast %swap3A_237 : vector<1x16xf32> to vector<16xf32>
      %swap3A_239 = vector.shape_cast %broadcast_in_dim3A_234 : vector<16xf32> to vector<1x16xf32>
      tpu.vector_store %arg15[%swap3A_235, %swap3A_236], %swap3A_239 {strides = array<i32>} : memref<64x128xf32, #tpu.memory_space<vmem>>, vector<1x16xf32>,
      %broadcast_in_dim3A_240 = arith.constant 0.000000e+00 : f32
      %broadcast_in_dim3A_241 = vector.broadcast %broadcast_in_dim3A_240 : f32 to vector<16xf32>
      %swap3A_242 = arith.index_cast %scan3A_227 : i32 to index
      %swap3A_243 = arith.constant 32 : index
      %swap3A_244 = tpu.vector_load %arg15[%swap3A_242, %swap3A_243] {strides = array<i32>} : memref<64x128xf32, #tpu.memory_space<vmem>>, vector<1x16xf32>,
      %swap3A_245 = vector.shape_cast %swap3A_244 : vector<1x16xf32> to vector<16xf32>
      %swap3A_246 = vector.shape_cast %broadcast_in_dim3A_241 : vector<16xf32> to vector<1x16xf32>
      tpu.vector_store %arg15[%swap3A_242, %swap3A_243], %swap3A_246 {strides = array<i32>} : memref<64x128xf32, #tpu.memory_space<vmem>>, vector<1x16xf32>,
      %broadcast_in_dim3A_247 = arith.constant 0.000000e+00 : f32
      %broadcast_in_dim3A_248 = vector.broadcast %broadcast_in_dim3A_247 : f32 to vector<16xf32>
      %swap3A_249 = arith.index_cast %scan3A_227 : i32 to index
      %swap3A_250 = arith.constant 48 : index
      %swap3A_251 = tpu.vector_load %arg15[%swap3A_249, %swap3A_250] {strides = array<i32>} : memref<64x128xf32, #tpu.memory_space<vmem>>, vector<1x16xf32>,
      %swap3A_252 = vector.shape_cast %swap3A_251 : vector<1x16xf32> to vector<16xf32>
      %swap3A_253 = vector.shape_cast %broadcast_in_dim3A_248 : vector<16xf32> to vector<1x16xf32>
      tpu.vector_store %arg15[%swap3A_249, %swap3A_250], %swap3A_253 {strides = array<i32>} : memref<64x128xf32, #tpu.memory_space<vmem>>, vector<1x16xf32>,
      %broadcast_in_dim3A_254 = arith.constant 0.000000e+00 : f32
      %broadcast_in_dim3A_255 = vector.broadcast %broadcast_in_dim3A_254 : f32 to vector<16xf32>
      %swap3A_256 = arith.index_cast %scan3A_227 : i32 to index
      %swap3A_257 = arith.constant 64 : index
      %swap3A_258 = tpu.vector_load %arg15[%swap3A_256, %swap3A_257] {strides = array<i32>} : memref<64x128xf32, #tpu.memory_space<vmem>>, vector<1x16xf32>,
      %swap3A_259 = vector.shape_cast %swap3A_258 : vector<1x16xf32> to vector<16xf32>
      %swap3A_260 = vector.shape_cast %broadcast_in_dim3A_255 : vector<16xf32> to vector<1x16xf32>
      tpu.vector_store %arg15[%swap3A_256, %swap3A_257], %swap3A_260 {strides = array<i32>} : memref<64x128xf32, #tpu.memory_space<vmem>>, vector<1x16xf32>,
      %broadcast_in_dim3A_261 = arith.constant 0.000000e+00 : f32
      %broadcast_in_dim3A_262 = vector.broadcast %broadcast_in_dim3A_261 : f32 to vector<16xf32>
      %swap3A_263 = arith.index_cast %scan3A_227 : i32 to index
      %swap3A_264 = arith.constant 80 : index
      %swap3A_265 = tpu.vector_load %arg15[%swap3A_263, %swap3A_264] {strides = array<i32>} : memref<64x128xf32, #tpu.memory_space<vmem>>, vector<1x16xf32>,
      %swap3A_266 = vector.shape_cast %swap3A_265 : vector<1x16xf32> to vector<16xf32>
      %swap3A_267 = vector.shape_cast %broadcast_in_dim3A_262 : vector<16xf32> to vector<1x16xf32>
      tpu.vector_store %arg15[%swap3A_263, %swap3A_264], %swap3A_267 {strides = array<i32>} : memref<64x128xf32, #tpu.memory_space<vmem>>, vector<1x16xf32>,
      %broadcast_in_dim3A_268 = arith.constant 0.000000e+00 : f32
      %broadcast_in_dim3A_269 = vector.broadcast %broadcast_in_dim3A_268 : f32 to vector<16xf32>
      %swap3A_270 = arith.index_cast %scan3A_227 : i32 to index
      %swap3A_271 = arith.constant 96 : index
      %swap3A_272 = tpu.vector_load %arg15[%swap3A_270, %swap3A_271] {strides = array<i32>} : memref<64x128xf32, #tpu.memory_space<vmem>>, vector<1x16xf32>,
      %swap3A_273 = vector.shape_cast %swap3A_272 : vector<1x16xf32> to vector<16xf32>
      %swap3A_274 = vector.shape_cast %broadcast_in_dim3A_269 : vector<16xf32> to vector<1x16xf32>
      tpu.vector_store %arg15[%swap3A_270, %swap3A_271], %swap3A_274 {strides = array<i32>} : memref<64x128xf32, #tpu.memory_space<vmem>>, vector<1x16xf32>,
      %broadcast_in_dim3A_275 = arith.constant 0.000000e+00 : f32
      %broadcast_in_dim3A_276 = vector.broadcast %broadcast_in_dim3A_275 : f32 to vector<16xf32>
      %swap3A_277 = arith.index_cast %scan3A_227 : i32 to index
      %swap3A_278 = arith.constant 112 : index
      %swap3A_279 = tpu.vector_load %arg15[%swap3A_277, %swap3A_278] {strides = array<i32>} : memref<64x128xf32, #tpu.memory_space<vmem>>, vector<1x16xf32>,
      %swap3A_280 = vector.shape_cast %swap3A_279 : vector<1x16xf32> to vector<16xf32>
      %swap3A_281 = vector.shape_cast %broadcast_in_dim3A_276 : vector<16xf32> to vector<1x16xf32>
      tpu.vector_store %arg15[%swap3A_277, %swap3A_278], %swap3A_281 {strides = array<i32>} : memref<64x128xf32, #tpu.memory_space<vmem>>, vector<1x16xf32>,
      %broadcast_in_dim3A_282 = arith.constant 0.000000e+00 : f32
      %broadcast_in_dim3A_283 = vector.broadcast %broadcast_in_dim3A_282 : f32 to vector<16xf32>
      %swap3A_284 = arith.index_cast %scan3A_227 : i32 to index
      %swap3A_285 = arith.constant 0 : index
      %swap3A_286 = tpu.vector_load %arg21[%swap3A_284, %swap3A_285] {strides = array<i32>} : memref<64x16xf32, #tpu.memory_space<vmem>>, vector<1x16xf32>,
      %swap3A_287 = vector.shape_cast %swap3A_286 : vector<1x16xf32> to vector<16xf32>
      %swap3A_288 = vector.shape_cast %broadcast_in_dim3A_283 : vector<16xf32> to vector<1x16xf32>
      tpu.vector_store %arg21[%swap3A_284, %swap3A_285], %swap3A_288 {strides = array<i32>} : memref<64x16xf32, #tpu.memory_space<vmem>>, vector<1x16xf32>,
    }
    %scan3A_7 = arith.constant 64 : i32
    %mul3A_8 = arith.constant 664 : i32
    %mul3A_9 = arith.muli %arg1, %mul3A_8 : i32
    %add3A_10 = arith.constant 0 : i32
    %add3A_11 = arith.addi %mul3A_9, %add3A_10 : i32
    "tpu.region"() ({
      %run_scoped3A = tpu.sem_alloc : memref<!tpu.dma_semaphore, #tpu.memory_space<semaphore_mem>>
      %dma_start3A_227 = arith.constant 0 : i32
      %dma_start3A_228 = arith.constant 0 : i32
      %dma_start3A_229 = tpu.memref_slice %arg15[%dma_start3A_227, %dma_start3A_228] : memref<64x128xf32, #tpu.memory_space<vmem>> -> memref<64x128xf32, #tpu.memory_space<vmem>>
      %dma_start3A_230 = arith.constant 0 : i32
      %dma_start3A_231 = tpu.memref_slice %arg9[%add3A_11, %dma_start3A_230] : memref<10624x128xf32, #tpu.memory_space<vmem_shared>> -> memref<64x128xf32, #tpu.memory_space<vmem_shared>>
      %dma_start3A_232 = arith.constant 0 : i32
      %dma_start3A_233 = tpu.memref_slice %arg9[%add3A_11, %dma_start3A_232] : memref<10624x128xf32, #tpu.memory_space<vmem_shared>> -> memref<64x128xf32, #tpu.memory_space<vmem_shared>>
      %dma_start3A_234 = arith.constant 0 : i32
      %dma_start3A_235 = arith.constant 0 : i32
      %dma_start3A_236 = tpu.memref_slice %arg15[%dma_start3A_234, %dma_start3A_235] : memref<64x128xf32, #tpu.memory_space<vmem>> -> memref<64x128xf32, #tpu.memory_space<vmem>>
      tpu.enqueue_dma source(%dma_start3A_236 : memref<64x128xf32, #tpu.memory_space<vmem>>) target(%dma_start3A_233 : memref<64x128xf32, #tpu.memory_space<vmem_shared>>) target_semaphore(%run_scoped3A : memref<!tpu.dma_semaphore, #tpu.memory_space<semaphore_mem>>)
      %dma_wait3A_237 = arith.constant 0 : i32
      %dma_wait3A_238 = arith.constant 0 : i32
      %dma_wait3A_239 = tpu.memref_slice %arg15[%dma_wait3A_237, %dma_wait3A_238] : memref<64x128xf32, #tpu.memory_space<vmem>> -> memref<64x128xf32, #tpu.memory_space<vmem>>
      %dma_wait3A_240 = arith.constant 0 : i32
      %dma_wait3A_241 = tpu.memref_slice %arg9[%add3A_11, %dma_wait3A_240] : memref<10624x128xf32, #tpu.memory_space<vmem_shared>> -> memref<64x128xf32, #tpu.memory_space<vmem_shared>>
      %dma_wait3A_242 = arith.constant 0 : i32
      %dma_wait3A_243 = tpu.memref_slice %arg9[%add3A_11, %dma_wait3A_242] : memref<10624x128xf32, #tpu.memory_space<vmem_shared>> -> memref<64x128xf32, #tpu.memory_space<vmem_shared>>
      %dma_wait3A_244 = arith.constant 0 : i32
      %dma_wait3A_245 = arith.constant 0 : i32
      %dma_wait3A_246 = tpu.memref_slice %arg15[%dma_wait3A_244, %dma_wait3A_245] : memref<64x128xf32, #tpu.memory_space<vmem>> -> memref<64x128xf32, #tpu.memory_space<vmem>>
      tpu.wait_dma2 semaphore(%run_scoped3A : memref<!tpu.dma_semaphore, #tpu.memory_space<semaphore_mem>>) src(%dma_wait3A_246 : memref<64x128xf32, #tpu.memory_space<vmem>>) dst(%dma_wait3A_243 : memref<64x128xf32, #tpu.memory_space<vmem_shared>>)
      tpu.yield
    }) : () -> ()
    %add3A_12 = arith.constant 0 : i32
    %add3A_13 = arith.addi %mul3A_9, %add3A_12 : i32
    "tpu.region"() ({
      %run_scoped3A = tpu.sem_alloc : memref<!tpu.dma_semaphore, #tpu.memory_space<semaphore_mem>>
      %dma_start3A_227 = arith.constant 0 : i32
      %dma_start3A_228 = arith.constant 0 : i32
      %dma_start3A_229 = tpu.memref_slice %arg21[%dma_start3A_227, %dma_start3A_228] : memref<64x16xf32, #tpu.memory_space<vmem>> -> memref<64x16xf32, #tpu.memory_space<vmem>>
      %dma_start3A_230 = arith.constant 0 : i32
      %dma_start3A_231 = tpu.memref_slice %arg10[%add3A_13, %dma_start3A_230] : memref<10624x16xf32, #tpu.memory_space<vmem_shared>> -> memref<64x16xf32, #tpu.memory_space<vmem_shared>>
      %dma_start3A_232 = arith.constant 0 : i32
      %dma_start3A_233 = tpu.memref_slice %arg10[%add3A_13, %dma_start3A_232] : memref<10624x16xf32, #tpu.memory_space<vmem_shared>> -> memref<64x16xf32, #tpu.memory_space<vmem_shared>>
      %dma_start3A_234 = arith.constant 0 : i32
      %dma_start3A_235 = arith.constant 0 : i32
      %dma_start3A_236 = tpu.memref_slice %arg21[%dma_start3A_234, %dma_start3A_235] : memref<64x16xf32, #tpu.memory_space<vmem>> -> memref<64x16xf32, #tpu.memory_space<vmem>>
      tpu.enqueue_dma source(%dma_start3A_236 : memref<64x16xf32, #tpu.memory_space<vmem>>) target(%dma_start3A_233 : memref<64x16xf32, #tpu.memory_space<vmem_shared>>) target_semaphore(%run_scoped3A : memref<!tpu.dma_semaphore, #tpu.memory_space<semaphore_mem>>)
      %dma_wait3A_237 = arith.constant 0 : i32
      %dma_wait3A_238 = arith.constant 0 : i32
      %dma_wait3A_239 = tpu.memref_slice %arg21[%dma_wait3A_237, %dma_wait3A_238] : memref<64x16xf32, #tpu.memory_space<vmem>> -> memref<64x16xf32, #tpu.memory_space<vmem>>
      %dma_wait3A_240 = arith.constant 0 : i32
      %dma_wait3A_241 = tpu.memref_slice %arg10[%add3A_13, %dma_wait3A_240] : memref<10624x16xf32, #tpu.memory_space<vmem_shared>> -> memref<64x16xf32, #tpu.memory_space<vmem_shared>>
      %dma_wait3A_242 = arith.constant 0 : i32
      %dma_wait3A_243 = tpu.memref_slice %arg10[%add3A_13, %dma_wait3A_242] : memref<10624x16xf32, #tpu.memory_space<vmem_shared>> -> memref<64x16xf32, #tpu.memory_space<vmem_shared>>
      %dma_wait3A_244 = arith.constant 0 : i32
      %dma_wait3A_245 = arith.constant 0 : i32
      %dma_wait3A_246 = tpu.memref_slice %arg21[%dma_wait3A_244, %dma_wait3A_245] : memref<64x16xf32, #tpu.memory_space<vmem>> -> memref<64x16xf32, #tpu.memory_space<vmem>>
      tpu.wait_dma2 semaphore(%run_scoped3A : memref<!tpu.dma_semaphore, #tpu.memory_space<semaphore_mem>>) src(%dma_wait3A_246 : memref<64x16xf32, #tpu.memory_space<vmem>>) dst(%dma_wait3A_243 : memref<64x16xf32, #tpu.memory_space<vmem_shared>>)
      tpu.yield
    }) : () -> ()
    %add3A_14 = arith.constant 64 : i32
    %add3A_15 = arith.addi %mul3A_9, %add3A_14 : i32
    "tpu.region"() ({
      %run_scoped3A = tpu.sem_alloc : memref<!tpu.dma_semaphore, #tpu.memory_space<semaphore_mem>>
      %dma_start3A_227 = arith.constant 0 : i32
      %dma_start3A_228 = arith.constant 0 : i32
      %dma_start3A_229 = tpu.memref_slice %arg15[%dma_start3A_227, %dma_start3A_228] : memref<64x128xf32, #tpu.memory_space<vmem>> -> memref<64x128xf32, #tpu.memory_space<vmem>>
      %dma_start3A_230 = arith.constant 0 : i32
      %dma_start3A_231 = tpu.memref_slice %arg9[%add3A_15, %dma_start3A_230] : memref<10624x128xf32, #tpu.memory_space<vmem_shared>> -> memref<64x128xf32, #tpu.memory_space<vmem_shared>>
      %dma_start3A_232 = arith.constant 0 : i32
      %dma_start3A_233 = tpu.memref_slice %arg9[%add3A_15, %dma_start3A_232] : memref<10624x128xf32, #tpu.memory_space<vmem_shared>> -> memref<64x128xf32, #tpu.memory_space<vmem_shared>>
      %dma_start3A_234 = arith.constant 0 : i32
      %dma_start3A_235 = arith.constant 0 : i32
      %dma_start3A_236 = tpu.memref_slice %arg15[%dma_start3A_234, %dma_start3A_235] : memref<64x128xf32, #tpu.memory_space<vmem>> -> memref<64x128xf32, #tpu.memory_space<vmem>>
      tpu.enqueue_dma source(%dma_start3A_236 : memref<64x128xf32, #tpu.memory_space<vmem>>) target(%dma_start3A_233 : memref<64x128xf32, #tpu.memory_space<vmem_shared>>) target_semaphore(%run_scoped3A : memref<!tpu.dma_semaphore, #tpu.memory_space<semaphore_mem>>)
      %dma_wait3A_237 = arith.constant 0 : i32
      %dma_wait3A_238 = arith.constant 0 : i32
      %dma_wait3A_239 = tpu.memref_slice %arg15[%dma_wait3A_237, %dma_wait3A_238] : memref<64x128xf32, #tpu.memory_space<vmem>> -> memref<64x128xf32, #tpu.memory_space<vmem>>
      %dma_wait3A_240 = arith.constant 0 : i32
      %dma_wait3A_241 = tpu.memref_slice %arg9[%add3A_15, %dma_wait3A_240] : memref<10624x128xf32, #tpu.memory_space<vmem_shared>> -> memref<64x128xf32, #tpu.memory_space<vmem_shared>>
      %dma_wait3A_242 = arith.constant 0 : i32
      %dma_wait3A_243 = tpu.memref_slice %arg9[%add3A_15, %dma_wait3A_242] : memref<10624x128xf32, #tpu.memory_space<vmem_shared>> -> memref<64x128xf32, #tpu.memory_space<vmem_shared>>
      %dma_wait3A_244 = arith.constant 0 : i32
      %dma_wait3A_245 = arith.constant 0 : i32
      %dma_wait3A_246 = tpu.memref_slice %arg15[%dma_wait3A_244, %dma_wait3A_245] : memref<64x128xf32, #tpu.memory_space<vmem>> -> memref<64x128xf32, #tpu.memory_space<vmem>>
      tpu.wait_dma2 semaphore(%run_scoped3A : memref<!tpu.dma_semaphore, #tpu.memory_space<semaphore_mem>>) src(%dma_wait3A_246 : memref<64x128xf32, #tpu.memory_space<vmem>>) dst(%dma_wait3A_243 : memref<64x128xf32, #tpu.memory_space<vmem_shared>>)
      tpu.yield
    }) : () -> ()
    %add3A_16 = arith.constant 64 : i32
    %add3A_17 = arith.addi %mul3A_9, %add3A_16 : i32
    "tpu.region"() ({
      %run_scoped3A = tpu.sem_alloc : memref<!tpu.dma_semaphore, #tpu.memory_space<semaphore_mem>>
      %dma_start3A_227 = arith.constant 0 : i32
      %dma_start3A_228 = arith.constant 0 : i32
      %dma_start3A_229 = tpu.memref_slice %arg21[%dma_start3A_227, %dma_start3A_228] : memref<64x16xf32, #tpu.memory_space<vmem>> -> memref<64x16xf32, #tpu.memory_space<vmem>>
      %dma_start3A_230 = arith.constant 0 : i32
      %dma_start3A_231 = tpu.memref_slice %arg10[%add3A_17, %dma_start3A_230] : memref<10624x16xf32, #tpu.memory_space<vmem_shared>> -> memref<64x16xf32, #tpu.memory_space<vmem_shared>>
      %dma_start3A_232 = arith.constant 0 : i32
      %dma_start3A_233 = tpu.memref_slice %arg10[%add3A_17, %dma_start3A_232] : memref<10624x16xf32, #tpu.memory_space<vmem_shared>> -> memref<64x16xf32, #tpu.memory_space<vmem_shared>>
      %dma_start3A_234 = arith.constant 0 : i32
      %dma_start3A_235 = arith.constant 0 : i32
      %dma_start3A_236 = tpu.memref_slice %arg21[%dma_start3A_234, %dma_start3A_235] : memref<64x16xf32, #tpu.memory_space<vmem>> -> memref<64x16xf32, #tpu.memory_space<vmem>>
      tpu.enqueue_dma source(%dma_start3A_236 : memref<64x16xf32, #tpu.memory_space<vmem>>) target(%dma_start3A_233 : memref<64x16xf32, #tpu.memory_space<vmem_shared>>) target_semaphore(%run_scoped3A : memref<!tpu.dma_semaphore, #tpu.memory_space<semaphore_mem>>)
      %dma_wait3A_237 = arith.constant 0 : i32
      %dma_wait3A_238 = arith.constant 0 : i32
      %dma_wait3A_239 = tpu.memref_slice %arg21[%dma_wait3A_237, %dma_wait3A_238] : memref<64x16xf32, #tpu.memory_space<vmem>> -> memref<64x16xf32, #tpu.memory_space<vmem>>
      %dma_wait3A_240 = arith.constant 0 : i32
      %dma_wait3A_241 = tpu.memref_slice %arg10[%add3A_17, %dma_wait3A_240] : memref<10624x16xf32, #tpu.memory_space<vmem_shared>> -> memref<64x16xf32, #tpu.memory_space<vmem_shared>>
      %dma_wait3A_242 = arith.constant 0 : i32
      %dma_wait3A_243 = tpu.memref_slice %arg10[%add3A_17, %dma_wait3A_242] : memref<10624x16xf32, #tpu.memory_space<vmem_shared>> -> memref<64x16xf32, #tpu.memory_space<vmem_shared>>
      %dma_wait3A_244 = arith.constant 0 : i32
      %dma_wait3A_245 = arith.constant 0 : i32
      %dma_wait3A_246 = tpu.memref_slice %arg21[%dma_wait3A_244, %dma_wait3A_245] : memref<64x16xf32, #tpu.memory_space<vmem>> -> memref<64x16xf32, #tpu.memory_space<vmem>>
      tpu.wait_dma2 semaphore(%run_scoped3A : memref<!tpu.dma_semaphore, #tpu.memory_space<semaphore_mem>>) src(%dma_wait3A_246 : memref<64x16xf32, #tpu.memory_space<vmem>>) dst(%dma_wait3A_243 : memref<64x16xf32, #tpu.memory_space<vmem_shared>>)
      tpu.yield
    }) : () -> ()
    %add3A_18 = arith.constant 128 : i32
    %add3A_19 = arith.addi %mul3A_9, %add3A_18 : i32
    "tpu.region"() ({
      %run_scoped3A = tpu.sem_alloc : memref<!tpu.dma_semaphore, #tpu.memory_space<semaphore_mem>>
      %dma_start3A_227 = arith.constant 0 : i32
      %dma_start3A_228 = arith.constant 0 : i32
      %dma_start3A_229 = tpu.memref_slice %arg15[%dma_start3A_227, %dma_start3A_228] : memref<64x128xf32, #tpu.memory_space<vmem>> -> memref<64x128xf32, #tpu.memory_space<vmem>>
      %dma_start3A_230 = arith.constant 0 : i32
      %dma_start3A_231 = tpu.memref_slice %arg9[%add3A_19, %dma_start3A_230] : memref<10624x128xf32, #tpu.memory_space<vmem_shared>> -> memref<64x128xf32, #tpu.memory_space<vmem_shared>>
      %dma_start3A_232 = arith.constant 0 : i32
      %dma_start3A_233 = tpu.memref_slice %arg9[%add3A_19, %dma_start3A_232] : memref<10624x128xf32, #tpu.memory_space<vmem_shared>> -> memref<64x128xf32, #tpu.memory_space<vmem_shared>>
      %dma_start3A_234 = arith.constant 0 : i32
      %dma_start3A_235 = arith.constant 0 : i32
      %dma_start3A_236 = tpu.memref_slice %arg15[%dma_start3A_234, %dma_start3A_235] : memref<64x128xf32, #tpu.memory_space<vmem>> -> memref<64x128xf32, #tpu.memory_space<vmem>>
      tpu.enqueue_dma source(%dma_start3A_236 : memref<64x128xf32, #tpu.memory_space<vmem>>) target(%dma_start3A_233 : memref<64x128xf32, #tpu.memory_space<vmem_shared>>) target_semaphore(%run_scoped3A : memref<!tpu.dma_semaphore, #tpu.memory_space<semaphore_mem>>)
      %dma_wait3A_237 = arith.constant 0 : i32
      %dma_wait3A_238 = arith.constant 0 : i32
      %dma_wait3A_239 = tpu.memref_slice %arg15[%dma_wait3A_237, %dma_wait3A_238] : memref<64x128xf32, #tpu.memory_space<vmem>> -> memref<64x128xf32, #tpu.memory_space<vmem>>
      %dma_wait3A_240 = arith.constant 0 : i32
      %dma_wait3A_241 = tpu.memref_slice %arg9[%add3A_19, %dma_wait3A_240] : memref<10624x128xf32, #tpu.memory_space<vmem_shared>> -> memref<64x128xf32, #tpu.memory_space<vmem_shared>>
      %dma_wait3A_242 = arith.constant 0 : i32
      %dma_wait3A_243 = tpu.memref_slice %arg9[%add3A_19, %dma_wait3A_242] : memref<10624x128xf32, #tpu.memory_space<vmem_shared>> -> memref<64x128xf32, #tpu.memory_space<vmem_shared>>
      %dma_wait3A_244 = arith.constant 0 : i32
      %dma_wait3A_245 = arith.constant 0 : i32
      %dma_wait3A_246 = tpu.memref_slice %arg15[%dma_wait3A_244, %dma_wait3A_245] : memref<64x128xf32, #tpu.memory_space<vmem>> -> memref<64x128xf32, #tpu.memory_space<vmem>>
      tpu.wait_dma2 semaphore(%run_scoped3A : memref<!tpu.dma_semaphore, #tpu.memory_space<semaphore_mem>>) src(%dma_wait3A_246 : memref<64x128xf32, #tpu.memory_space<vmem>>) dst(%dma_wait3A_243 : memref<64x128xf32, #tpu.memory_space<vmem_shared>>)
      tpu.yield
    }) : () -> ()
    %add3A_20 = arith.constant 128 : i32
    %add3A_21 = arith.addi %mul3A_9, %add3A_20 : i32
    "tpu.region"() ({
      %run_scoped3A = tpu.sem_alloc : memref<!tpu.dma_semaphore, #tpu.memory_space<semaphore_mem>>
      %dma_start3A_227 = arith.constant 0 : i32
      %dma_start3A_228 = arith.constant 0 : i32
      %dma_start3A_229 = tpu.memref_slice %arg21[%dma_start3A_227, %dma_start3A_228] : memref<64x16xf32, #tpu.memory_space<vmem>> -> memref<64x16xf32, #tpu.memory_space<vmem>>
      %dma_start3A_230 = arith.constant 0 : i32
      %dma_start3A_231 = tpu.memref_slice %arg10[%add3A_21, %dma_start3A_230] : memref<10624x16xf32, #tpu.memory_space<vmem_shared>> -> memref<64x16xf32, #tpu.memory_space<vmem_shared>>
      %dma_start3A_232 = arith.constant 0 : i32
      %dma_start3A_233 = tpu.memref_slice %arg10[%add3A_21, %dma_start3A_232] : memref<10624x16xf32, #tpu.memory_space<vmem_shared>> -> memref<64x16xf32, #tpu.memory_space<vmem_shared>>
      %dma_start3A_234 = arith.constant 0 : i32
      %dma_start3A_235 = arith.constant 0 : i32
      %dma_start3A_236 = tpu.memref_slice %arg21[%dma_start3A_234, %dma_start3A_235] : memref<64x16xf32, #tpu.memory_space<vmem>> -> memref<64x16xf32, #tpu.memory_space<vmem>>
      tpu.enqueue_dma source(%dma_start3A_236 : memref<64x16xf32, #tpu.memory_space<vmem>>) target(%dma_start3A_233 : memref<64x16xf32, #tpu.memory_space<vmem_shared>>) target_semaphore(%run_scoped3A : memref<!tpu.dma_semaphore, #tpu.memory_space<semaphore_mem>>)
      %dma_wait3A_237 = arith.constant 0 : i32
      %dma_wait3A_238 = arith.constant 0 : i32
      %dma_wait3A_239 = tpu.memref_slice %arg21[%dma_wait3A_237, %dma_wait3A_238] : memref<64x16xf32, #tpu.memory_space<vmem>> -> memref<64x16xf32, #tpu.memory_space<vmem>>
      %dma_wait3A_240 = arith.constant 0 : i32
      %dma_wait3A_241 = tpu.memref_slice %arg10[%add3A_21, %dma_wait3A_240] : memref<10624x16xf32, #tpu.memory_space<vmem_shared>> -> memref<64x16xf32, #tpu.memory_space<vmem_shared>>
      %dma_wait3A_242 = arith.constant 0 : i32
      %dma_wait3A_243 = tpu.memref_slice %arg10[%add3A_21, %dma_wait3A_242] : memref<10624x16xf32, #tpu.memory_space<vmem_shared>> -> memref<64x16xf32, #tpu.memory_space<vmem_shared>>
      %dma_wait3A_244 = arith.constant 0 : i32
      %dma_wait3A_245 = arith.constant 0 : i32
      %dma_wait3A_246 = tpu.memref_slice %arg21[%dma_wait3A_244, %dma_wait3A_245] : memref<64x16xf32, #tpu.memory_space<vmem>> -> memref<64x16xf32, #tpu.memory_space<vmem>>
      tpu.wait_dma2 semaphore(%run_scoped3A : memref<!tpu.dma_semaphore, #tpu.memory_space<semaphore_mem>>) src(%dma_wait3A_246 : memref<64x16xf32, #tpu.memory_space<vmem>>) dst(%dma_wait3A_243 : memref<64x16xf32, #tpu.memory_space<vmem_shared>>)
      tpu.yield
    }) : () -> ()
    %add3A_22 = arith.constant 192 : i32
    %add3A_23 = arith.addi %mul3A_9, %add3A_22 : i32
    "tpu.region"() ({
      %run_scoped3A = tpu.sem_alloc : memref<!tpu.dma_semaphore, #tpu.memory_space<semaphore_mem>>
      %dma_start3A_227 = arith.constant 0 : i32
      %dma_start3A_228 = arith.constant 0 : i32
      %dma_start3A_229 = tpu.memref_slice %arg15[%dma_start3A_227, %dma_start3A_228] : memref<64x128xf32, #tpu.memory_space<vmem>> -> memref<64x128xf32, #tpu.memory_space<vmem>>
      %dma_start3A_230 = arith.constant 0 : i32
      %dma_start3A_231 = tpu.memref_slice %arg9[%add3A_23, %dma_start3A_230] : memref<10624x128xf32, #tpu.memory_space<vmem_shared>> -> memref<64x128xf32, #tpu.memory_space<vmem_shared>>
      %dma_start3A_232 = arith.constant 0 : i32
      %dma_start3A_233 = tpu.memref_slice %arg9[%add3A_23, %dma_start3A_232] : memref<10624x128xf32, #tpu.memory_space<vmem_shared>> -> memref<64x128xf32, #tpu.memory_space<vmem_shared>>
      %dma_start3A_234 = arith.constant 0 : i32
      %dma_start3A_235 = arith.constant 0 : i32
      %dma_start3A_236 = tpu.memref_slice %arg15[%dma_start3A_234, %dma_start3A_235] : memref<64x128xf32, #tpu.memory_space<vmem>> -> memref<64x128xf32, #tpu.memory_space<vmem>>
      tpu.enqueue_dma source(%dma_start3A_236 : memref<64x128xf32, #tpu.memory_space<vmem>>) target(%dma_start3A_233 : memref<64x128xf32, #tpu.memory_space<vmem_shared>>) target_semaphore(%run_scoped3A : memref<!tpu.dma_semaphore, #tpu.memory_space<semaphore_mem>>)
      %dma_wait3A_237 = arith.constant 0 : i32
      %dma_wait3A_238 = arith.constant 0 : i32
      %dma_wait3A_239 = tpu.memref_slice %arg15[%dma_wait3A_237, %dma_wait3A_238] : memref<64x128xf32, #tpu.memory_space<vmem>> -> memref<64x128xf32, #tpu.memory_space<vmem>>
      %dma_wait3A_240 = arith.constant 0 : i32
      %dma_wait3A_241 = tpu.memref_slice %arg9[%add3A_23, %dma_wait3A_240] : memref<10624x128xf32, #tpu.memory_space<vmem_shared>> -> memref<64x128xf32, #tpu.memory_space<vmem_shared>>
      %dma_wait3A_242 = arith.constant 0 : i32
      %dma_wait3A_243 = tpu.memref_slice %arg9[%add3A_23, %dma_wait3A_242] : memref<10624x128xf32, #tpu.memory_space<vmem_shared>> -> memref<64x128xf32, #tpu.memory_space<vmem_shared>>
      %dma_wait3A_244 = arith.constant 0 : i32
      %dma_wait3A_245 = arith.constant 0 : i32
      %dma_wait3A_246 = tpu.memref_slice %arg15[%dma_wait3A_244, %dma_wait3A_245] : memref<64x128xf32, #tpu.memory_space<vmem>> -> memref<64x128xf32, #tpu.memory_space<vmem>>
      tpu.wait_dma2 semaphore(%run_scoped3A : memref<!tpu.dma_semaphore, #tpu.memory_space<semaphore_mem>>) src(%dma_wait3A_246 : memref<64x128xf32, #tpu.memory_space<vmem>>) dst(%dma_wait3A_243 : memref<64x128xf32, #tpu.memory_space<vmem_shared>>)
      tpu.yield
    }) : () -> ()
    %add3A_24 = arith.constant 192 : i32
    %add3A_25 = arith.addi %mul3A_9, %add3A_24 : i32
    "tpu.region"() ({
      %run_scoped3A = tpu.sem_alloc : memref<!tpu.dma_semaphore, #tpu.memory_space<semaphore_mem>>
      %dma_start3A_227 = arith.constant 0 : i32
      %dma_start3A_228 = arith.constant 0 : i32
      %dma_start3A_229 = tpu.memref_slice %arg21[%dma_start3A_227, %dma_start3A_228] : memref<64x16xf32, #tpu.memory_space<vmem>> -> memref<64x16xf32, #tpu.memory_space<vmem>>
      %dma_start3A_230 = arith.constant 0 : i32
      %dma_start3A_231 = tpu.memref_slice %arg10[%add3A_25, %dma_start3A_230] : memref<10624x16xf32, #tpu.memory_space<vmem_shared>> -> memref<64x16xf32, #tpu.memory_space<vmem_shared>>
      %dma_start3A_232 = arith.constant 0 : i32
      %dma_start3A_233 = tpu.memref_slice %arg10[%add3A_25, %dma_start3A_232] : memref<10624x16xf32, #tpu.memory_space<vmem_shared>> -> memref<64x16xf32, #tpu.memory_space<vmem_shared>>
      %dma_start3A_234 = arith.constant 0 : i32
      %dma_start3A_235 = arith.constant 0 : i32
      %dma_start3A_236 = tpu.memref_slice %arg21[%dma_start3A_234, %dma_start3A_235] : memref<64x16xf32, #tpu.memory_space<vmem>> -> memref<64x16xf32, #tpu.memory_space<vmem>>
      tpu.enqueue_dma source(%dma_start3A_236 : memref<64x16xf32, #tpu.memory_space<vmem>>) target(%dma_start3A_233 : memref<64x16xf32, #tpu.memory_space<vmem_shared>>) target_semaphore(%run_scoped3A : memref<!tpu.dma_semaphore, #tpu.memory_space<semaphore_mem>>)
      %dma_wait3A_237 = arith.constant 0 : i32
      %dma_wait3A_238 = arith.constant 0 : i32
      %dma_wait3A_239 = tpu.memref_slice %arg21[%dma_wait3A_237, %dma_wait3A_238] : memref<64x16xf32, #tpu.memory_space<vmem>> -> memref<64x16xf32, #tpu.memory_space<vmem>>
      %dma_wait3A_240 = arith.constant 0 : i32
      %dma_wait3A_241 = tpu.memref_slice %arg10[%add3A_25, %dma_wait3A_240] : memref<10624x16xf32, #tpu.memory_space<vmem_shared>> -> memref<64x16xf32, #tpu.memory_space<vmem_shared>>
      %dma_wait3A_242 = arith.constant 0 : i32
      %dma_wait3A_243 = tpu.memref_slice %arg10[%add3A_25, %dma_wait3A_242] : memref<10624x16xf32, #tpu.memory_space<vmem_shared>> -> memref<64x16xf32, #tpu.memory_space<vmem_shared>>
      %dma_wait3A_244 = arith.constant 0 : i32
      %dma_wait3A_245 = arith.constant 0 : i32
      %dma_wait3A_246 = tpu.memref_slice %arg21[%dma_wait3A_244, %dma_wait3A_245] : memref<64x16xf32, #tpu.memory_space<vmem>> -> memref<64x16xf32, #tpu.memory_space<vmem>>
      tpu.wait_dma2 semaphore(%run_scoped3A : memref<!tpu.dma_semaphore, #tpu.memory_space<semaphore_mem>>) src(%dma_wait3A_246 : memref<64x16xf32, #tpu.memory_space<vmem>>) dst(%dma_wait3A_243 : memref<64x16xf32, #tpu.memory_space<vmem_shared>>)
      tpu.yield
    }) : () -> ()
    %add3A_26 = arith.constant 256 : i32
    %add3A_27 = arith.addi %mul3A_9, %add3A_26 : i32
    "tpu.region"() ({
      %run_scoped3A = tpu.sem_alloc : memref<!tpu.dma_semaphore, #tpu.memory_space<semaphore_mem>>
      %dma_start3A_227 = arith.constant 0 : i32
      %dma_start3A_228 = arith.constant 0 : i32
      %dma_start3A_229 = tpu.memref_slice %arg15[%dma_start3A_227, %dma_start3A_228] : memref<64x128xf32, #tpu.memory_space<vmem>> -> memref<64x128xf32, #tpu.memory_space<vmem>>
      %dma_start3A_230 = arith.constant 0 : i32
      %dma_start3A_231 = tpu.memref_slice %arg9[%add3A_27, %dma_start3A_230] : memref<10624x128xf32, #tpu.memory_space<vmem_shared>> -> memref<64x128xf32, #tpu.memory_space<vmem_shared>>
      %dma_start3A_232 = arith.constant 0 : i32
      %dma_start3A_233 = tpu.memref_slice %arg9[%add3A_27, %dma_start3A_232] : memref<10624x128xf32, #tpu.memory_space<vmem_shared>> -> memref<64x128xf32, #tpu.memory_space<vmem_shared>>
      %dma_start3A_234 = arith.constant 0 : i32
      %dma_start3A_235 = arith.constant 0 : i32
      %dma_start3A_236 = tpu.memref_slice %arg15[%dma_start3A_234, %dma_start3A_235] : memref<64x128xf32, #tpu.memory_space<vmem>> -> memref<64x128xf32, #tpu.memory_space<vmem>>
      tpu.enqueue_dma source(%dma_start3A_236 : memref<64x128xf32, #tpu.memory_space<vmem>>) target(%dma_start3A_233 : memref<64x128xf32, #tpu.memory_space<vmem_shared>>) target_semaphore(%run_scoped3A : memref<!tpu.dma_semaphore, #tpu.memory_space<semaphore_mem>>)
      %dma_wait3A_237 = arith.constant 0 : i32
      %dma_wait3A_238 = arith.constant 0 : i32
      %dma_wait3A_239 = tpu.memref_slice %arg15[%dma_wait3A_237, %dma_wait3A_238] : memref<64x128xf32, #tpu.memory_space<vmem>> -> memref<64x128xf32, #tpu.memory_space<vmem>>
      %dma_wait3A_240 = arith.constant 0 : i32
      %dma_wait3A_241 = tpu.memref_slice %arg9[%add3A_27, %dma_wait3A_240] : memref<10624x128xf32, #tpu.memory_space<vmem_shared>> -> memref<64x128xf32, #tpu.memory_space<vmem_shared>>
      %dma_wait3A_242 = arith.constant 0 : i32
      %dma_wait3A_243 = tpu.memref_slice %arg9[%add3A_27, %dma_wait3A_242] : memref<10624x128xf32, #tpu.memory_space<vmem_shared>> -> memref<64x128xf32, #tpu.memory_space<vmem_shared>>
      %dma_wait3A_244 = arith.constant 0 : i32
      %dma_wait3A_245 = arith.constant 0 : i32
      %dma_wait3A_246 = tpu.memref_slice %arg15[%dma_wait3A_244, %dma_wait3A_245] : memref<64x128xf32, #tpu.memory_space<vmem>> -> memref<64x128xf32, #tpu.memory_space<vmem>>
      tpu.wait_dma2 semaphore(%run_scoped3A : memref<!tpu.dma_semaphore, #tpu.memory_space<semaphore_mem>>) src(%dma_wait3A_246 : memref<64x128xf32, #tpu.memory_space<vmem>>) dst(%dma_wait3A_243 : memref<64x128xf32, #tpu.memory_space<vmem_shared>>)
      tpu.yield
    }) : () -> ()
    %add3A_28 = arith.constant 256 : i32
    %add3A_29 = arith.addi %mul3A_9, %add3A_28 : i32
    "tpu.region"() ({
      %run_scoped3A = tpu.sem_alloc : memref<!tpu.dma_semaphore, #tpu.memory_space<semaphore_mem>>
      %dma_start3A_227 = arith.constant 0 : i32
      %dma_start3A_228 = arith.constant 0 : i32
      %dma_start3A_229 = tpu.memref_slice %arg21[%dma_start3A_227, %dma_start3A_228] : memref<64x16xf32, #tpu.memory_space<vmem>> -> memref<64x16xf32, #tpu.memory_space<vmem>>
      %dma_start3A_230 = arith.constant 0 : i32
      %dma_start3A_231 = tpu.memref_slice %arg10[%add3A_29, %dma_start3A_230] : memref<10624x16xf32, #tpu.memory_space<vmem_shared>> -> memref<64x16xf32, #tpu.memory_space<vmem_shared>>
      %dma_start3A_232 = arith.constant 0 : i32
      %dma_start3A_233 = tpu.memref_slice %arg10[%add3A_29, %dma_start3A_232] : memref<10624x16xf32, #tpu.memory_space<vmem_shared>> -> memref<64x16xf32, #tpu.memory_space<vmem_shared>>
      %dma_start3A_234 = arith.constant 0 : i32
      %dma_start3A_235 = arith.constant 0 : i32
      %dma_start3A_236 = tpu.memref_slice %arg21[%dma_start3A_234, %dma_start3A_235] : memref<64x16xf32, #tpu.memory_space<vmem>> -> memref<64x16xf32, #tpu.memory_space<vmem>>
      tpu.enqueue_dma source(%dma_start3A_236 : memref<64x16xf32, #tpu.memory_space<vmem>>) target(%dma_start3A_233 : memref<64x16xf32, #tpu.memory_space<vmem_shared>>) target_semaphore(%run_scoped3A : memref<!tpu.dma_semaphore, #tpu.memory_space<semaphore_mem>>)
      %dma_wait3A_237 = arith.constant 0 : i32
      %dma_wait3A_238 = arith.constant 0 : i32
      %dma_wait3A_239 = tpu.memref_slice %arg21[%dma_wait3A_237, %dma_wait3A_238] : memref<64x16xf32, #tpu.memory_space<vmem>> -> memref<64x16xf32, #tpu.memory_space<vmem>>
      %dma_wait3A_240 = arith.constant 0 : i32
      %dma_wait3A_241 = tpu.memref_slice %arg10[%add3A_29, %dma_wait3A_240] : memref<10624x16xf32, #tpu.memory_space<vmem_shared>> -> memref<64x16xf32, #tpu.memory_space<vmem_shared>>
      %dma_wait3A_242 = arith.constant 0 : i32
      %dma_wait3A_243 = tpu.memref_slice %arg10[%add3A_29, %dma_wait3A_242] : memref<10624x16xf32, #tpu.memory_space<vmem_shared>> -> memref<64x16xf32, #tpu.memory_space<vmem_shared>>
      %dma_wait3A_244 = arith.constant 0 : i32
      %dma_wait3A_245 = arith.constant 0 : i32
      %dma_wait3A_246 = tpu.memref_slice %arg21[%dma_wait3A_244, %dma_wait3A_245] : memref<64x16xf32, #tpu.memory_space<vmem>> -> memref<64x16xf32, #tpu.memory_space<vmem>>
      tpu.wait_dma2 semaphore(%run_scoped3A : memref<!tpu.dma_semaphore, #tpu.memory_space<semaphore_mem>>) src(%dma_wait3A_246 : memref<64x16xf32, #tpu.memory_space<vmem>>) dst(%dma_wait3A_243 : memref<64x16xf32, #tpu.memory_space<vmem_shared>>)
      tpu.yield
    }) : () -> ()
    %add3A_30 = arith.constant 320 : i32
    %add3A_31 = arith.addi %mul3A_9, %add3A_30 : i32
    "tpu.region"() ({
      %run_scoped3A = tpu.sem_alloc : memref<!tpu.dma_semaphore, #tpu.memory_space<semaphore_mem>>
      %dma_start3A_227 = arith.constant 0 : i32
      %dma_start3A_228 = arith.constant 0 : i32
      %dma_start3A_229 = tpu.memref_slice %arg15[%dma_start3A_227, %dma_start3A_228] : memref<64x128xf32, #tpu.memory_space<vmem>> -> memref<64x128xf32, #tpu.memory_space<vmem>>
      %dma_start3A_230 = arith.constant 0 : i32
      %dma_start3A_231 = tpu.memref_slice %arg9[%add3A_31, %dma_start3A_230] : memref<10624x128xf32, #tpu.memory_space<vmem_shared>> -> memref<64x128xf32, #tpu.memory_space<vmem_shared>>
      %dma_start3A_232 = arith.constant 0 : i32
      %dma_start3A_233 = tpu.memref_slice %arg9[%add3A_31, %dma_start3A_232] : memref<10624x128xf32, #tpu.memory_space<vmem_shared>> -> memref<64x128xf32, #tpu.memory_space<vmem_shared>>
      %dma_start3A_234 = arith.constant 0 : i32
      %dma_start3A_235 = arith.constant 0 : i32
      %dma_start3A_236 = tpu.memref_slice %arg15[%dma_start3A_234, %dma_start3A_235] : memref<64x128xf32, #tpu.memory_space<vmem>> -> memref<64x128xf32, #tpu.memory_space<vmem>>
      tpu.enqueue_dma source(%dma_start3A_236 : memref<64x128xf32, #tpu.memory_space<vmem>>) target(%dma_start3A_233 : memref<64x128xf32, #tpu.memory_space<vmem_shared>>) target_semaphore(%run_scoped3A : memref<!tpu.dma_semaphore, #tpu.memory_space<semaphore_mem>>)
      %dma_wait3A_237 = arith.constant 0 : i32
      %dma_wait3A_238 = arith.constant 0 : i32
      %dma_wait3A_239 = tpu.memref_slice %arg15[%dma_wait3A_237, %dma_wait3A_238] : memref<64x128xf32, #tpu.memory_space<vmem>> -> memref<64x128xf32, #tpu.memory_space<vmem>>
      %dma_wait3A_240 = arith.constant 0 : i32
      %dma_wait3A_241 = tpu.memref_slice %arg9[%add3A_31, %dma_wait3A_240] : memref<10624x128xf32, #tpu.memory_space<vmem_shared>> -> memref<64x128xf32, #tpu.memory_space<vmem_shared>>
      %dma_wait3A_242 = arith.constant 0 : i32
      %dma_wait3A_243 = tpu.memref_slice %arg9[%add3A_31, %dma_wait3A_242] : memref<10624x128xf32, #tpu.memory_space<vmem_shared>> -> memref<64x128xf32, #tpu.memory_space<vmem_shared>>
      %dma_wait3A_244 = arith.constant 0 : i32
      %dma_wait3A_245 = arith.constant 0 : i32
      %dma_wait3A_246 = tpu.memref_slice %arg15[%dma_wait3A_244, %dma_wait3A_245] : memref<64x128xf32, #tpu.memory_space<vmem>> -> memref<64x128xf32, #tpu.memory_space<vmem>>
      tpu.wait_dma2 semaphore(%run_scoped3A : memref<!tpu.dma_semaphore, #tpu.memory_space<semaphore_mem>>) src(%dma_wait3A_246 : memref<64x128xf32, #tpu.memory_space<vmem>>) dst(%dma_wait3A_243 : memref<64x128xf32, #tpu.memory_space<vmem_shared>>)
      tpu.yield
    }) : () -> ()
    %add3A_32 = arith.constant 320 : i32
    %add3A_33 = arith.addi %mul3A_9, %add3A_32 : i32
    "tpu.region"() ({
      %run_scoped3A = tpu.sem_alloc : memref<!tpu.dma_semaphore, #tpu.memory_space<semaphore_mem>>
      %dma_start3A_227 = arith.constant 0 : i32
      %dma_start3A_228 = arith.constant 0 : i32
      %dma_start3A_229 = tpu.memref_slice %arg21[%dma_start3A_227, %dma_start3A_228] : memref<64x16xf32, #tpu.memory_space<vmem>> -> memref<64x16xf32, #tpu.memory_space<vmem>>
      %dma_start3A_230 = arith.constant 0 : i32
      %dma_start3A_231 = tpu.memref_slice %arg10[%add3A_33, %dma_start3A_230] : memref<10624x16xf32, #tpu.memory_space<vmem_shared>> -> memref<64x16xf32, #tpu.memory_space<vmem_shared>>
      %dma_start3A_232 = arith.constant 0 : i32
      %dma_start3A_233 = tpu.memref_slice %arg10[%add3A_33, %dma_start3A_232] : memref<10624x16xf32, #tpu.memory_space<vmem_shared>> -> memref<64x16xf32, #tpu.memory_space<vmem_shared>>
      %dma_start3A_234 = arith.constant 0 : i32
      %dma_start3A_235 = arith.constant 0 : i32
      %dma_start3A_236 = tpu.memref_slice %arg21[%dma_start3A_234, %dma_start3A_235] : memref<64x16xf32, #tpu.memory_space<vmem>> -> memref<64x16xf32, #tpu.memory_space<vmem>>
      tpu.enqueue_dma source(%dma_start3A_236 : memref<64x16xf32, #tpu.memory_space<vmem>>) target(%dma_start3A_233 : memref<64x16xf32, #tpu.memory_space<vmem_shared>>) target_semaphore(%run_scoped3A : memref<!tpu.dma_semaphore, #tpu.memory_space<semaphore_mem>>)
      %dma_wait3A_237 = arith.constant 0 : i32
      %dma_wait3A_238 = arith.constant 0 : i32
      %dma_wait3A_239 = tpu.memref_slice %arg21[%dma_wait3A_237, %dma_wait3A_238] : memref<64x16xf32, #tpu.memory_space<vmem>> -> memref<64x16xf32, #tpu.memory_space<vmem>>
      %dma_wait3A_240 = arith.constant 0 : i32
      %dma_wait3A_241 = tpu.memref_slice %arg10[%add3A_33, %dma_wait3A_240] : memref<10624x16xf32, #tpu.memory_space<vmem_shared>> -> memref<64x16xf32, #tpu.memory_space<vmem_shared>>
      %dma_wait3A_242 = arith.constant 0 : i32
      %dma_wait3A_243 = tpu.memref_slice %arg10[%add3A_33, %dma_wait3A_242] : memref<10624x16xf32, #tpu.memory_space<vmem_shared>> -> memref<64x16xf32, #tpu.memory_space<vmem_shared>>
      %dma_wait3A_244 = arith.constant 0 : i32
      %dma_wait3A_245 = arith.constant 0 : i32
      %dma_wait3A_246 = tpu.memref_slice %arg21[%dma_wait3A_244, %dma_wait3A_245] : memref<64x16xf32, #tpu.memory_space<vmem>> -> memref<64x16xf32, #tpu.memory_space<vmem>>
      tpu.wait_dma2 semaphore(%run_scoped3A : memref<!tpu.dma_semaphore, #tpu.memory_space<semaphore_mem>>) src(%dma_wait3A_246 : memref<64x16xf32, #tpu.memory_space<vmem>>) dst(%dma_wait3A_243 : memref<64x16xf32, #tpu.memory_space<vmem_shared>>)
      tpu.yield
    }) : () -> ()
    %add3A_34 = arith.constant 384 : i32
    %add3A_35 = arith.addi %mul3A_9, %add3A_34 : i32
    "tpu.region"() ({
      %run_scoped3A = tpu.sem_alloc : memref<!tpu.dma_semaphore, #tpu.memory_space<semaphore_mem>>
      %dma_start3A_227 = arith.constant 0 : i32
      %dma_start3A_228 = arith.constant 0 : i32
      %dma_start3A_229 = tpu.memref_slice %arg15[%dma_start3A_227, %dma_start3A_228] : memref<64x128xf32, #tpu.memory_space<vmem>> -> memref<64x128xf32, #tpu.memory_space<vmem>>
      %dma_start3A_230 = arith.constant 0 : i32
      %dma_start3A_231 = tpu.memref_slice %arg9[%add3A_35, %dma_start3A_230] : memref<10624x128xf32, #tpu.memory_space<vmem_shared>> -> memref<64x128xf32, #tpu.memory_space<vmem_shared>>
      %dma_start3A_232 = arith.constant 0 : i32
      %dma_start3A_233 = tpu.memref_slice %arg9[%add3A_35, %dma_start3A_232] : memref<10624x128xf32, #tpu.memory_space<vmem_shared>> -> memref<64x128xf32, #tpu.memory_space<vmem_shared>>
      %dma_start3A_234 = arith.constant 0 : i32
      %dma_start3A_235 = arith.constant 0 : i32
      %dma_start3A_236 = tpu.memref_slice %arg15[%dma_start3A_234, %dma_start3A_235] : memref<64x128xf32, #tpu.memory_space<vmem>> -> memref<64x128xf32, #tpu.memory_space<vmem>>
      tpu.enqueue_dma source(%dma_start3A_236 : memref<64x128xf32, #tpu.memory_space<vmem>>) target(%dma_start3A_233 : memref<64x128xf32, #tpu.memory_space<vmem_shared>>) target_semaphore(%run_scoped3A : memref<!tpu.dma_semaphore, #tpu.memory_space<semaphore_mem>>)
      %dma_wait3A_237 = arith.constant 0 : i32
      %dma_wait3A_238 = arith.constant 0 : i32
      %dma_wait3A_239 = tpu.memref_slice %arg15[%dma_wait3A_237, %dma_wait3A_238] : memref<64x128xf32, #tpu.memory_space<vmem>> -> memref<64x128xf32, #tpu.memory_space<vmem>>
      %dma_wait3A_240 = arith.constant 0 : i32
      %dma_wait3A_241 = tpu.memref_slice %arg9[%add3A_35, %dma_wait3A_240] : memref<10624x128xf32, #tpu.memory_space<vmem_shared>> -> memref<64x128xf32, #tpu.memory_space<vmem_shared>>
      %dma_wait3A_242 = arith.constant 0 : i32
      %dma_wait3A_243 = tpu.memref_slice %arg9[%add3A_35, %dma_wait3A_242] : memref<10624x128xf32, #tpu.memory_space<vmem_shared>> -> memref<64x128xf32, #tpu.memory_space<vmem_shared>>
      %dma_wait3A_244 = arith.constant 0 : i32
      %dma_wait3A_245 = arith.constant 0 : i32
      %dma_wait3A_246 = tpu.memref_slice %arg15[%dma_wait3A_244, %dma_wait3A_245] : memref<64x128xf32, #tpu.memory_space<vmem>> -> memref<64x128xf32, #tpu.memory_space<vmem>>
      tpu.wait_dma2 semaphore(%run_scoped3A : memref<!tpu.dma_semaphore, #tpu.memory_space<semaphore_mem>>) src(%dma_wait3A_246 : memref<64x128xf32, #tpu.memory_space<vmem>>) dst(%dma_wait3A_243 : memref<64x128xf32, #tpu.memory_space<vmem_shared>>)
      tpu.yield
    }) : () -> ()
    %add3A_36 = arith.constant 384 : i32
    %add3A_37 = arith.addi %mul3A_9, %add3A_36 : i32
    "tpu.region"() ({
      %run_scoped3A = tpu.sem_alloc : memref<!tpu.dma_semaphore, #tpu.memory_space<semaphore_mem>>
      %dma_start3A_227 = arith.constant 0 : i32
      %dma_start3A_228 = arith.constant 0 : i32
      %dma_start3A_229 = tpu.memref_slice %arg21[%dma_start3A_227, %dma_start3A_228] : memref<64x16xf32, #tpu.memory_space<vmem>> -> memref<64x16xf32, #tpu.memory_space<vmem>>
      %dma_start3A_230 = arith.constant 0 : i32
      %dma_start3A_231 = tpu.memref_slice %arg10[%add3A_37, %dma_start3A_230] : memref<10624x16xf32, #tpu.memory_space<vmem_shared>> -> memref<64x16xf32, #tpu.memory_space<vmem_shared>>
      %dma_start3A_232 = arith.constant 0 : i32
      %dma_start3A_233 = tpu.memref_slice %arg10[%add3A_37, %dma_start3A_232] : memref<10624x16xf32, #tpu.memory_space<vmem_shared>> -> memref<64x16xf32, #tpu.memory_space<vmem_shared>>
      %dma_start3A_234 = arith.constant 0 : i32
      %dma_start3A_235 = arith.constant 0 : i32
      %dma_start3A_236 = tpu.memref_slice %arg21[%dma_start3A_234, %dma_start3A_235] : memref<64x16xf32, #tpu.memory_space<vmem>> -> memref<64x16xf32, #tpu.memory_space<vmem>>
      tpu.enqueue_dma source(%dma_start3A_236 : memref<64x16xf32, #tpu.memory_space<vmem>>) target(%dma_start3A_233 : memref<64x16xf32, #tpu.memory_space<vmem_shared>>) target_semaphore(%run_scoped3A : memref<!tpu.dma_semaphore, #tpu.memory_space<semaphore_mem>>)
      %dma_wait3A_237 = arith.constant 0 : i32
      %dma_wait3A_238 = arith.constant 0 : i32
      %dma_wait3A_239 = tpu.memref_slice %arg21[%dma_wait3A_237, %dma_wait3A_238] : memref<64x16xf32, #tpu.memory_space<vmem>> -> memref<64x16xf32, #tpu.memory_space<vmem>>
      %dma_wait3A_240 = arith.constant 0 : i32
      %dma_wait3A_241 = tpu.memref_slice %arg10[%add3A_37, %dma_wait3A_240] : memref<10624x16xf32, #tpu.memory_space<vmem_shared>> -> memref<64x16xf32, #tpu.memory_space<vmem_shared>>
      %dma_wait3A_242 = arith.constant 0 : i32
      %dma_wait3A_243 = tpu.memref_slice %arg10[%add3A_37, %dma_wait3A_242] : memref<10624x16xf32, #tpu.memory_space<vmem_shared>> -> memref<64x16xf32, #tpu.memory_space<vmem_shared>>
      %dma_wait3A_244 = arith.constant 0 : i32
      %dma_wait3A_245 = arith.constant 0 : i32
      %dma_wait3A_246 = tpu.memref_slice %arg21[%dma_wait3A_244, %dma_wait3A_245] : memref<64x16xf32, #tpu.memory_space<vmem>> -> memref<64x16xf32, #tpu.memory_space<vmem>>
      tpu.wait_dma2 semaphore(%run_scoped3A : memref<!tpu.dma_semaphore, #tpu.memory_space<semaphore_mem>>) src(%dma_wait3A_246 : memref<64x16xf32, #tpu.memory_space<vmem>>) dst(%dma_wait3A_243 : memref<64x16xf32, #tpu.memory_space<vmem_shared>>)
      tpu.yield
    }) : () -> ()
    %add3A_38 = arith.constant 448 : i32
    %add3A_39 = arith.addi %mul3A_9, %add3A_38 : i32
    "tpu.region"() ({
      %run_scoped3A = tpu.sem_alloc : memref<!tpu.dma_semaphore, #tpu.memory_space<semaphore_mem>>
      %dma_start3A_227 = arith.constant 0 : i32
      %dma_start3A_228 = arith.constant 0 : i32
      %dma_start3A_229 = tpu.memref_slice %arg15[%dma_start3A_227, %dma_start3A_228] : memref<64x128xf32, #tpu.memory_space<vmem>> -> memref<64x128xf32, #tpu.memory_space<vmem>>
      %dma_start3A_230 = arith.constant 0 : i32
      %dma_start3A_231 = tpu.memref_slice %arg9[%add3A_39, %dma_start3A_230] : memref<10624x128xf32, #tpu.memory_space<vmem_shared>> -> memref<64x128xf32, #tpu.memory_space<vmem_shared>>
      %dma_start3A_232 = arith.constant 0 : i32
      %dma_start3A_233 = tpu.memref_slice %arg9[%add3A_39, %dma_start3A_232] : memref<10624x128xf32, #tpu.memory_space<vmem_shared>> -> memref<64x128xf32, #tpu.memory_space<vmem_shared>>
      %dma_start3A_234 = arith.constant 0 : i32
      %dma_start3A_235 = arith.constant 0 : i32
      %dma_start3A_236 = tpu.memref_slice %arg15[%dma_start3A_234, %dma_start3A_235] : memref<64x128xf32, #tpu.memory_space<vmem>> -> memref<64x128xf32, #tpu.memory_space<vmem>>
      tpu.enqueue_dma source(%dma_start3A_236 : memref<64x128xf32, #tpu.memory_space<vmem>>) target(%dma_start3A_233 : memref<64x128xf32, #tpu.memory_space<vmem_shared>>) target_semaphore(%run_scoped3A : memref<!tpu.dma_semaphore, #tpu.memory_space<semaphore_mem>>)
      %dma_wait3A_237 = arith.constant 0 : i32
      %dma_wait3A_238 = arith.constant 0 : i32
      %dma_wait3A_239 = tpu.memref_slice %arg15[%dma_wait3A_237, %dma_wait3A_238] : memref<64x128xf32, #tpu.memory_space<vmem>> -> memref<64x128xf32, #tpu.memory_space<vmem>>
      %dma_wait3A_240 = arith.constant 0 : i32
      %dma_wait3A_241 = tpu.memref_slice %arg9[%add3A_39, %dma_wait3A_240] : memref<10624x128xf32, #tpu.memory_space<vmem_shared>> -> memref<64x128xf32, #tpu.memory_space<vmem_shared>>
      %dma_wait3A_242 = arith.constant 0 : i32
      %dma_wait3A_243 = tpu.memref_slice %arg9[%add3A_39, %dma_wait3A_242] : memref<10624x128xf32, #tpu.memory_space<vmem_shared>> -> memref<64x128xf32, #tpu.memory_space<vmem_shared>>
      %dma_wait3A_244 = arith.constant 0 : i32
      %dma_wait3A_245 = arith.constant 0 : i32
      %dma_wait3A_246 = tpu.memref_slice %arg15[%dma_wait3A_244, %dma_wait3A_245] : memref<64x128xf32, #tpu.memory_space<vmem>> -> memref<64x128xf32, #tpu.memory_space<vmem>>
      tpu.wait_dma2 semaphore(%run_scoped3A : memref<!tpu.dma_semaphore, #tpu.memory_space<semaphore_mem>>) src(%dma_wait3A_246 : memref<64x128xf32, #tpu.memory_space<vmem>>) dst(%dma_wait3A_243 : memref<64x128xf32, #tpu.memory_space<vmem_shared>>)
      tpu.yield
    }) : () -> ()
    %add3A_40 = arith.constant 448 : i32
    %add3A_41 = arith.addi %mul3A_9, %add3A_40 : i32
    "tpu.region"() ({
      %run_scoped3A = tpu.sem_alloc : memref<!tpu.dma_semaphore, #tpu.memory_space<semaphore_mem>>
      %dma_start3A_227 = arith.constant 0 : i32
      %dma_start3A_228 = arith.constant 0 : i32
      %dma_start3A_229 = tpu.memref_slice %arg21[%dma_start3A_227, %dma_start3A_228] : memref<64x16xf32, #tpu.memory_space<vmem>> -> memref<64x16xf32, #tpu.memory_space<vmem>>
      %dma_start3A_230 = arith.constant 0 : i32
      %dma_start3A_231 = tpu.memref_slice %arg10[%add3A_41, %dma_start3A_230] : memref<10624x16xf32, #tpu.memory_space<vmem_shared>> -> memref<64x16xf32, #tpu.memory_space<vmem_shared>>
      %dma_start3A_232 = arith.constant 0 : i32
      %dma_start3A_233 = tpu.memref_slice %arg10[%add3A_41, %dma_start3A_232] : memref<10624x16xf32, #tpu.memory_space<vmem_shared>> -> memref<64x16xf32, #tpu.memory_space<vmem_shared>>
      %dma_start3A_234 = arith.constant 0 : i32
      %dma_start3A_235 = arith.constant 0 : i32
      %dma_start3A_236 = tpu.memref_slice %arg21[%dma_start3A_234, %dma_start3A_235] : memref<64x16xf32, #tpu.memory_space<vmem>> -> memref<64x16xf32, #tpu.memory_space<vmem>>
      tpu.enqueue_dma source(%dma_start3A_236 : memref<64x16xf32, #tpu.memory_space<vmem>>) target(%dma_start3A_233 : memref<64x16xf32, #tpu.memory_space<vmem_shared>>) target_semaphore(%run_scoped3A : memref<!tpu.dma_semaphore, #tpu.memory_space<semaphore_mem>>)
      %dma_wait3A_237 = arith.constant 0 : i32
      %dma_wait3A_238 = arith.constant 0 : i32
      %dma_wait3A_239 = tpu.memref_slice %arg21[%dma_wait3A_237, %dma_wait3A_238] : memref<64x16xf32, #tpu.memory_space<vmem>> -> memref<64x16xf32, #tpu.memory_space<vmem>>
      %dma_wait3A_240 = arith.constant 0 : i32
      %dma_wait3A_241 = tpu.memref_slice %arg10[%add3A_41, %dma_wait3A_240] : memref<10624x16xf32, #tpu.memory_space<vmem_shared>> -> memref<64x16xf32, #tpu.memory_space<vmem_shared>>
      %dma_wait3A_242 = arith.constant 0 : i32
      %dma_wait3A_243 = tpu.memref_slice %arg10[%add3A_41, %dma_wait3A_242] : memref<10624x16xf32, #tpu.memory_space<vmem_shared>> -> memref<64x16xf32, #tpu.memory_space<vmem_shared>>
      %dma_wait3A_244 = arith.constant 0 : i32
      %dma_wait3A_245 = arith.constant 0 : i32
      %dma_wait3A_246 = tpu.memref_slice %arg21[%dma_wait3A_244, %dma_wait3A_245] : memref<64x16xf32, #tpu.memory_space<vmem>> -> memref<64x16xf32, #tpu.memory_space<vmem>>
      tpu.wait_dma2 semaphore(%run_scoped3A : memref<!tpu.dma_semaphore, #tpu.memory_space<semaphore_mem>>) src(%dma_wait3A_246 : memref<64x16xf32, #tpu.memory_space<vmem>>) dst(%dma_wait3A_243 : memref<64x16xf32, #tpu.memory_space<vmem_shared>>)
      tpu.yield
    }) : () -> ()
    %add3A_42 = arith.constant 512 : i32
    %add3A_43 = arith.addi %mul3A_9, %add3A_42 : i32
    "tpu.region"() ({
      %run_scoped3A = tpu.sem_alloc : memref<!tpu.dma_semaphore, #tpu.memory_space<semaphore_mem>>
      %dma_start3A_227 = arith.constant 0 : i32
      %dma_start3A_228 = arith.constant 0 : i32
      %dma_start3A_229 = tpu.memref_slice %arg15[%dma_start3A_227, %dma_start3A_228] : memref<64x128xf32, #tpu.memory_space<vmem>> -> memref<64x128xf32, #tpu.memory_space<vmem>>
      %dma_start3A_230 = arith.constant 0 : i32
      %dma_start3A_231 = tpu.memref_slice %arg9[%add3A_43, %dma_start3A_230] : memref<10624x128xf32, #tpu.memory_space<vmem_shared>> -> memref<64x128xf32, #tpu.memory_space<vmem_shared>>
      %dma_start3A_232 = arith.constant 0 : i32
      %dma_start3A_233 = tpu.memref_slice %arg9[%add3A_43, %dma_start3A_232] : memref<10624x128xf32, #tpu.memory_space<vmem_shared>> -> memref<64x128xf32, #tpu.memory_space<vmem_shared>>
      %dma_start3A_234 = arith.constant 0 : i32
      %dma_start3A_235 = arith.constant 0 : i32
      %dma_start3A_236 = tpu.memref_slice %arg15[%dma_start3A_234, %dma_start3A_235] : memref<64x128xf32, #tpu.memory_space<vmem>> -> memref<64x128xf32, #tpu.memory_space<vmem>>
      tpu.enqueue_dma source(%dma_start3A_236 : memref<64x128xf32, #tpu.memory_space<vmem>>) target(%dma_start3A_233 : memref<64x128xf32, #tpu.memory_space<vmem_shared>>) target_semaphore(%run_scoped3A : memref<!tpu.dma_semaphore, #tpu.memory_space<semaphore_mem>>)
      %dma_wait3A_237 = arith.constant 0 : i32
      %dma_wait3A_238 = arith.constant 0 : i32
      %dma_wait3A_239 = tpu.memref_slice %arg15[%dma_wait3A_237, %dma_wait3A_238] : memref<64x128xf32, #tpu.memory_space<vmem>> -> memref<64x128xf32, #tpu.memory_space<vmem>>
      %dma_wait3A_240 = arith.constant 0 : i32
      %dma_wait3A_241 = tpu.memref_slice %arg9[%add3A_43, %dma_wait3A_240] : memref<10624x128xf32, #tpu.memory_space<vmem_shared>> -> memref<64x128xf32, #tpu.memory_space<vmem_shared>>
      %dma_wait3A_242 = arith.constant 0 : i32
      %dma_wait3A_243 = tpu.memref_slice %arg9[%add3A_43, %dma_wait3A_242] : memref<10624x128xf32, #tpu.memory_space<vmem_shared>> -> memref<64x128xf32, #tpu.memory_space<vmem_shared>>
      %dma_wait3A_244 = arith.constant 0 : i32
      %dma_wait3A_245 = arith.constant 0 : i32
      %dma_wait3A_246 = tpu.memref_slice %arg15[%dma_wait3A_244, %dma_wait3A_245] : memref<64x128xf32, #tpu.memory_space<vmem>> -> memref<64x128xf32, #tpu.memory_space<vmem>>
      tpu.wait_dma2 semaphore(%run_scoped3A : memref<!tpu.dma_semaphore, #tpu.memory_space<semaphore_mem>>) src(%dma_wait3A_246 : memref<64x128xf32, #tpu.memory_space<vmem>>) dst(%dma_wait3A_243 : memref<64x128xf32, #tpu.memory_space<vmem_shared>>)
      tpu.yield
    }) : () -> ()
    %add3A_44 = arith.constant 512 : i32
    %add3A_45 = arith.addi %mul3A_9, %add3A_44 : i32
    "tpu.region"() ({
      %run_scoped3A = tpu.sem_alloc : memref<!tpu.dma_semaphore, #tpu.memory_space<semaphore_mem>>
      %dma_start3A_227 = arith.constant 0 : i32
      %dma_start3A_228 = arith.constant 0 : i32
      %dma_start3A_229 = tpu.memref_slice %arg21[%dma_start3A_227, %dma_start3A_228] : memref<64x16xf32, #tpu.memory_space<vmem>> -> memref<64x16xf32, #tpu.memory_space<vmem>>
      %dma_start3A_230 = arith.constant 0 : i32
      %dma_start3A_231 = tpu.memref_slice %arg10[%add3A_45, %dma_start3A_230] : memref<10624x16xf32, #tpu.memory_space<vmem_shared>> -> memref<64x16xf32, #tpu.memory_space<vmem_shared>>
      %dma_start3A_232 = arith.constant 0 : i32
      %dma_start3A_233 = tpu.memref_slice %arg10[%add3A_45, %dma_start3A_232] : memref<10624x16xf32, #tpu.memory_space<vmem_shared>> -> memref<64x16xf32, #tpu.memory_space<vmem_shared>>
      %dma_start3A_234 = arith.constant 0 : i32
      %dma_start3A_235 = arith.constant 0 : i32
      %dma_start3A_236 = tpu.memref_slice %arg21[%dma_start3A_234, %dma_start3A_235] : memref<64x16xf32, #tpu.memory_space<vmem>> -> memref<64x16xf32, #tpu.memory_space<vmem>>
      tpu.enqueue_dma source(%dma_start3A_236 : memref<64x16xf32, #tpu.memory_space<vmem>>) target(%dma_start3A_233 : memref<64x16xf32, #tpu.memory_space<vmem_shared>>) target_semaphore(%run_scoped3A : memref<!tpu.dma_semaphore, #tpu.memory_space<semaphore_mem>>)
      %dma_wait3A_237 = arith.constant 0 : i32
      %dma_wait3A_238 = arith.constant 0 : i32
      %dma_wait3A_239 = tpu.memref_slice %arg21[%dma_wait3A_237, %dma_wait3A_238] : memref<64x16xf32, #tpu.memory_space<vmem>> -> memref<64x16xf32, #tpu.memory_space<vmem>>
      %dma_wait3A_240 = arith.constant 0 : i32
      %dma_wait3A_241 = tpu.memref_slice %arg10[%add3A_45, %dma_wait3A_240] : memref<10624x16xf32, #tpu.memory_space<vmem_shared>> -> memref<64x16xf32, #tpu.memory_space<vmem_shared>>
      %dma_wait3A_242 = arith.constant 0 : i32
      %dma_wait3A_243 = tpu.memref_slice %arg10[%add3A_45, %dma_wait3A_242] : memref<10624x16xf32, #tpu.memory_space<vmem_shared>> -> memref<64x16xf32, #tpu.memory_space<vmem_shared>>
      %dma_wait3A_244 = arith.constant 0 : i32
      %dma_wait3A_245 = arith.constant 0 : i32
      %dma_wait3A_246 = tpu.memref_slice %arg21[%dma_wait3A_244, %dma_wait3A_245] : memref<64x16xf32, #tpu.memory_space<vmem>> -> memref<64x16xf32, #tpu.memory_space<vmem>>
      tpu.wait_dma2 semaphore(%run_scoped3A : memref<!tpu.dma_semaphore, #tpu.memory_space<semaphore_mem>>) src(%dma_wait3A_246 : memref<64x16xf32, #tpu.memory_space<vmem>>) dst(%dma_wait3A_243 : memref<64x16xf32, #tpu.memory_space<vmem_shared>>)
      tpu.yield
    }) : () -> ()
    %add3A_46 = arith.constant 576 : i32
    %add3A_47 = arith.addi %mul3A_9, %add3A_46 : i32
    "tpu.region"() ({
      %run_scoped3A = tpu.sem_alloc : memref<!tpu.dma_semaphore, #tpu.memory_space<semaphore_mem>>
      %dma_start3A_227 = arith.constant 0 : i32
      %dma_start3A_228 = arith.constant 0 : i32
      %dma_start3A_229 = tpu.memref_slice %arg15[%dma_start3A_227, %dma_start3A_228] : memref<64x128xf32, #tpu.memory_space<vmem>> -> memref<64x128xf32, #tpu.memory_space<vmem>>
      %dma_start3A_230 = arith.constant 0 : i32
      %dma_start3A_231 = tpu.memref_slice %arg9[%add3A_47, %dma_start3A_230] : memref<10624x128xf32, #tpu.memory_space<vmem_shared>> -> memref<64x128xf32, #tpu.memory_space<vmem_shared>>
      %dma_start3A_232 = arith.constant 0 : i32
      %dma_start3A_233 = tpu.memref_slice %arg9[%add3A_47, %dma_start3A_232] : memref<10624x128xf32, #tpu.memory_space<vmem_shared>> -> memref<64x128xf32, #tpu.memory_space<vmem_shared>>
      %dma_start3A_234 = arith.constant 0 : i32
      %dma_start3A_235 = arith.constant 0 : i32
      %dma_start3A_236 = tpu.memref_slice %arg15[%dma_start3A_234, %dma_start3A_235] : memref<64x128xf32, #tpu.memory_space<vmem>> -> memref<64x128xf32, #tpu.memory_space<vmem>>
      tpu.enqueue_dma source(%dma_start3A_236 : memref<64x128xf32, #tpu.memory_space<vmem>>) target(%dma_start3A_233 : memref<64x128xf32, #tpu.memory_space<vmem_shared>>) target_semaphore(%run_scoped3A : memref<!tpu.dma_semaphore, #tpu.memory_space<semaphore_mem>>)
      %dma_wait3A_237 = arith.constant 0 : i32
      %dma_wait3A_238 = arith.constant 0 : i32
      %dma_wait3A_239 = tpu.memref_slice %arg15[%dma_wait3A_237, %dma_wait3A_238] : memref<64x128xf32, #tpu.memory_space<vmem>> -> memref<64x128xf32, #tpu.memory_space<vmem>>
      %dma_wait3A_240 = arith.constant 0 : i32
      %dma_wait3A_241 = tpu.memref_slice %arg9[%add3A_47, %dma_wait3A_240] : memref<10624x128xf32, #tpu.memory_space<vmem_shared>> -> memref<64x128xf32, #tpu.memory_space<vmem_shared>>
      %dma_wait3A_242 = arith.constant 0 : i32
      %dma_wait3A_243 = tpu.memref_slice %arg9[%add3A_47, %dma_wait3A_242] : memref<10624x128xf32, #tpu.memory_space<vmem_shared>> -> memref<64x128xf32, #tpu.memory_space<vmem_shared>>
      %dma_wait3A_244 = arith.constant 0 : i32
      %dma_wait3A_245 = arith.constant 0 : i32
      %dma_wait3A_246 = tpu.memref_slice %arg15[%dma_wait3A_244, %dma_wait3A_245] : memref<64x128xf32, #tpu.memory_space<vmem>> -> memref<64x128xf32, #tpu.memory_space<vmem>>
      tpu.wait_dma2 semaphore(%run_scoped3A : memref<!tpu.dma_semaphore, #tpu.memory_space<semaphore_mem>>) src(%dma_wait3A_246 : memref<64x128xf32, #tpu.memory_space<vmem>>) dst(%dma_wait3A_243 : memref<64x128xf32, #tpu.memory_space<vmem_shared>>)
      tpu.yield
    }) : () -> ()
    %add3A_48 = arith.constant 576 : i32
    %add3A_49 = arith.addi %mul3A_9, %add3A_48 : i32
    "tpu.region"() ({
      %run_scoped3A = tpu.sem_alloc : memref<!tpu.dma_semaphore, #tpu.memory_space<semaphore_mem>>
      %dma_start3A_227 = arith.constant 0 : i32
      %dma_start3A_228 = arith.constant 0 : i32
      %dma_start3A_229 = tpu.memref_slice %arg21[%dma_start3A_227, %dma_start3A_228] : memref<64x16xf32, #tpu.memory_space<vmem>> -> memref<64x16xf32, #tpu.memory_space<vmem>>
      %dma_start3A_230 = arith.constant 0 : i32
      %dma_start3A_231 = tpu.memref_slice %arg10[%add3A_49, %dma_start3A_230] : memref<10624x16xf32, #tpu.memory_space<vmem_shared>> -> memref<64x16xf32, #tpu.memory_space<vmem_shared>>
      %dma_start3A_232 = arith.constant 0 : i32
      %dma_start3A_233 = tpu.memref_slice %arg10[%add3A_49, %dma_start3A_232] : memref<10624x16xf32, #tpu.memory_space<vmem_shared>> -> memref<64x16xf32, #tpu.memory_space<vmem_shared>>
      %dma_start3A_234 = arith.constant 0 : i32
      %dma_start3A_235 = arith.constant 0 : i32
      %dma_start3A_236 = tpu.memref_slice %arg21[%dma_start3A_234, %dma_start3A_235] : memref<64x16xf32, #tpu.memory_space<vmem>> -> memref<64x16xf32, #tpu.memory_space<vmem>>
      tpu.enqueue_dma source(%dma_start3A_236 : memref<64x16xf32, #tpu.memory_space<vmem>>) target(%dma_start3A_233 : memref<64x16xf32, #tpu.memory_space<vmem_shared>>) target_semaphore(%run_scoped3A : memref<!tpu.dma_semaphore, #tpu.memory_space<semaphore_mem>>)
      %dma_wait3A_237 = arith.constant 0 : i32
      %dma_wait3A_238 = arith.constant 0 : i32
      %dma_wait3A_239 = tpu.memref_slice %arg21[%dma_wait3A_237, %dma_wait3A_238] : memref<64x16xf32, #tpu.memory_space<vmem>> -> memref<64x16xf32, #tpu.memory_space<vmem>>
      %dma_wait3A_240 = arith.constant 0 : i32
      %dma_wait3A_241 = tpu.memref_slice %arg10[%add3A_49, %dma_wait3A_240] : memref<10624x16xf32, #tpu.memory_space<vmem_shared>> -> memref<64x16xf32, #tpu.memory_space<vmem_shared>>
      %dma_wait3A_242 = arith.constant 0 : i32
      %dma_wait3A_243 = tpu.memref_slice %arg10[%add3A_49, %dma_wait3A_242] : memref<10624x16xf32, #tpu.memory_space<vmem_shared>> -> memref<64x16xf32, #tpu.memory_space<vmem_shared>>
      %dma_wait3A_244 = arith.constant 0 : i32
      %dma_wait3A_245 = arith.constant 0 : i32
      %dma_wait3A_246 = tpu.memref_slice %arg21[%dma_wait3A_244, %dma_wait3A_245] : memref<64x16xf32, #tpu.memory_space<vmem>> -> memref<64x16xf32, #tpu.memory_space<vmem>>
      tpu.wait_dma2 semaphore(%run_scoped3A : memref<!tpu.dma_semaphore, #tpu.memory_space<semaphore_mem>>) src(%dma_wait3A_246 : memref<64x16xf32, #tpu.memory_space<vmem>>) dst(%dma_wait3A_243 : memref<64x16xf32, #tpu.memory_space<vmem_shared>>)
      tpu.yield
    }) : () -> ()
    %add3A_50 = arith.constant 640 : i32
    %add3A_51 = arith.addi %mul3A_9, %add3A_50 : i32
    "tpu.region"() ({
      %run_scoped3A = tpu.sem_alloc : memref<!tpu.dma_semaphore, #tpu.memory_space<semaphore_mem>>
      %dma_start3A_227 = arith.constant 0 : i32
      %dma_start3A_228 = arith.constant 0 : i32
      %dma_start3A_229 = tpu.memref_slice %arg15[%dma_start3A_227, %dma_start3A_228] : memref<64x128xf32, #tpu.memory_space<vmem>> -> memref<24x128xf32, #tpu.memory_space<vmem>>
      %dma_start3A_230 = arith.constant 0 : i32
      %dma_start3A_231 = tpu.memref_slice %arg9[%add3A_51, %dma_start3A_230] : memref<10624x128xf32, #tpu.memory_space<vmem_shared>> -> memref<24x128xf32, #tpu.memory_space<vmem_shared>>
      %dma_start3A_232 = arith.constant 0 : i32
      %dma_start3A_233 = tpu.memref_slice %arg9[%add3A_51, %dma_start3A_232] : memref<10624x128xf32, #tpu.memory_space<vmem_shared>> -> memref<24x128xf32, #tpu.memory_space<vmem_shared>>
      %dma_start3A_234 = arith.constant 0 : i32
      %dma_start3A_235 = arith.constant 0 : i32
      %dma_start3A_236 = tpu.memref_slice %arg15[%dma_start3A_234, %dma_start3A_235] : memref<64x128xf32, #tpu.memory_space<vmem>> -> memref<24x128xf32, #tpu.memory_space<vmem>>
      tpu.enqueue_dma source(%dma_start3A_236 : memref<24x128xf32, #tpu.memory_space<vmem>>) target(%dma_start3A_233 : memref<24x128xf32, #tpu.memory_space<vmem_shared>>) target_semaphore(%run_scoped3A : memref<!tpu.dma_semaphore, #tpu.memory_space<semaphore_mem>>)
      %dma_wait3A_237 = arith.constant 0 : i32
      %dma_wait3A_238 = arith.constant 0 : i32
      %dma_wait3A_239 = tpu.memref_slice %arg15[%dma_wait3A_237, %dma_wait3A_238] : memref<64x128xf32, #tpu.memory_space<vmem>> -> memref<24x128xf32, #tpu.memory_space<vmem>>
      %dma_wait3A_240 = arith.constant 0 : i32
      %dma_wait3A_241 = tpu.memref_slice %arg9[%add3A_51, %dma_wait3A_240] : memref<10624x128xf32, #tpu.memory_space<vmem_shared>> -> memref<24x128xf32, #tpu.memory_space<vmem_shared>>
      %dma_wait3A_242 = arith.constant 0 : i32
      %dma_wait3A_243 = tpu.memref_slice %arg9[%add3A_51, %dma_wait3A_242] : memref<10624x128xf32, #tpu.memory_space<vmem_shared>> -> memref<24x128xf32, #tpu.memory_space<vmem_shared>>
      %dma_wait3A_244 = arith.constant 0 : i32
      %dma_wait3A_245 = arith.constant 0 : i32
      %dma_wait3A_246 = tpu.memref_slice %arg15[%dma_wait3A_244, %dma_wait3A_245] : memref<64x128xf32, #tpu.memory_space<vmem>> -> memref<24x128xf32, #tpu.memory_space<vmem>>
      tpu.wait_dma2 semaphore(%run_scoped3A : memref<!tpu.dma_semaphore, #tpu.memory_space<semaphore_mem>>) src(%dma_wait3A_246 : memref<24x128xf32, #tpu.memory_space<vmem>>) dst(%dma_wait3A_243 : memref<24x128xf32, #tpu.memory_space<vmem_shared>>)
      tpu.yield
    }) : () -> ()
    %add3A_52 = arith.constant 640 : i32
    %add3A_53 = arith.addi %mul3A_9, %add3A_52 : i32
    "tpu.region"() ({
      %run_scoped3A = tpu.sem_alloc : memref<!tpu.dma_semaphore, #tpu.memory_space<semaphore_mem>>
      %dma_start3A_227 = arith.constant 0 : i32
      %dma_start3A_228 = arith.constant 0 : i32
      %dma_start3A_229 = tpu.memref_slice %arg21[%dma_start3A_227, %dma_start3A_228] : memref<64x16xf32, #tpu.memory_space<vmem>> -> memref<24x16xf32, #tpu.memory_space<vmem>>
      %dma_start3A_230 = arith.constant 0 : i32
      %dma_start3A_231 = tpu.memref_slice %arg10[%add3A_53, %dma_start3A_230] : memref<10624x16xf32, #tpu.memory_space<vmem_shared>> -> memref<24x16xf32, #tpu.memory_space<vmem_shared>>
      %dma_start3A_232 = arith.constant 0 : i32
      %dma_start3A_233 = tpu.memref_slice %arg10[%add3A_53, %dma_start3A_232] : memref<10624x16xf32, #tpu.memory_space<vmem_shared>> -> memref<24x16xf32, #tpu.memory_space<vmem_shared>>
      %dma_start3A_234 = arith.constant 0 : i32
      %dma_start3A_235 = arith.constant 0 : i32
      %dma_start3A_236 = tpu.memref_slice %arg21[%dma_start3A_234, %dma_start3A_235] : memref<64x16xf32, #tpu.memory_space<vmem>> -> memref<24x16xf32, #tpu.memory_space<vmem>>
      tpu.enqueue_dma source(%dma_start3A_236 : memref<24x16xf32, #tpu.memory_space<vmem>>) target(%dma_start3A_233 : memref<24x16xf32, #tpu.memory_space<vmem_shared>>) target_semaphore(%run_scoped3A : memref<!tpu.dma_semaphore, #tpu.memory_space<semaphore_mem>>)
      %dma_wait3A_237 = arith.constant 0 : i32
      %dma_wait3A_238 = arith.constant 0 : i32
      %dma_wait3A_239 = tpu.memref_slice %arg21[%dma_wait3A_237, %dma_wait3A_238] : memref<64x16xf32, #tpu.memory_space<vmem>> -> memref<24x16xf32, #tpu.memory_space<vmem>>
      %dma_wait3A_240 = arith.constant 0 : i32
      %dma_wait3A_241 = tpu.memref_slice %arg10[%add3A_53, %dma_wait3A_240] : memref<10624x16xf32, #tpu.memory_space<vmem_shared>> -> memref<24x16xf32, #tpu.memory_space<vmem_shared>>
      %dma_wait3A_242 = arith.constant 0 : i32
      %dma_wait3A_243 = tpu.memref_slice %arg10[%add3A_53, %dma_wait3A_242] : memref<10624x16xf32, #tpu.memory_space<vmem_shared>> -> memref<24x16xf32, #tpu.memory_space<vmem_shared>>
      %dma_wait3A_244 = arith.constant 0 : i32
      %dma_wait3A_245 = arith.constant 0 : i32
      %dma_wait3A_246 = tpu.memref_slice %arg21[%dma_wait3A_244, %dma_wait3A_245] : memref<64x16xf32, #tpu.memory_space<vmem>> -> memref<24x16xf32, #tpu.memory_space<vmem>>
      tpu.wait_dma2 semaphore(%run_scoped3A : memref<!tpu.dma_semaphore, #tpu.memory_space<semaphore_mem>>) src(%dma_wait3A_246 : memref<24x16xf32, #tpu.memory_space<vmem>>) dst(%dma_wait3A_243 : memref<24x16xf32, #tpu.memory_space<vmem_shared>>)
      tpu.yield
    }) : () -> ()
    %barrier3A = arith.constant 0 : index
    tpu.barrier barrier_id(%barrier3A)
    %mul3A_54 = arith.constant 158 : i32
    %mul3A_55 = arith.muli %add3A, %mul3A_54 : i32
    %add3A_56 = arith.constant 0 : i32
    %add3A_57 = arith.addi %mul3A_55, %add3A_56 : i32
    "tpu.region"() ({
      %run_scoped3A = tpu.sem_alloc : memref<!tpu.dma_semaphore, #tpu.memory_space<semaphore_mem>>
      %dma_start3A_227 = arith.constant 0 : i32
      %dma_start3A_228 = tpu.memref_slice %arg2[%add3A_57, %dma_start3A_227] : memref<5056x64xi32, #tpu.memory_space<hbm>> -> memref<1x64xi32, #tpu.memory_space<hbm>>
      %dma_start3A_229 = arith.constant 0 : i32
      %dma_start3A_230 = tpu.memref_slice %arg2[%add3A_57, %dma_start3A_229] : memref<5056x64xi32, #tpu.memory_space<hbm>> -> memref<1x64xi32, #tpu.memory_space<hbm>>
      tpu.enqueue_dma source(%dma_start3A_230 : memref<1x64xi32, #tpu.memory_space<hbm>>) target(%arg11 : memref<1x64xi32, #tpu.memory_space<vmem>>) target_semaphore(%run_scoped3A : memref<!tpu.dma_semaphore, #tpu.memory_space<semaphore_mem>>)
      %dma_wait3A_231 = arith.constant 0 : i32
      %dma_wait3A_232 = tpu.memref_slice %arg2[%add3A_57, %dma_wait3A_231] : memref<5056x64xi32, #tpu.memory_space<hbm>> -> memref<1x64xi32, #tpu.memory_space<hbm>>
      %dma_wait3A_233 = arith.constant 0 : i32
      %dma_wait3A_234 = tpu.memref_slice %arg2[%add3A_57, %dma_wait3A_233] : memref<5056x64xi32, #tpu.memory_space<hbm>> -> memref<1x64xi32, #tpu.memory_space<hbm>>
      tpu.wait_dma2 semaphore(%run_scoped3A : memref<!tpu.dma_semaphore, #tpu.memory_space<semaphore_mem>>) src(%dma_wait3A_234 : memref<1x64xi32, #tpu.memory_space<hbm>>) dst(%arg11 : memref<1x64xi32, #tpu.memory_space<vmem>>)
      tpu.yield
    }) : () -> ()
    %add3A_58 = arith.constant 0 : i32
    %add3A_59 = arith.addi %mul3A_55, %add3A_58 : i32
    "tpu.region"() ({
      %run_scoped3A = tpu.sem_alloc : memref<!tpu.dma_semaphore, #tpu.memory_space<semaphore_mem>>
      %dma_start3A_227 = arith.constant 0 : i32
      %dma_start3A_228 = tpu.memref_slice %arg3[%add3A_59, %dma_start3A_227] : memref<5056x64xi32, #tpu.memory_space<hbm>> -> memref<1x64xi32, #tpu.memory_space<hbm>>
      %dma_start3A_229 = arith.constant 0 : i32
      %dma_start3A_230 = tpu.memref_slice %arg3[%add3A_59, %dma_start3A_229] : memref<5056x64xi32, #tpu.memory_space<hbm>> -> memref<1x64xi32, #tpu.memory_space<hbm>>
      tpu.enqueue_dma source(%dma_start3A_230 : memref<1x64xi32, #tpu.memory_space<hbm>>) target(%arg13 : memref<1x64xi32, #tpu.memory_space<vmem>>) target_semaphore(%run_scoped3A : memref<!tpu.dma_semaphore, #tpu.memory_space<semaphore_mem>>)
      %dma_wait3A_231 = arith.constant 0 : i32
      %dma_wait3A_232 = tpu.memref_slice %arg3[%add3A_59, %dma_wait3A_231] : memref<5056x64xi32, #tpu.memory_space<hbm>> -> memref<1x64xi32, #tpu.memory_space<hbm>>
      %dma_wait3A_233 = arith.constant 0 : i32
      %dma_wait3A_234 = tpu.memref_slice %arg3[%add3A_59, %dma_wait3A_233] : memref<5056x64xi32, #tpu.memory_space<hbm>> -> memref<1x64xi32, #tpu.memory_space<hbm>>
      tpu.wait_dma2 semaphore(%run_scoped3A : memref<!tpu.dma_semaphore, #tpu.memory_space<semaphore_mem>>) src(%dma_wait3A_234 : memref<1x64xi32, #tpu.memory_space<hbm>>) dst(%arg13 : memref<1x64xi32, #tpu.memory_space<vmem>>)
      tpu.yield
    }) : () -> ()
    %dma_start3A = arith.constant 0 : i32
    %dma_start3A_60 = arith.constant 0 : i32
    %dma_start3A_61 = tpu.memref_slice %arg11[%dma_start3A, %dma_start3A_60] : memref<1x64xi32, #tpu.memory_space<vmem>> -> memref<1x64xi32, #tpu.memory_space<vmem>>
    %dma_start3A_62 = tpu.memref_squeeze %dma_start3A_61 : memref<1x64xi32, #tpu.memory_space<vmem>> -> memref<64xi32, #tpu.memory_space<vmem>>
    %dma_start3A_63 = arith.constant 0 : i32
    %dma_start3A_64 = arith.constant 0 : i32
    %dma_start3A_65 = tpu.memref_slice %arg4[%dma_start3A_63, %dma_start3A_64] : memref<10624x128xf32, #tpu.memory_space<hbm>> -> memref<10624x128xf32, #tpu.memory_space<hbm>>
    tpu.enqueue_indirect_dma source(%dma_start3A_65 : memref<10624x128xf32, #tpu.memory_space<hbm>>) target(%arg15 : memref<64x128xf32, #tpu.memory_space<vmem>>) offsets(%dma_start3A_62 : memref<64xi32, #tpu.memory_space<vmem>>) semaphore(%arg23 : memref<!tpu.dma_semaphore, #tpu.memory_space<semaphore_mem>>)
    %dma_start3A_66 = arith.constant 0 : i32
    %dma_start3A_67 = arith.constant 0 : i32
    %dma_start3A_68 = tpu.memref_slice %arg11[%dma_start3A_66, %dma_start3A_67] : memref<1x64xi32, #tpu.memory_space<vmem>> -> memref<1x64xi32, #tpu.memory_space<vmem>>
    %dma_start3A_69 = tpu.memref_squeeze %dma_start3A_68 : memref<1x64xi32, #tpu.memory_space<vmem>> -> memref<64xi32, #tpu.memory_space<vmem>>
    %dma_start3A_70 = arith.constant 0 : i32
    %dma_start3A_71 = arith.constant 0 : i32
    %dma_start3A_72 = tpu.memref_slice %arg5[%dma_start3A_70, %dma_start3A_71] : memref<10624x16xf32, #tpu.memory_space<hbm>> -> memref<10624x16xf32, #tpu.memory_space<hbm>>
    tpu.enqueue_indirect_dma source(%dma_start3A_72 : memref<10624x16xf32, #tpu.memory_space<hbm>>) target(%arg17 : memref<64x16xf32, #tpu.memory_space<vmem>>) offsets(%dma_start3A_69 : memref<64xi32, #tpu.memory_space<vmem>>) semaphore(%arg23 : memref<!tpu.dma_semaphore, #tpu.memory_space<semaphore_mem>>)
    %dma_start3A_73 = arith.constant 0 : i32
    %dma_start3A_74 = arith.constant 0 : i32
    %dma_start3A_75 = tpu.memref_slice %arg13[%dma_start3A_73, %dma_start3A_74] : memref<1x64xi32, #tpu.memory_space<vmem>> -> memref<1x64xi32, #tpu.memory_space<vmem>>
    %dma_start3A_76 = tpu.memref_squeeze %dma_start3A_75 : memref<1x64xi32, #tpu.memory_space<vmem>> -> memref<64xi32, #tpu.memory_space<vmem>>
    %dma_start3A_77 = arith.constant 0 : i32
    %dma_start3A_78 = arith.constant 0 : i32
    %dma_start3A_79 = tpu.memref_slice %arg6[%dma_start3A_77, %dma_start3A_78] : memref<10624x16xf32, #tpu.memory_space<hbm>> -> memref<10624x16xf32, #tpu.memory_space<hbm>>
    tpu.enqueue_indirect_dma source(%dma_start3A_79 : memref<10624x16xf32, #tpu.memory_space<hbm>>) target(%arg19 : memref<64x16xf32, #tpu.memory_space<vmem>>) offsets(%dma_start3A_76 : memref<64xi32, #tpu.memory_space<vmem>>) semaphore(%arg23 : memref<!tpu.dma_semaphore, #tpu.memory_space<semaphore_mem>>)
    %dma_wait3A = arith.constant 0 : i32
    %dma_wait3A_80 = arith.constant 0 : i32
    %dma_wait3A_81 = tpu.memref_slice %arg11[%dma_wait3A, %dma_wait3A_80] : memref<1x64xi32, #tpu.memory_space<vmem>> -> memref<1x64xi32, #tpu.memory_space<vmem>>
    %dma_wait3A_82 = tpu.memref_squeeze %dma_wait3A_81 : memref<1x64xi32, #tpu.memory_space<vmem>> -> memref<64xi32, #tpu.memory_space<vmem>>
    %dma_wait3A_83 = arith.constant 0 : i32
    %dma_wait3A_84 = arith.constant 0 : i32
    %dma_wait3A_85 = tpu.memref_slice %arg4[%dma_wait3A_83, %dma_wait3A_84] : memref<10624x128xf32, #tpu.memory_space<hbm>> -> memref<10624x128xf32, #tpu.memory_space<hbm>>
    tpu.wait_indirect_dma semaphore(%arg23 : memref<!tpu.dma_semaphore, #tpu.memory_space<semaphore_mem>>) src(%dma_wait3A_85 : memref<10624x128xf32, #tpu.memory_space<hbm>>) dst(%arg15 : memref<64x128xf32, #tpu.memory_space<vmem>>)
    %dma_wait3A_86 = arith.constant 0 : i32
    %dma_wait3A_87 = arith.constant 0 : i32
    %dma_wait3A_88 = tpu.memref_slice %arg11[%dma_wait3A_86, %dma_wait3A_87] : memref<1x64xi32, #tpu.memory_space<vmem>> -> memref<1x64xi32, #tpu.memory_space<vmem>>
    %dma_wait3A_89 = tpu.memref_squeeze %dma_wait3A_88 : memref<1x64xi32, #tpu.memory_space<vmem>> -> memref<64xi32, #tpu.memory_space<vmem>>
    %dma_wait3A_90 = arith.constant 0 : i32
    %dma_wait3A_91 = arith.constant 0 : i32
    %dma_wait3A_92 = tpu.memref_slice %arg5[%dma_wait3A_90, %dma_wait3A_91] : memref<10624x16xf32, #tpu.memory_space<hbm>> -> memref<10624x16xf32, #tpu.memory_space<hbm>>
    tpu.wait_indirect_dma semaphore(%arg23 : memref<!tpu.dma_semaphore, #tpu.memory_space<semaphore_mem>>) src(%dma_wait3A_92 : memref<10624x16xf32, #tpu.memory_space<hbm>>) dst(%arg17 : memref<64x16xf32, #tpu.memory_space<vmem>>)
    %dma_wait3A_93 = arith.constant 0 : i32
    %dma_wait3A_94 = arith.constant 0 : i32
    %dma_wait3A_95 = tpu.memref_slice %arg13[%dma_wait3A_93, %dma_wait3A_94] : memref<1x64xi32, #tpu.memory_space<vmem>> -> memref<1x64xi32, #tpu.memory_space<vmem>>
    %dma_wait3A_96 = tpu.memref_squeeze %dma_wait3A_95 : memref<1x64xi32, #tpu.memory_space<vmem>> -> memref<64xi32, #tpu.memory_space<vmem>>
    %dma_wait3A_97 = arith.constant 0 : i32
    %dma_wait3A_98 = arith.constant 0 : i32
    %dma_wait3A_99 = tpu.memref_slice %arg6[%dma_wait3A_97, %dma_wait3A_98] : memref<10624x16xf32, #tpu.memory_space<hbm>> -> memref<10624x16xf32, #tpu.memory_space<hbm>>
    tpu.wait_indirect_dma semaphore(%arg23 : memref<!tpu.dma_semaphore, #tpu.memory_space<semaphore_mem>>) src(%dma_wait3A_99 : memref<10624x16xf32, #tpu.memory_space<hbm>>) dst(%arg19 : memref<64x16xf32, #tpu.memory_space<vmem>>)
    %add3A_100 = arith.constant 1 : i32
    %add3A_101 = arith.addi %mul3A_55, %add3A_100 : i32
    "tpu.region"() ({
      %run_scoped3A = tpu.sem_alloc : memref<!tpu.dma_semaphore, #tpu.memory_space<semaphore_mem>>
      %dma_start3A_227 = arith.constant 0 : i32
      %dma_start3A_228 = tpu.memref_slice %arg2[%add3A_101, %dma_start3A_227] : memref<5056x64xi32, #tpu.memory_space<hbm>> -> memref<1x64xi32, #tpu.memory_space<hbm>>
      %dma_start3A_229 = arith.constant 0 : i32
      %dma_start3A_230 = tpu.memref_slice %arg2[%add3A_101, %dma_start3A_229] : memref<5056x64xi32, #tpu.memory_space<hbm>> -> memref<1x64xi32, #tpu.memory_space<hbm>>
      tpu.enqueue_dma source(%dma_start3A_230 : memref<1x64xi32, #tpu.memory_space<hbm>>) target(%arg12 : memref<1x64xi32, #tpu.memory_space<vmem>>) target_semaphore(%run_scoped3A : memref<!tpu.dma_semaphore, #tpu.memory_space<semaphore_mem>>)
      %dma_wait3A_231 = arith.constant 0 : i32
      %dma_wait3A_232 = tpu.memref_slice %arg2[%add3A_101, %dma_wait3A_231] : memref<5056x64xi32, #tpu.memory_space<hbm>> -> memref<1x64xi32, #tpu.memory_space<hbm>>
      %dma_wait3A_233 = arith.constant 0 : i32
      %dma_wait3A_234 = tpu.memref_slice %arg2[%add3A_101, %dma_wait3A_233] : memref<5056x64xi32, #tpu.memory_space<hbm>> -> memref<1x64xi32, #tpu.memory_space<hbm>>
      tpu.wait_dma2 semaphore(%run_scoped3A : memref<!tpu.dma_semaphore, #tpu.memory_space<semaphore_mem>>) src(%dma_wait3A_234 : memref<1x64xi32, #tpu.memory_space<hbm>>) dst(%arg12 : memref<1x64xi32, #tpu.memory_space<vmem>>)
      tpu.yield
    }) : () -> ()
    %add3A_102 = arith.constant 1 : i32
    %add3A_103 = arith.addi %mul3A_55, %add3A_102 : i32
    "tpu.region"() ({
      %run_scoped3A = tpu.sem_alloc : memref<!tpu.dma_semaphore, #tpu.memory_space<semaphore_mem>>
      %dma_start3A_227 = arith.constant 0 : i32
      %dma_start3A_228 = tpu.memref_slice %arg3[%add3A_103, %dma_start3A_227] : memref<5056x64xi32, #tpu.memory_space<hbm>> -> memref<1x64xi32, #tpu.memory_space<hbm>>
      %dma_start3A_229 = arith.constant 0 : i32
      %dma_start3A_230 = tpu.memref_slice %arg3[%add3A_103, %dma_start3A_229] : memref<5056x64xi32, #tpu.memory_space<hbm>> -> memref<1x64xi32, #tpu.memory_space<hbm>>
      tpu.enqueue_dma source(%dma_start3A_230 : memref<1x64xi32, #tpu.memory_space<hbm>>) target(%arg14 : memref<1x64xi32, #tpu.memory_space<vmem>>) target_semaphore(%run_scoped3A : memref<!tpu.dma_semaphore, #tpu.memory_space<semaphore_mem>>)
      %dma_wait3A_231 = arith.constant 0 : i32
      %dma_wait3A_232 = tpu.memref_slice %arg3[%add3A_103, %dma_wait3A_231] : memref<5056x64xi32, #tpu.memory_space<hbm>> -> memref<1x64xi32, #tpu.memory_space<hbm>>
      %dma_wait3A_233 = arith.constant 0 : i32
      %dma_wait3A_234 = tpu.memref_slice %arg3[%add3A_103, %dma_wait3A_233] : memref<5056x64xi32, #tpu.memory_space<hbm>> -> memref<1x64xi32, #tpu.memory_space<hbm>>
      tpu.wait_dma2 semaphore(%run_scoped3A : memref<!tpu.dma_semaphore, #tpu.memory_space<semaphore_mem>>) src(%dma_wait3A_234 : memref<1x64xi32, #tpu.memory_space<hbm>>) dst(%arg14 : memref<1x64xi32, #tpu.memory_space<vmem>>)
      tpu.yield
    }) : () -> ()
    %dma_start3A_104 = arith.constant 0 : i32
    %dma_start3A_105 = arith.constant 0 : i32
    %dma_start3A_106 = tpu.memref_slice %arg12[%dma_start3A_104, %dma_start3A_105] : memref<1x64xi32, #tpu.memory_space<vmem>> -> memref<1x64xi32, #tpu.memory_space<vmem>>
    %dma_start3A_107 = tpu.memref_squeeze %dma_start3A_106 : memref<1x64xi32, #tpu.memory_space<vmem>> -> memref<64xi32, #tpu.memory_space<vmem>>
    %dma_start3A_108 = arith.constant 0 : i32
    %dma_start3A_109 = arith.constant 0 : i32
    %dma_start3A_110 = tpu.memref_slice %arg4[%dma_start3A_108, %dma_start3A_109] : memref<10624x128xf32, #tpu.memory_space<hbm>> -> memref<10624x128xf32, #tpu.memory_space<hbm>>
    tpu.enqueue_indirect_dma source(%dma_start3A_110 : memref<10624x128xf32, #tpu.memory_space<hbm>>) target(%arg16 : memref<64x128xf32, #tpu.memory_space<vmem>>) offsets(%dma_start3A_107 : memref<64xi32, #tpu.memory_space<vmem>>) semaphore(%arg24 : memref<!tpu.dma_semaphore, #tpu.memory_space<semaphore_mem>>)
    %dma_start3A_111 = arith.constant 0 : i32
    %dma_start3A_112 = arith.constant 0 : i32
    %dma_start3A_113 = tpu.memref_slice %arg12[%dma_start3A_111, %dma_start3A_112] : memref<1x64xi32, #tpu.memory_space<vmem>> -> memref<1x64xi32, #tpu.memory_space<vmem>>
    %dma_start3A_114 = tpu.memref_squeeze %dma_start3A_113 : memref<1x64xi32, #tpu.memory_space<vmem>> -> memref<64xi32, #tpu.memory_space<vmem>>
    %dma_start3A_115 = arith.constant 0 : i32
    %dma_start3A_116 = arith.constant 0 : i32
    %dma_start3A_117 = tpu.memref_slice %arg5[%dma_start3A_115, %dma_start3A_116] : memref<10624x16xf32, #tpu.memory_space<hbm>> -> memref<10624x16xf32, #tpu.memory_space<hbm>>
    tpu.enqueue_indirect_dma source(%dma_start3A_117 : memref<10624x16xf32, #tpu.memory_space<hbm>>) target(%arg18 : memref<64x16xf32, #tpu.memory_space<vmem>>) offsets(%dma_start3A_114 : memref<64xi32, #tpu.memory_space<vmem>>) semaphore(%arg24 : memref<!tpu.dma_semaphore, #tpu.memory_space<semaphore_mem>>)
    %dma_start3A_118 = arith.constant 0 : i32
    %dma_start3A_119 = arith.constant 0 : i32
    %dma_start3A_120 = tpu.memref_slice %arg14[%dma_start3A_118, %dma_start3A_119] : memref<1x64xi32, #tpu.memory_space<vmem>> -> memref<1x64xi32, #tpu.memory_space<vmem>>
    %dma_start3A_121 = tpu.memref_squeeze %dma_start3A_120 : memref<1x64xi32, #tpu.memory_space<vmem>> -> memref<64xi32, #tpu.memory_space<vmem>>
    %dma_start3A_122 = arith.constant 0 : i32
    %dma_start3A_123 = arith.constant 0 : i32
    %dma_start3A_124 = tpu.memref_slice %arg6[%dma_start3A_122, %dma_start3A_123] : memref<10624x16xf32, #tpu.memory_space<hbm>> -> memref<10624x16xf32, #tpu.memory_space<hbm>>
    tpu.enqueue_indirect_dma source(%dma_start3A_124 : memref<10624x16xf32, #tpu.memory_space<hbm>>) target(%arg20 : memref<64x16xf32, #tpu.memory_space<vmem>>) offsets(%dma_start3A_121 : memref<64xi32, #tpu.memory_space<vmem>>) semaphore(%arg24 : memref<!tpu.dma_semaphore, #tpu.memory_space<semaphore_mem>>)
    %scan3A_125 = arith.constant 0 : i32
    %scan3A_126 = arith.constant 0 : i32
    %scan3A_127 = arith.constant 64 : i32
    %scan3A_128 = arith.addi %scan3A_126, %scan3A_127 : i32
    %scan3A_129 = arith.constant 1 : i32
    scf.for %scan3A_227 = %scan3A_126 to %scan3A_128 step %scan3A_129  : i32 {
      %get3A = arith.index_cast %scan3A_227 : i32 to index
      %get3A_228 = arith.constant 0 : index
      %get3A_229 = tpu.vector_load %arg17[%get3A, %get3A_228] {strides = array<i32>} : memref<64x16xf32, #tpu.memory_space<vmem>>, vector<1x16xf32>,
      %get3A_230 = vector.shape_cast %get3A_229 : vector<1x16xf32> to vector<16xf32>
      %get3A_231 = arith.index_cast %scan3A_227 : i32 to index
      %get3A_232 = arith.constant 0 : index
      %get3A_233 = tpu.vector_load %arg19[%get3A_231, %get3A_232] {strides = array<i32>} : memref<64x16xf32, #tpu.memory_space<vmem>>, vector<1x16xf32>,
      %get3A_234 = vector.shape_cast %get3A_233 : vector<1x16xf32> to vector<16xf32>
      %add3A_235 = arith.addf %get3A_230, %get3A_234 : vector<16xf32>
      %mul3A_236 = arith.constant 2.000000e-01 : f32
      %mul3A_237 = vector.broadcast %mul3A_236 : f32 to vector<16xf32>
      %mul3A_238 = arith.mulf %add3A_235, %mul3A_237 : vector<16xf32>
      %max3A = arith.maximumf %add3A_235, %mul3A_238 : vector<16xf32>
      %exp3A = math.exp %max3A : vector<16xf32>
      %jit3A = arith.constant 0.000000e+00 : f32
      %broadcast_in_dim3A = vector.broadcast %jit3A : f32 to vector<16xf32>
      %select_n3A = arith.select %lt3A_2, %exp3A, %broadcast_in_dim3A : vector<16xi1>, vector<16xf32>
      %swap3A = arith.index_cast %scan3A_227 : i32 to index
      %swap3A_239 = arith.constant 0 : index
      %swap3A_240 = tpu.vector_load %arg21[%swap3A, %swap3A_239] {strides = array<i32>} : memref<64x16xf32, #tpu.memory_space<vmem>>, vector<1x16xf32>,
      %swap3A_241 = vector.shape_cast %swap3A_240 : vector<1x16xf32> to vector<16xf32>
      %swap3A_242 = vector.shape_cast %select_n3A : vector<16xf32> to vector<1x16xf32>
      tpu.vector_store %arg21[%swap3A, %swap3A_239], %swap3A_242 {strides = array<i32>} : memref<64x16xf32, #tpu.memory_space<vmem>>, vector<1x16xf32>,
      %get3A_243 = arith.index_cast %scan3A_227 : i32 to index
      %get3A_244 = arith.constant 0 : index
      %get3A_245 = tpu.vector_load %arg15[%get3A_243, %get3A_244] {strides = array<i32>} : memref<64x128xf32, #tpu.memory_space<vmem>>, vector<1x16xf32>,
      %get3A_246 = vector.shape_cast %get3A_245 : vector<1x16xf32> to vector<16xf32>
      %slice3A = vector.extract_strided_slice %select_n3A {offsets = [0], sizes = [1], strides = [1]} : vector<16xf32> to vector<1xf32>
      %squeeze3A = vector.extract %slice3A[0] : f32 from vector<1xf32>
      %mul3A_247 = vector.broadcast %squeeze3A : f32 to vector<16xf32>
      %mul3A_248 = arith.mulf %get3A_246, %mul3A_247 : vector<16xf32>
      %swap3A_249 = arith.index_cast %scan3A_227 : i32 to index
      %swap3A_250 = arith.constant 0 : index
      %swap3A_251 = tpu.vector_load %arg15[%swap3A_249, %swap3A_250] {strides = array<i32>} : memref<64x128xf32, #tpu.memory_space<vmem>>, vector<1x16xf32>,
      %swap3A_252 = vector.shape_cast %swap3A_251 : vector<1x16xf32> to vector<16xf32>
      %swap3A_253 = vector.shape_cast %mul3A_248 : vector<16xf32> to vector<1x16xf32>
      tpu.vector_store %arg15[%swap3A_249, %swap3A_250], %swap3A_253 {strides = array<i32>} : memref<64x128xf32, #tpu.memory_space<vmem>>, vector<1x16xf32>,
      %get3A_254 = arith.index_cast %scan3A_227 : i32 to index
      %get3A_255 = arith.constant 16 : index
      %get3A_256 = tpu.vector_load %arg15[%get3A_254, %get3A_255] {strides = array<i32>} : memref<64x128xf32, #tpu.memory_space<vmem>>, vector<1x16xf32>,
      %get3A_257 = vector.shape_cast %get3A_256 : vector<1x16xf32> to vector<16xf32>
      %slice3A_258 = vector.extract_strided_slice %select_n3A {offsets = [0], sizes = [1], strides = [1]} : vector<16xf32> to vector<1xf32>
      %squeeze3A_259 = vector.extract %slice3A_258[0] : f32 from vector<1xf32>
      %mul3A_260 = vector.broadcast %squeeze3A_259 : f32 to vector<16xf32>
      %mul3A_261 = arith.mulf %get3A_257, %mul3A_260 : vector<16xf32>
      %swap3A_262 = arith.index_cast %scan3A_227 : i32 to index
      %swap3A_263 = arith.constant 16 : index
      %swap3A_264 = tpu.vector_load %arg15[%swap3A_262, %swap3A_263] {strides = array<i32>} : memref<64x128xf32, #tpu.memory_space<vmem>>, vector<1x16xf32>,
      %swap3A_265 = vector.shape_cast %swap3A_264 : vector<1x16xf32> to vector<16xf32>
      %swap3A_266 = vector.shape_cast %mul3A_261 : vector<16xf32> to vector<1x16xf32>
      tpu.vector_store %arg15[%swap3A_262, %swap3A_263], %swap3A_266 {strides = array<i32>} : memref<64x128xf32, #tpu.memory_space<vmem>>, vector<1x16xf32>,
      %get3A_267 = arith.index_cast %scan3A_227 : i32 to index
      %get3A_268 = arith.constant 32 : index
      %get3A_269 = tpu.vector_load %arg15[%get3A_267, %get3A_268] {strides = array<i32>} : memref<64x128xf32, #tpu.memory_space<vmem>>, vector<1x16xf32>,
      %get3A_270 = vector.shape_cast %get3A_269 : vector<1x16xf32> to vector<16xf32>
      %slice3A_271 = vector.extract_strided_slice %select_n3A {offsets = [1], sizes = [1], strides = [1]} : vector<16xf32> to vector<1xf32>
      %squeeze3A_272 = vector.extract %slice3A_271[0] : f32 from vector<1xf32>
      %mul3A_273 = vector.broadcast %squeeze3A_272 : f32 to vector<16xf32>
      %mul3A_274 = arith.mulf %get3A_270, %mul3A_273 : vector<16xf32>
      %swap3A_275 = arith.index_cast %scan3A_227 : i32 to index
      %swap3A_276 = arith.constant 32 : index
      %swap3A_277 = tpu.vector_load %arg15[%swap3A_275, %swap3A_276] {strides = array<i32>} : memref<64x128xf32, #tpu.memory_space<vmem>>, vector<1x16xf32>,
      %swap3A_278 = vector.shape_cast %swap3A_277 : vector<1x16xf32> to vector<16xf32>
      %swap3A_279 = vector.shape_cast %mul3A_274 : vector<16xf32> to vector<1x16xf32>
      tpu.vector_store %arg15[%swap3A_275, %swap3A_276], %swap3A_279 {strides = array<i32>} : memref<64x128xf32, #tpu.memory_space<vmem>>, vector<1x16xf32>,
      %get3A_280 = arith.index_cast %scan3A_227 : i32 to index
      %get3A_281 = arith.constant 48 : index
      %get3A_282 = tpu.vector_load %arg15[%get3A_280, %get3A_281] {strides = array<i32>} : memref<64x128xf32, #tpu.memory_space<vmem>>, vector<1x16xf32>,
      %get3A_283 = vector.shape_cast %get3A_282 : vector<1x16xf32> to vector<16xf32>
      %slice3A_284 = vector.extract_strided_slice %select_n3A {offsets = [1], sizes = [1], strides = [1]} : vector<16xf32> to vector<1xf32>
      %squeeze3A_285 = vector.extract %slice3A_284[0] : f32 from vector<1xf32>
      %mul3A_286 = vector.broadcast %squeeze3A_285 : f32 to vector<16xf32>
      %mul3A_287 = arith.mulf %get3A_283, %mul3A_286 : vector<16xf32>
      %swap3A_288 = arith.index_cast %scan3A_227 : i32 to index
      %swap3A_289 = arith.constant 48 : index
      %swap3A_290 = tpu.vector_load %arg15[%swap3A_288, %swap3A_289] {strides = array<i32>} : memref<64x128xf32, #tpu.memory_space<vmem>>, vector<1x16xf32>,
      %swap3A_291 = vector.shape_cast %swap3A_290 : vector<1x16xf32> to vector<16xf32>
      %swap3A_292 = vector.shape_cast %mul3A_287 : vector<16xf32> to vector<1x16xf32>
      tpu.vector_store %arg15[%swap3A_288, %swap3A_289], %swap3A_292 {strides = array<i32>} : memref<64x128xf32, #tpu.memory_space<vmem>>, vector<1x16xf32>,
      %get3A_293 = arith.index_cast %scan3A_227 : i32 to index
      %get3A_294 = arith.constant 64 : index
      %get3A_295 = tpu.vector_load %arg15[%get3A_293, %get3A_294] {strides = array<i32>} : memref<64x128xf32, #tpu.memory_space<vmem>>, vector<1x16xf32>,
      %get3A_296 = vector.shape_cast %get3A_295 : vector<1x16xf32> to vector<16xf32>
      %slice3A_297 = vector.extract_strided_slice %select_n3A {offsets = [2], sizes = [1], strides = [1]} : vector<16xf32> to vector<1xf32>
      %squeeze3A_298 = vector.extract %slice3A_297[0] : f32 from vector<1xf32>
      %mul3A_299 = vector.broadcast %squeeze3A_298 : f32 to vector<16xf32>
      %mul3A_300 = arith.mulf %get3A_296, %mul3A_299 : vector<16xf32>
      %swap3A_301 = arith.index_cast %scan3A_227 : i32 to index
      %swap3A_302 = arith.constant 64 : index
      %swap3A_303 = tpu.vector_load %arg15[%swap3A_301, %swap3A_302] {strides = array<i32>} : memref<64x128xf32, #tpu.memory_space<vmem>>, vector<1x16xf32>,
      %swap3A_304 = vector.shape_cast %swap3A_303 : vector<1x16xf32> to vector<16xf32>
      %swap3A_305 = vector.shape_cast %mul3A_300 : vector<16xf32> to vector<1x16xf32>
      tpu.vector_store %arg15[%swap3A_301, %swap3A_302], %swap3A_305 {strides = array<i32>} : memref<64x128xf32, #tpu.memory_space<vmem>>, vector<1x16xf32>,
      %get3A_306 = arith.index_cast %scan3A_227 : i32 to index
      %get3A_307 = arith.constant 80 : index
      %get3A_308 = tpu.vector_load %arg15[%get3A_306, %get3A_307] {strides = array<i32>} : memref<64x128xf32, #tpu.memory_space<vmem>>, vector<1x16xf32>,
      %get3A_309 = vector.shape_cast %get3A_308 : vector<1x16xf32> to vector<16xf32>
      %slice3A_310 = vector.extract_strided_slice %select_n3A {offsets = [2], sizes = [1], strides = [1]} : vector<16xf32> to vector<1xf32>
      %squeeze3A_311 = vector.extract %slice3A_310[0] : f32 from vector<1xf32>
      %mul3A_312 = vector.broadcast %squeeze3A_311 : f32 to vector<16xf32>
      %mul3A_313 = arith.mulf %get3A_309, %mul3A_312 : vector<16xf32>
      %swap3A_314 = arith.index_cast %scan3A_227 : i32 to index
      %swap3A_315 = arith.constant 80 : index
      %swap3A_316 = tpu.vector_load %arg15[%swap3A_314, %swap3A_315] {strides = array<i32>} : memref<64x128xf32, #tpu.memory_space<vmem>>, vector<1x16xf32>,
      %swap3A_317 = vector.shape_cast %swap3A_316 : vector<1x16xf32> to vector<16xf32>
      %swap3A_318 = vector.shape_cast %mul3A_313 : vector<16xf32> to vector<1x16xf32>
      tpu.vector_store %arg15[%swap3A_314, %swap3A_315], %swap3A_318 {strides = array<i32>} : memref<64x128xf32, #tpu.memory_space<vmem>>, vector<1x16xf32>,
      %get3A_319 = arith.index_cast %scan3A_227 : i32 to index
      %get3A_320 = arith.constant 96 : index
      %get3A_321 = tpu.vector_load %arg15[%get3A_319, %get3A_320] {strides = array<i32>} : memref<64x128xf32, #tpu.memory_space<vmem>>, vector<1x16xf32>,
      %get3A_322 = vector.shape_cast %get3A_321 : vector<1x16xf32> to vector<16xf32>
      %slice3A_323 = vector.extract_strided_slice %select_n3A {offsets = [3], sizes = [1], strides = [1]} : vector<16xf32> to vector<1xf32>
      %squeeze3A_324 = vector.extract %slice3A_323[0] : f32 from vector<1xf32>
      %mul3A_325 = vector.broadcast %squeeze3A_324 : f32 to vector<16xf32>
      %mul3A_326 = arith.mulf %get3A_322, %mul3A_325 : vector<16xf32>
      %swap3A_327 = arith.index_cast %scan3A_227 : i32 to index
      %swap3A_328 = arith.constant 96 : index
      %swap3A_329 = tpu.vector_load %arg15[%swap3A_327, %swap3A_328] {strides = array<i32>} : memref<64x128xf32, #tpu.memory_space<vmem>>, vector<1x16xf32>,
      %swap3A_330 = vector.shape_cast %swap3A_329 : vector<1x16xf32> to vector<16xf32>
      %swap3A_331 = vector.shape_cast %mul3A_326 : vector<16xf32> to vector<1x16xf32>
      tpu.vector_store %arg15[%swap3A_327, %swap3A_328], %swap3A_331 {strides = array<i32>} : memref<64x128xf32, #tpu.memory_space<vmem>>, vector<1x16xf32>,
      %get3A_332 = arith.index_cast %scan3A_227 : i32 to index
      %get3A_333 = arith.constant 112 : index
      %get3A_334 = tpu.vector_load %arg15[%get3A_332, %get3A_333] {strides = array<i32>} : memref<64x128xf32, #tpu.memory_space<vmem>>, vector<1x16xf32>,
      %get3A_335 = vector.shape_cast %get3A_334 : vector<1x16xf32> to vector<16xf32>
      %slice3A_336 = vector.extract_strided_slice %select_n3A {offsets = [3], sizes = [1], strides = [1]} : vector<16xf32> to vector<1xf32>
      %squeeze3A_337 = vector.extract %slice3A_336[0] : f32 from vector<1xf32>
      %mul3A_338 = vector.broadcast %squeeze3A_337 : f32 to vector<16xf32>
      %mul3A_339 = arith.mulf %get3A_335, %mul3A_338 : vector<16xf32>
      %swap3A_340 = arith.index_cast %scan3A_227 : i32 to index
      %swap3A_341 = arith.constant 112 : index
      %swap3A_342 = tpu.vector_load %arg15[%swap3A_340, %swap3A_341] {strides = array<i32>} : memref<64x128xf32, #tpu.memory_space<vmem>>, vector<1x16xf32>,
      %swap3A_343 = vector.shape_cast %swap3A_342 : vector<1x16xf32> to vector<16xf32>
      %swap3A_344 = vector.shape_cast %mul3A_339 : vector<16xf32> to vector<1x16xf32>
      tpu.vector_store %arg15[%swap3A_340, %swap3A_341], %swap3A_344 {strides = array<i32>} : memref<64x128xf32, #tpu.memory_space<vmem>>, vector<1x16xf32>,
    }
    %scan3A_130 = arith.constant 64 : i32
    %dma_start3A_131 = arith.constant 0 : i32
    %dma_start3A_132 = arith.constant 0 : i32
    %dma_start3A_133 = tpu.memref_slice %arg13[%dma_start3A_131, %dma_start3A_132] : memref<1x64xi32, #tpu.memory_space<vmem>> -> memref<1x64xi32, #tpu.memory_space<vmem>>
    %dma_start3A_134 = tpu.memref_squeeze %dma_start3A_133 : memref<1x64xi32, #tpu.memory_space<vmem>> -> memref<64xi32, #tpu.memory_space<vmem>>
    %dma_start3A_135 = arith.constant 0 : i32
    %dma_start3A_136 = arith.constant 0 : i32
    %dma_start3A_137 = tpu.memref_slice %arg10[%dma_start3A_135, %dma_start3A_136] : memref<10624x16xf32, #tpu.memory_space<vmem_shared>> -> memref<10624x16xf32, #tpu.memory_space<vmem_shared>>
    tpu.enqueue_indirect_dma source(%arg21 : memref<64x16xf32, #tpu.memory_space<vmem>>) target(%dma_start3A_137 : memref<10624x16xf32, #tpu.memory_space<vmem_shared>>) offsets(%dma_start3A_134 : memref<64xi32, #tpu.memory_space<vmem>>) semaphore(%arg25 : memref<!tpu.dma_semaphore, #tpu.memory_space<semaphore_mem>>) {add = true}
    %dma_start3A_138 = arith.constant 0 : i32
    %dma_start3A_139 = arith.constant 0 : i32
    %dma_start3A_140 = tpu.memref_slice %arg13[%dma_start3A_138, %dma_start3A_139] : memref<1x64xi32, #tpu.memory_space<vmem>> -> memref<1x64xi32, #tpu.memory_space<vmem>>
    %dma_start3A_141 = tpu.memref_squeeze %dma_start3A_140 : memref<1x64xi32, #tpu.memory_space<vmem>> -> memref<64xi32, #tpu.memory_space<vmem>>
    %dma_start3A_142 = arith.constant 0 : i32
    %dma_start3A_143 = arith.constant 0 : i32
    %dma_start3A_144 = tpu.memref_slice %arg9[%dma_start3A_142, %dma_start3A_143] : memref<10624x128xf32, #tpu.memory_space<vmem_shared>> -> memref<10624x128xf32, #tpu.memory_space<vmem_shared>>
    tpu.enqueue_indirect_dma source(%arg15 : memref<64x128xf32, #tpu.memory_space<vmem>>) target(%dma_start3A_144 : memref<10624x128xf32, #tpu.memory_space<vmem_shared>>) offsets(%dma_start3A_141 : memref<64xi32, #tpu.memory_space<vmem>>) semaphore(%arg25 : memref<!tpu.dma_semaphore, #tpu.memory_space<semaphore_mem>>) {add = true}
    %scan3A_145 = arith.constant 0 : i32
    %scan3A_146 = arith.constant 0 : i32
    %scan3A_147 = arith.constant 78 : i32
    %scan3A_148 = arith.addi %scan3A_146, %scan3A_147 : i32
    %scan3A_149 = arith.constant 1 : i32
    scf.for %scan3A_227 = %scan3A_146 to %scan3A_148 step %scan3A_149  : i32 {
      %mul3A_228 = arith.constant 2 : i32
      %mul3A_229 = arith.muli %scan3A_227, %mul3A_228 : i32
      %add3A_230 = arith.constant 1 : i32
      %add3A_231 = arith.addi %add3A_230, %mul3A_229 : i32
      %add3A_232 = arith.constant 0 : i32
      %add3A_233 = arith.addi %add3A_231, %add3A_232 : i32
      %dma_wait3A_234 = arith.constant 0 : i32
      %dma_wait3A_235 = arith.constant 0 : i32
      %dma_wait3A_236 = tpu.memref_slice %arg12[%dma_wait3A_234, %dma_wait3A_235] : memref<1x64xi32, #tpu.memory_space<vmem>> -> memref<1x64xi32, #tpu.memory_space<vmem>>
      %dma_wait3A_237 = tpu.memref_squeeze %dma_wait3A_236 : memref<1x64xi32, #tpu.memory_space<vmem>> -> memref<64xi32, #tpu.memory_space<vmem>>
      %dma_wait3A_238 = arith.constant 0 : i32
      %dma_wait3A_239 = arith.constant 0 : i32
      %dma_wait3A_240 = tpu.memref_slice %arg4[%dma_wait3A_238, %dma_wait3A_239] : memref<10624x128xf32, #tpu.memory_space<hbm>> -> memref<10624x128xf32, #tpu.memory_space<hbm>>
      tpu.wait_indirect_dma semaphore(%arg24 : memref<!tpu.dma_semaphore, #tpu.memory_space<semaphore_mem>>) src(%dma_wait3A_240 : memref<10624x128xf32, #tpu.memory_space<hbm>>) dst(%arg16 : memref<64x128xf32, #tpu.memory_space<vmem>>)
      %dma_wait3A_241 = arith.constant 0 : i32
      %dma_wait3A_242 = arith.constant 0 : i32
      %dma_wait3A_243 = tpu.memref_slice %arg12[%dma_wait3A_241, %dma_wait3A_242] : memref<1x64xi32, #tpu.memory_space<vmem>> -> memref<1x64xi32, #tpu.memory_space<vmem>>
      %dma_wait3A_244 = tpu.memref_squeeze %dma_wait3A_243 : memref<1x64xi32, #tpu.memory_space<vmem>> -> memref<64xi32, #tpu.memory_space<vmem>>
      %dma_wait3A_245 = arith.constant 0 : i32
      %dma_wait3A_246 = arith.constant 0 : i32
      %dma_wait3A_247 = tpu.memref_slice %arg5[%dma_wait3A_245, %dma_wait3A_246] : memref<10624x16xf32, #tpu.memory_space<hbm>> -> memref<10624x16xf32, #tpu.memory_space<hbm>>
      tpu.wait_indirect_dma semaphore(%arg24 : memref<!tpu.dma_semaphore, #tpu.memory_space<semaphore_mem>>) src(%dma_wait3A_247 : memref<10624x16xf32, #tpu.memory_space<hbm>>) dst(%arg18 : memref<64x16xf32, #tpu.memory_space<vmem>>)
      %dma_wait3A_248 = arith.constant 0 : i32
      %dma_wait3A_249 = arith.constant 0 : i32
      %dma_wait3A_250 = tpu.memref_slice %arg14[%dma_wait3A_248, %dma_wait3A_249] : memref<1x64xi32, #tpu.memory_space<vmem>> -> memref<1x64xi32, #tpu.memory_space<vmem>>
      %dma_wait3A_251 = tpu.memref_squeeze %dma_wait3A_250 : memref<1x64xi32, #tpu.memory_space<vmem>> -> memref<64xi32, #tpu.memory_space<vmem>>
      %dma_wait3A_252 = arith.constant 0 : i32
      %dma_wait3A_253 = arith.constant 0 : i32
      %dma_wait3A_254 = tpu.memref_slice %arg6[%dma_wait3A_252, %dma_wait3A_253] : memref<10624x16xf32, #tpu.memory_space<hbm>> -> memref<10624x16xf32, #tpu.memory_space<hbm>>
      tpu.wait_indirect_dma semaphore(%arg24 : memref<!tpu.dma_semaphore, #tpu.memory_space<semaphore_mem>>) src(%dma_wait3A_254 : memref<10624x16xf32, #tpu.memory_space<hbm>>) dst(%arg20 : memref<64x16xf32, #tpu.memory_space<vmem>>)
      %dma_wait3A_255 = arith.constant 0 : i32
      %dma_wait3A_256 = arith.constant 0 : i32
      %dma_wait3A_257 = tpu.memref_slice %arg13[%dma_wait3A_255, %dma_wait3A_256] : memref<1x64xi32, #tpu.memory_space<vmem>> -> memref<1x64xi32, #tpu.memory_space<vmem>>
      %dma_wait3A_258 = tpu.memref_squeeze %dma_wait3A_257 : memref<1x64xi32, #tpu.memory_space<vmem>> -> memref<64xi32, #tpu.memory_space<vmem>>
      %dma_wait3A_259 = arith.constant 0 : i32
      %dma_wait3A_260 = arith.constant 0 : i32
      %dma_wait3A_261 = tpu.memref_slice %arg10[%dma_wait3A_259, %dma_wait3A_260] : memref<10624x16xf32, #tpu.memory_space<vmem_shared>> -> memref<10624x16xf32, #tpu.memory_space<vmem_shared>>
      tpu.wait_indirect_dma semaphore(%arg25 : memref<!tpu.dma_semaphore, #tpu.memory_space<semaphore_mem>>) src(%arg21 : memref<64x16xf32, #tpu.memory_space<vmem>>) dst(%dma_wait3A_261 : memref<10624x16xf32, #tpu.memory_space<vmem_shared>>)
      %dma_wait3A_262 = arith.constant 0 : i32
      %dma_wait3A_263 = arith.constant 0 : i32
      %dma_wait3A_264 = tpu.memref_slice %arg13[%dma_wait3A_262, %dma_wait3A_263] : memref<1x64xi32, #tpu.memory_space<vmem>> -> memref<1x64xi32, #tpu.memory_space<vmem>>
      %dma_wait3A_265 = tpu.memref_squeeze %dma_wait3A_264 : memref<1x64xi32, #tpu.memory_space<vmem>> -> memref<64xi32, #tpu.memory_space<vmem>>
      %dma_wait3A_266 = arith.constant 0 : i32
      %dma_wait3A_267 = arith.constant 0 : i32
      %dma_wait3A_268 = tpu.memref_slice %arg9[%dma_wait3A_266, %dma_wait3A_267] : memref<10624x128xf32, #tpu.memory_space<vmem_shared>> -> memref<10624x128xf32, #tpu.memory_space<vmem_shared>>
      tpu.wait_indirect_dma semaphore(%arg25 : memref<!tpu.dma_semaphore, #tpu.memory_space<semaphore_mem>>) src(%arg15 : memref<64x128xf32, #tpu.memory_space<vmem>>) dst(%dma_wait3A_268 : memref<10624x128xf32, #tpu.memory_space<vmem_shared>>)
      %add3A_269 = arith.constant 1 : i32
      %add3A_270 = arith.addi %add3A_233, %add3A_269 : i32
      %add3A_271 = arith.addi %mul3A_55, %add3A_270 : i32
      "tpu.region"() ({
        %run_scoped3A = tpu.sem_alloc : memref<!tpu.dma_semaphore, #tpu.memory_space<semaphore_mem>>
        %dma_start3A_400 = arith.constant 0 : i32
        %dma_start3A_401 = tpu.memref_slice %arg2[%add3A_271, %dma_start3A_400] : memref<5056x64xi32, #tpu.memory_space<hbm>> -> memref<1x64xi32, #tpu.memory_space<hbm>>
        %dma_start3A_402 = arith.constant 0 : i32
        %dma_start3A_403 = tpu.memref_slice %arg2[%add3A_271, %dma_start3A_402] : memref<5056x64xi32, #tpu.memory_space<hbm>> -> memref<1x64xi32, #tpu.memory_space<hbm>>
        tpu.enqueue_dma source(%dma_start3A_403 : memref<1x64xi32, #tpu.memory_space<hbm>>) target(%arg11 : memref<1x64xi32, #tpu.memory_space<vmem>>) target_semaphore(%run_scoped3A : memref<!tpu.dma_semaphore, #tpu.memory_space<semaphore_mem>>)
        %dma_wait3A_404 = arith.constant 0 : i32
        %dma_wait3A_405 = tpu.memref_slice %arg2[%add3A_271, %dma_wait3A_404] : memref<5056x64xi32, #tpu.memory_space<hbm>> -> memref<1x64xi32, #tpu.memory_space<hbm>>
        %dma_wait3A_406 = arith.constant 0 : i32
        %dma_wait3A_407 = tpu.memref_slice %arg2[%add3A_271, %dma_wait3A_406] : memref<5056x64xi32, #tpu.memory_space<hbm>> -> memref<1x64xi32, #tpu.memory_space<hbm>>
        tpu.wait_dma2 semaphore(%run_scoped3A : memref<!tpu.dma_semaphore, #tpu.memory_space<semaphore_mem>>) src(%dma_wait3A_407 : memref<1x64xi32, #tpu.memory_space<hbm>>) dst(%arg11 : memref<1x64xi32, #tpu.memory_space<vmem>>)
        tpu.yield
      }) : () -> ()
      %add3A_272 = arith.addi %mul3A_55, %add3A_270 : i32
      "tpu.region"() ({
        %run_scoped3A = tpu.sem_alloc : memref<!tpu.dma_semaphore, #tpu.memory_space<semaphore_mem>>
        %dma_start3A_400 = arith.constant 0 : i32
        %dma_start3A_401 = tpu.memref_slice %arg3[%add3A_272, %dma_start3A_400] : memref<5056x64xi32, #tpu.memory_space<hbm>> -> memref<1x64xi32, #tpu.memory_space<hbm>>
        %dma_start3A_402 = arith.constant 0 : i32
        %dma_start3A_403 = tpu.memref_slice %arg3[%add3A_272, %dma_start3A_402] : memref<5056x64xi32, #tpu.memory_space<hbm>> -> memref<1x64xi32, #tpu.memory_space<hbm>>
        tpu.enqueue_dma source(%dma_start3A_403 : memref<1x64xi32, #tpu.memory_space<hbm>>) target(%arg13 : memref<1x64xi32, #tpu.memory_space<vmem>>) target_semaphore(%run_scoped3A : memref<!tpu.dma_semaphore, #tpu.memory_space<semaphore_mem>>)
        %dma_wait3A_404 = arith.constant 0 : i32
        %dma_wait3A_405 = tpu.memref_slice %arg3[%add3A_272, %dma_wait3A_404] : memref<5056x64xi32, #tpu.memory_space<hbm>> -> memref<1x64xi32, #tpu.memory_space<hbm>>
        %dma_wait3A_406 = arith.constant 0 : i32
        %dma_wait3A_407 = tpu.memref_slice %arg3[%add3A_272, %dma_wait3A_406] : memref<5056x64xi32, #tpu.memory_space<hbm>> -> memref<1x64xi32, #tpu.memory_space<hbm>>
        tpu.wait_dma2 semaphore(%run_scoped3A : memref<!tpu.dma_semaphore, #tpu.memory_space<semaphore_mem>>) src(%dma_wait3A_407 : memref<1x64xi32, #tpu.memory_space<hbm>>) dst(%arg13 : memref<1x64xi32, #tpu.memory_space<vmem>>)
        tpu.yield
      }) : () -> ()
      %dma_start3A_273 = arith.constant 0 : i32
      %dma_start3A_274 = arith.constant 0 : i32
      %dma_start3A_275 = tpu.memref_slice %arg11[%dma_start3A_273, %dma_start3A_274] : memref<1x64xi32, #tpu.memory_space<vmem>> -> memref<1x64xi32, #tpu.memory_space<vmem>>
      %dma_start3A_276 = tpu.memref_squeeze %dma_start3A_275 : memref<1x64xi32, #tpu.memory_space<vmem>> -> memref<64xi32, #tpu.memory_space<vmem>>
      %dma_start3A_277 = arith.constant 0 : i32
      %dma_start3A_278 = arith.constant 0 : i32
      %dma_start3A_279 = tpu.memref_slice %arg4[%dma_start3A_277, %dma_start3A_278] : memref<10624x128xf32, #tpu.memory_space<hbm>> -> memref<10624x128xf32, #tpu.memory_space<hbm>>
      tpu.enqueue_indirect_dma source(%dma_start3A_279 : memref<10624x128xf32, #tpu.memory_space<hbm>>) target(%arg15 : memref<64x128xf32, #tpu.memory_space<vmem>>) offsets(%dma_start3A_276 : memref<64xi32, #tpu.memory_space<vmem>>) semaphore(%arg23 : memref<!tpu.dma_semaphore, #tpu.memory_space<semaphore_mem>>)
      %dma_start3A_280 = arith.constant 0 : i32
      %dma_start3A_281 = arith.constant 0 : i32
      %dma_start3A_282 = tpu.memref_slice %arg11[%dma_start3A_280, %dma_start3A_281] : memref<1x64xi32, #tpu.memory_space<vmem>> -> memref<1x64xi32, #tpu.memory_space<vmem>>
      %dma_start3A_283 = tpu.memref_squeeze %dma_start3A_282 : memref<1x64xi32, #tpu.memory_space<vmem>> -> memref<64xi32, #tpu.memory_space<vmem>>
      %dma_start3A_284 = arith.constant 0 : i32
      %dma_start3A_285 = arith.constant 0 : i32
      %dma_start3A_286 = tpu.memref_slice %arg5[%dma_start3A_284, %dma_start3A_285] : memref<10624x16xf32, #tpu.memory_space<hbm>> -> memref<10624x16xf32, #tpu.memory_space<hbm>>
      tpu.enqueue_indirect_dma source(%dma_start3A_286 : memref<10624x16xf32, #tpu.memory_space<hbm>>) target(%arg17 : memref<64x16xf32, #tpu.memory_space<vmem>>) offsets(%dma_start3A_283 : memref<64xi32, #tpu.memory_space<vmem>>) semaphore(%arg23 : memref<!tpu.dma_semaphore, #tpu.memory_space<semaphore_mem>>)
      %dma_start3A_287 = arith.constant 0 : i32
      %dma_start3A_288 = arith.constant 0 : i32
      %dma_start3A_289 = tpu.memref_slice %arg13[%dma_start3A_287, %dma_start3A_288] : memref<1x64xi32, #tpu.memory_space<vmem>> -> memref<1x64xi32, #tpu.memory_space<vmem>>
      %dma_start3A_290 = tpu.memref_squeeze %dma_start3A_289 : memref<1x64xi32, #tpu.memory_space<vmem>> -> memref<64xi32, #tpu.memory_space<vmem>>
      %dma_start3A_291 = arith.constant 0 : i32
      %dma_start3A_292 = arith.constant 0 : i32
      %dma_start3A_293 = tpu.memref_slice %arg6[%dma_start3A_291, %dma_start3A_292] : memref<10624x16xf32, #tpu.memory_space<hbm>> -> memref<10624x16xf32, #tpu.memory_space<hbm>>
      tpu.enqueue_indirect_dma source(%dma_start3A_293 : memref<10624x16xf32, #tpu.memory_space<hbm>>) target(%arg19 : memref<64x16xf32, #tpu.memory_space<vmem>>) offsets(%dma_start3A_290 : memref<64xi32, #tpu.memory_space<vmem>>) semaphore(%arg23 : memref<!tpu.dma_semaphore, #tpu.memory_space<semaphore_mem>>)
      %scan3A_294 = arith.constant 0 : i32
      %scan3A_295 = arith.constant 0 : i32
      %scan3A_296 = arith.constant 64 : i32
      %scan3A_297 = arith.addi %scan3A_295, %scan3A_296 : i32
      %scan3A_298 = arith.constant 1 : i32
      scf.for %scan3A_400 = %scan3A_295 to %scan3A_297 step %scan3A_298  : i32 {
        %get3A = arith.index_cast %scan3A_400 : i32 to index
        %get3A_401 = arith.constant 0 : index
        %get3A_402 = tpu.vector_load %arg18[%get3A, %get3A_401] {strides = array<i32>} : memref<64x16xf32, #tpu.memory_space<vmem>>, vector<1x16xf32>,
        %get3A_403 = vector.shape_cast %get3A_402 : vector<1x16xf32> to vector<16xf32>
        %get3A_404 = arith.index_cast %scan3A_400 : i32 to index
        %get3A_405 = arith.constant 0 : index
        %get3A_406 = tpu.vector_load %arg20[%get3A_404, %get3A_405] {strides = array<i32>} : memref<64x16xf32, #tpu.memory_space<vmem>>, vector<1x16xf32>,
        %get3A_407 = vector.shape_cast %get3A_406 : vector<1x16xf32> to vector<16xf32>
        %add3A_408 = arith.addf %get3A_403, %get3A_407 : vector<16xf32>
        %mul3A_409 = arith.constant 2.000000e-01 : f32
        %mul3A_410 = vector.broadcast %mul3A_409 : f32 to vector<16xf32>
        %mul3A_411 = arith.mulf %add3A_408, %mul3A_410 : vector<16xf32>
        %max3A = arith.maximumf %add3A_408, %mul3A_411 : vector<16xf32>
        %exp3A = math.exp %max3A : vector<16xf32>
        %jit3A = arith.constant 0.000000e+00 : f32
        %broadcast_in_dim3A = vector.broadcast %jit3A : f32 to vector<16xf32>
        %select_n3A = arith.select %lt3A_2, %exp3A, %broadcast_in_dim3A : vector<16xi1>, vector<16xf32>
        %swap3A = arith.index_cast %scan3A_400 : i32 to index
        %swap3A_412 = arith.constant 0 : index
        %swap3A_413 = tpu.vector_load %arg22[%swap3A, %swap3A_412] {strides = array<i32>} : memref<64x16xf32, #tpu.memory_space<vmem>>, vector<1x16xf32>,
        %swap3A_414 = vector.shape_cast %swap3A_413 : vector<1x16xf32> to vector<16xf32>
        %swap3A_415 = vector.shape_cast %select_n3A : vector<16xf32> to vector<1x16xf32>
        tpu.vector_store %arg22[%swap3A, %swap3A_412], %swap3A_415 {strides = array<i32>} : memref<64x16xf32, #tpu.memory_space<vmem>>, vector<1x16xf32>,
        %get3A_416 = arith.index_cast %scan3A_400 : i32 to index
        %get3A_417 = arith.constant 0 : index
        %get3A_418 = tpu.vector_load %arg16[%get3A_416, %get3A_417] {strides = array<i32>} : memref<64x128xf32, #tpu.memory_space<vmem>>, vector<1x16xf32>,
        %get3A_419 = vector.shape_cast %get3A_418 : vector<1x16xf32> to vector<16xf32>
        %slice3A = vector.extract_strided_slice %select_n3A {offsets = [0], sizes = [1], strides = [1]} : vector<16xf32> to vector<1xf32>
        %squeeze3A = vector.extract %slice3A[0] : f32 from vector<1xf32>
        %mul3A_420 = vector.broadcast %squeeze3A : f32 to vector<16xf32>
        %mul3A_421 = arith.mulf %get3A_419, %mul3A_420 : vector<16xf32>
        %swap3A_422 = arith.index_cast %scan3A_400 : i32 to index
        %swap3A_423 = arith.constant 0 : index
        %swap3A_424 = tpu.vector_load %arg16[%swap3A_422, %swap3A_423] {strides = array<i32>} : memref<64x128xf32, #tpu.memory_space<vmem>>, vector<1x16xf32>,
        %swap3A_425 = vector.shape_cast %swap3A_424 : vector<1x16xf32> to vector<16xf32>
        %swap3A_426 = vector.shape_cast %mul3A_421 : vector<16xf32> to vector<1x16xf32>
        tpu.vector_store %arg16[%swap3A_422, %swap3A_423], %swap3A_426 {strides = array<i32>} : memref<64x128xf32, #tpu.memory_space<vmem>>, vector<1x16xf32>,
        %get3A_427 = arith.index_cast %scan3A_400 : i32 to index
        %get3A_428 = arith.constant 16 : index
        %get3A_429 = tpu.vector_load %arg16[%get3A_427, %get3A_428] {strides = array<i32>} : memref<64x128xf32, #tpu.memory_space<vmem>>, vector<1x16xf32>,
        %get3A_430 = vector.shape_cast %get3A_429 : vector<1x16xf32> to vector<16xf32>
        %slice3A_431 = vector.extract_strided_slice %select_n3A {offsets = [0], sizes = [1], strides = [1]} : vector<16xf32> to vector<1xf32>
        %squeeze3A_432 = vector.extract %slice3A_431[0] : f32 from vector<1xf32>
        %mul3A_433 = vector.broadcast %squeeze3A_432 : f32 to vector<16xf32>
        %mul3A_434 = arith.mulf %get3A_430, %mul3A_433 : vector<16xf32>
        %swap3A_435 = arith.index_cast %scan3A_400 : i32 to index
        %swap3A_436 = arith.constant 16 : index
        %swap3A_437 = tpu.vector_load %arg16[%swap3A_435, %swap3A_436] {strides = array<i32>} : memref<64x128xf32, #tpu.memory_space<vmem>>, vector<1x16xf32>,
        %swap3A_438 = vector.shape_cast %swap3A_437 : vector<1x16xf32> to vector<16xf32>
        %swap3A_439 = vector.shape_cast %mul3A_434 : vector<16xf32> to vector<1x16xf32>
        tpu.vector_store %arg16[%swap3A_435, %swap3A_436], %swap3A_439 {strides = array<i32>} : memref<64x128xf32, #tpu.memory_space<vmem>>, vector<1x16xf32>,
        %get3A_440 = arith.index_cast %scan3A_400 : i32 to index
        %get3A_441 = arith.constant 32 : index
        %get3A_442 = tpu.vector_load %arg16[%get3A_440, %get3A_441] {strides = array<i32>} : memref<64x128xf32, #tpu.memory_space<vmem>>, vector<1x16xf32>,
        %get3A_443 = vector.shape_cast %get3A_442 : vector<1x16xf32> to vector<16xf32>
        %slice3A_444 = vector.extract_strided_slice %select_n3A {offsets = [1], sizes = [1], strides = [1]} : vector<16xf32> to vector<1xf32>
        %squeeze3A_445 = vector.extract %slice3A_444[0] : f32 from vector<1xf32>
        %mul3A_446 = vector.broadcast %squeeze3A_445 : f32 to vector<16xf32>
        %mul3A_447 = arith.mulf %get3A_443, %mul3A_446 : vector<16xf32>
        %swap3A_448 = arith.index_cast %scan3A_400 : i32 to index
        %swap3A_449 = arith.constant 32 : index
        %swap3A_450 = tpu.vector_load %arg16[%swap3A_448, %swap3A_449] {strides = array<i32>} : memref<64x128xf32, #tpu.memory_space<vmem>>, vector<1x16xf32>,
        %swap3A_451 = vector.shape_cast %swap3A_450 : vector<1x16xf32> to vector<16xf32>
        %swap3A_452 = vector.shape_cast %mul3A_447 : vector<16xf32> to vector<1x16xf32>
        tpu.vector_store %arg16[%swap3A_448, %swap3A_449], %swap3A_452 {strides = array<i32>} : memref<64x128xf32, #tpu.memory_space<vmem>>, vector<1x16xf32>,
        %get3A_453 = arith.index_cast %scan3A_400 : i32 to index
        %get3A_454 = arith.constant 48 : index
        %get3A_455 = tpu.vector_load %arg16[%get3A_453, %get3A_454] {strides = array<i32>} : memref<64x128xf32, #tpu.memory_space<vmem>>, vector<1x16xf32>,
        %get3A_456 = vector.shape_cast %get3A_455 : vector<1x16xf32> to vector<16xf32>
        %slice3A_457 = vector.extract_strided_slice %select_n3A {offsets = [1], sizes = [1], strides = [1]} : vector<16xf32> to vector<1xf32>
        %squeeze3A_458 = vector.extract %slice3A_457[0] : f32 from vector<1xf32>
        %mul3A_459 = vector.broadcast %squeeze3A_458 : f32 to vector<16xf32>
        %mul3A_460 = arith.mulf %get3A_456, %mul3A_459 : vector<16xf32>
        %swap3A_461 = arith.index_cast %scan3A_400 : i32 to index
        %swap3A_462 = arith.constant 48 : index
        %swap3A_463 = tpu.vector_load %arg16[%swap3A_461, %swap3A_462] {strides = array<i32>} : memref<64x128xf32, #tpu.memory_space<vmem>>, vector<1x16xf32>,
        %swap3A_464 = vector.shape_cast %swap3A_463 : vector<1x16xf32> to vector<16xf32>
        %swap3A_465 = vector.shape_cast %mul3A_460 : vector<16xf32> to vector<1x16xf32>
        tpu.vector_store %arg16[%swap3A_461, %swap3A_462], %swap3A_465 {strides = array<i32>} : memref<64x128xf32, #tpu.memory_space<vmem>>, vector<1x16xf32>,
        %get3A_466 = arith.index_cast %scan3A_400 : i32 to index
        %get3A_467 = arith.constant 64 : index
        %get3A_468 = tpu.vector_load %arg16[%get3A_466, %get3A_467] {strides = array<i32>} : memref<64x128xf32, #tpu.memory_space<vmem>>, vector<1x16xf32>,
        %get3A_469 = vector.shape_cast %get3A_468 : vector<1x16xf32> to vector<16xf32>
        %slice3A_470 = vector.extract_strided_slice %select_n3A {offsets = [2], sizes = [1], strides = [1]} : vector<16xf32> to vector<1xf32>
        %squeeze3A_471 = vector.extract %slice3A_470[0] : f32 from vector<1xf32>
        %mul3A_472 = vector.broadcast %squeeze3A_471 : f32 to vector<16xf32>
        %mul3A_473 = arith.mulf %get3A_469, %mul3A_472 : vector<16xf32>
        %swap3A_474 = arith.index_cast %scan3A_400 : i32 to index
        %swap3A_475 = arith.constant 64 : index
        %swap3A_476 = tpu.vector_load %arg16[%swap3A_474, %swap3A_475] {strides = array<i32>} : memref<64x128xf32, #tpu.memory_space<vmem>>, vector<1x16xf32>,
        %swap3A_477 = vector.shape_cast %swap3A_476 : vector<1x16xf32> to vector<16xf32>
        %swap3A_478 = vector.shape_cast %mul3A_473 : vector<16xf32> to vector<1x16xf32>
        tpu.vector_store %arg16[%swap3A_474, %swap3A_475], %swap3A_478 {strides = array<i32>} : memref<64x128xf32, #tpu.memory_space<vmem>>, vector<1x16xf32>,
        %get3A_479 = arith.index_cast %scan3A_400 : i32 to index
        %get3A_480 = arith.constant 80 : index
        %get3A_481 = tpu.vector_load %arg16[%get3A_479, %get3A_480] {strides = array<i32>} : memref<64x128xf32, #tpu.memory_space<vmem>>, vector<1x16xf32>,
        %get3A_482 = vector.shape_cast %get3A_481 : vector<1x16xf32> to vector<16xf32>
        %slice3A_483 = vector.extract_strided_slice %select_n3A {offsets = [2], sizes = [1], strides = [1]} : vector<16xf32> to vector<1xf32>
        %squeeze3A_484 = vector.extract %slice3A_483[0] : f32 from vector<1xf32>
        %mul3A_485 = vector.broadcast %squeeze3A_484 : f32 to vector<16xf32>
        %mul3A_486 = arith.mulf %get3A_482, %mul3A_485 : vector<16xf32>
        %swap3A_487 = arith.index_cast %scan3A_400 : i32 to index
        %swap3A_488 = arith.constant 80 : index
        %swap3A_489 = tpu.vector_load %arg16[%swap3A_487, %swap3A_488] {strides = array<i32>} : memref<64x128xf32, #tpu.memory_space<vmem>>, vector<1x16xf32>,
        %swap3A_490 = vector.shape_cast %swap3A_489 : vector<1x16xf32> to vector<16xf32>
        %swap3A_491 = vector.shape_cast %mul3A_486 : vector<16xf32> to vector<1x16xf32>
        tpu.vector_store %arg16[%swap3A_487, %swap3A_488], %swap3A_491 {strides = array<i32>} : memref<64x128xf32, #tpu.memory_space<vmem>>, vector<1x16xf32>,
        %get3A_492 = arith.index_cast %scan3A_400 : i32 to index
        %get3A_493 = arith.constant 96 : index
        %get3A_494 = tpu.vector_load %arg16[%get3A_492, %get3A_493] {strides = array<i32>} : memref<64x128xf32, #tpu.memory_space<vmem>>, vector<1x16xf32>,
        %get3A_495 = vector.shape_cast %get3A_494 : vector<1x16xf32> to vector<16xf32>
        %slice3A_496 = vector.extract_strided_slice %select_n3A {offsets = [3], sizes = [1], strides = [1]} : vector<16xf32> to vector<1xf32>
        %squeeze3A_497 = vector.extract %slice3A_496[0] : f32 from vector<1xf32>
        %mul3A_498 = vector.broadcast %squeeze3A_497 : f32 to vector<16xf32>
        %mul3A_499 = arith.mulf %get3A_495, %mul3A_498 : vector<16xf32>
        %swap3A_500 = arith.index_cast %scan3A_400 : i32 to index
        %swap3A_501 = arith.constant 96 : index
        %swap3A_502 = tpu.vector_load %arg16[%swap3A_500, %swap3A_501] {strides = array<i32>} : memref<64x128xf32, #tpu.memory_space<vmem>>, vector<1x16xf32>,
        %swap3A_503 = vector.shape_cast %swap3A_502 : vector<1x16xf32> to vector<16xf32>
        %swap3A_504 = vector.shape_cast %mul3A_499 : vector<16xf32> to vector<1x16xf32>
        tpu.vector_store %arg16[%swap3A_500, %swap3A_501], %swap3A_504 {strides = array<i32>} : memref<64x128xf32, #tpu.memory_space<vmem>>, vector<1x16xf32>,
        %get3A_505 = arith.index_cast %scan3A_400 : i32 to index
        %get3A_506 = arith.constant 112 : index
        %get3A_507 = tpu.vector_load %arg16[%get3A_505, %get3A_506] {strides = array<i32>} : memref<64x128xf32, #tpu.memory_space<vmem>>, vector<1x16xf32>,
        %get3A_508 = vector.shape_cast %get3A_507 : vector<1x16xf32> to vector<16xf32>
        %slice3A_509 = vector.extract_strided_slice %select_n3A {offsets = [3], sizes = [1], strides = [1]} : vector<16xf32> to vector<1xf32>
        %squeeze3A_510 = vector.extract %slice3A_509[0] : f32 from vector<1xf32>
        %mul3A_511 = vector.broadcast %squeeze3A_510 : f32 to vector<16xf32>
        %mul3A_512 = arith.mulf %get3A_508, %mul3A_511 : vector<16xf32>
        %swap3A_513 = arith.index_cast %scan3A_400 : i32 to index
        %swap3A_514 = arith.constant 112 : index
        %swap3A_515 = tpu.vector_load %arg16[%swap3A_513, %swap3A_514] {strides = array<i32>} : memref<64x128xf32, #tpu.memory_space<vmem>>, vector<1x16xf32>,
        %swap3A_516 = vector.shape_cast %swap3A_515 : vector<1x16xf32> to vector<16xf32>
        %swap3A_517 = vector.shape_cast %mul3A_512 : vector<16xf32> to vector<1x16xf32>
        tpu.vector_store %arg16[%swap3A_513, %swap3A_514], %swap3A_517 {strides = array<i32>} : memref<64x128xf32, #tpu.memory_space<vmem>>, vector<1x16xf32>,
      }
      %scan3A_299 = arith.constant 64 : i32
      %dma_start3A_300 = arith.constant 0 : i32
      %dma_start3A_301 = arith.constant 0 : i32
      %dma_start3A_302 = tpu.memref_slice %arg14[%dma_start3A_300, %dma_start3A_301] : memref<1x64xi32, #tpu.memory_space<vmem>> -> memref<1x64xi32, #tpu.memory_space<vmem>>
      %dma_start3A_303 = tpu.memref_squeeze %dma_start3A_302 : memref<1x64xi32, #tpu.memory_space<vmem>> -> memref<64xi32, #tpu.memory_space<vmem>>
      %dma_start3A_304 = arith.constant 0 : i32
      %dma_start3A_305 = arith.constant 0 : i32
      %dma_start3A_306 = tpu.memref_slice %arg10[%dma_start3A_304, %dma_start3A_305] : memref<10624x16xf32, #tpu.memory_space<vmem_shared>> -> memref<10624x16xf32, #tpu.memory_space<vmem_shared>>
      tpu.enqueue_indirect_dma source(%arg22 : memref<64x16xf32, #tpu.memory_space<vmem>>) target(%dma_start3A_306 : memref<10624x16xf32, #tpu.memory_space<vmem_shared>>) offsets(%dma_start3A_303 : memref<64xi32, #tpu.memory_space<vmem>>) semaphore(%arg26 : memref<!tpu.dma_semaphore, #tpu.memory_space<semaphore_mem>>) {add = true}
      %dma_start3A_307 = arith.constant 0 : i32
      %dma_start3A_308 = arith.constant 0 : i32
      %dma_start3A_309 = tpu.memref_slice %arg14[%dma_start3A_307, %dma_start3A_308] : memref<1x64xi32, #tpu.memory_space<vmem>> -> memref<1x64xi32, #tpu.memory_space<vmem>>
      %dma_start3A_310 = tpu.memref_squeeze %dma_start3A_309 : memref<1x64xi32, #tpu.memory_space<vmem>> -> memref<64xi32, #tpu.memory_space<vmem>>
      %dma_start3A_311 = arith.constant 0 : i32
      %dma_start3A_312 = arith.constant 0 : i32
      %dma_start3A_313 = tpu.memref_slice %arg9[%dma_start3A_311, %dma_start3A_312] : memref<10624x128xf32, #tpu.memory_space<vmem_shared>> -> memref<10624x128xf32, #tpu.memory_space<vmem_shared>>
      tpu.enqueue_indirect_dma source(%arg16 : memref<64x128xf32, #tpu.memory_space<vmem>>) target(%dma_start3A_313 : memref<10624x128xf32, #tpu.memory_space<vmem_shared>>) offsets(%dma_start3A_310 : memref<64xi32, #tpu.memory_space<vmem>>) semaphore(%arg26 : memref<!tpu.dma_semaphore, #tpu.memory_space<semaphore_mem>>) {add = true}
      %mul3A_314 = arith.constant 2 : i32
      %mul3A_315 = arith.muli %scan3A_227, %mul3A_314 : i32
      %add3A_316 = arith.constant 1 : i32
      %add3A_317 = arith.addi %add3A_316, %mul3A_315 : i32
      %add3A_318 = arith.constant 1 : i32
      %add3A_319 = arith.addi %add3A_317, %add3A_318 : i32
      %dma_wait3A_320 = arith.constant 0 : i32
      %dma_wait3A_321 = arith.constant 0 : i32
      %dma_wait3A_322 = tpu.memref_slice %arg11[%dma_wait3A_320, %dma_wait3A_321] : memref<1x64xi32, #tpu.memory_space<vmem>> -> memref<1x64xi32, #tpu.memory_space<vmem>>
      %dma_wait3A_323 = tpu.memref_squeeze %dma_wait3A_322 : memref<1x64xi32, #tpu.memory_space<vmem>> -> memref<64xi32, #tpu.memory_space<vmem>>
      %dma_wait3A_324 = arith.constant 0 : i32
      %dma_wait3A_325 = arith.constant 0 : i32
      %dma_wait3A_326 = tpu.memref_slice %arg4[%dma_wait3A_324, %dma_wait3A_325] : memref<10624x128xf32, #tpu.memory_space<hbm>> -> memref<10624x128xf32, #tpu.memory_space<hbm>>
      tpu.wait_indirect_dma semaphore(%arg23 : memref<!tpu.dma_semaphore, #tpu.memory_space<semaphore_mem>>) src(%dma_wait3A_326 : memref<10624x128xf32, #tpu.memory_space<hbm>>) dst(%arg15 : memref<64x128xf32, #tpu.memory_space<vmem>>)
      %dma_wait3A_327 = arith.constant 0 : i32
      %dma_wait3A_328 = arith.constant 0 : i32
      %dma_wait3A_329 = tpu.memref_slice %arg11[%dma_wait3A_327, %dma_wait3A_328] : memref<1x64xi32, #tpu.memory_space<vmem>> -> memref<1x64xi32, #tpu.memory_space<vmem>>
      %dma_wait3A_330 = tpu.memref_squeeze %dma_wait3A_329 : memref<1x64xi32, #tpu.memory_space<vmem>> -> memref<64xi32, #tpu.memory_space<vmem>>
      %dma_wait3A_331 = arith.constant 0 : i32
      %dma_wait3A_332 = arith.constant 0 : i32
      %dma_wait3A_333 = tpu.memref_slice %arg5[%dma_wait3A_331, %dma_wait3A_332] : memref<10624x16xf32, #tpu.memory_space<hbm>> -> memref<10624x16xf32, #tpu.memory_space<hbm>>
      tpu.wait_indirect_dma semaphore(%arg23 : memref<!tpu.dma_semaphore, #tpu.memory_space<semaphore_mem>>) src(%dma_wait3A_333 : memref<10624x16xf32, #tpu.memory_space<hbm>>) dst(%arg17 : memref<64x16xf32, #tpu.memory_space<vmem>>)
      %dma_wait3A_334 = arith.constant 0 : i32
      %dma_wait3A_335 = arith.constant 0 : i32
      %dma_wait3A_336 = tpu.memref_slice %arg13[%dma_wait3A_334, %dma_wait3A_335] : memref<1x64xi32, #tpu.memory_space<vmem>> -> memref<1x64xi32, #tpu.memory_space<vmem>>
      %dma_wait3A_337 = tpu.memref_squeeze %dma_wait3A_336 : memref<1x64xi32, #tpu.memory_space<vmem>> -> memref<64xi32, #tpu.memory_space<vmem>>
      %dma_wait3A_338 = arith.constant 0 : i32
      %dma_wait3A_339 = arith.constant 0 : i32
      %dma_wait3A_340 = tpu.memref_slice %arg6[%dma_wait3A_338, %dma_wait3A_339] : memref<10624x16xf32, #tpu.memory_space<hbm>> -> memref<10624x16xf32, #tpu.memory_space<hbm>>
      tpu.wait_indirect_dma semaphore(%arg23 : memref<!tpu.dma_semaphore, #tpu.memory_space<semaphore_mem>>) src(%dma_wait3A_340 : memref<10624x16xf32, #tpu.memory_space<hbm>>) dst(%arg19 : memref<64x16xf32, #tpu.memory_space<vmem>>)
      %dma_wait3A_341 = arith.constant 0 : i32
      %dma_wait3A_342 = arith.constant 0 : i32
      %dma_wait3A_343 = tpu.memref_slice %arg14[%dma_wait3A_341, %dma_wait3A_342] : memref<1x64xi32, #tpu.memory_space<vmem>> -> memref<1x64xi32, #tpu.memory_space<vmem>>
      %dma_wait3A_344 = tpu.memref_squeeze %dma_wait3A_343 : memref<1x64xi32, #tpu.memory_space<vmem>> -> memref<64xi32, #tpu.memory_space<vmem>>
      %dma_wait3A_345 = arith.constant 0 : i32
      %dma_wait3A_346 = arith.constant 0 : i32
      %dma_wait3A_347 = tpu.memref_slice %arg10[%dma_wait3A_345, %dma_wait3A_346] : memref<10624x16xf32, #tpu.memory_space<vmem_shared>> -> memref<10624x16xf32, #tpu.memory_space<vmem_shared>>
      tpu.wait_indirect_dma semaphore(%arg26 : memref<!tpu.dma_semaphore, #tpu.memory_space<semaphore_mem>>) src(%arg22 : memref<64x16xf32, #tpu.memory_space<vmem>>) dst(%dma_wait3A_347 : memref<10624x16xf32, #tpu.memory_space<vmem_shared>>)
      %dma_wait3A_348 = arith.constant 0 : i32
      %dma_wait3A_349 = arith.constant 0 : i32
      %dma_wait3A_350 = tpu.memref_slice %arg14[%dma_wait3A_348, %dma_wait3A_349] : memref<1x64xi32, #tpu.memory_space<vmem>> -> memref<1x64xi32, #tpu.memory_space<vmem>>
      %dma_wait3A_351 = tpu.memref_squeeze %dma_wait3A_350 : memref<1x64xi32, #tpu.memory_space<vmem>> -> memref<64xi32, #tpu.memory_space<vmem>>
      %dma_wait3A_352 = arith.constant 0 : i32
      %dma_wait3A_353 = arith.constant 0 : i32
      %dma_wait3A_354 = tpu.memref_slice %arg9[%dma_wait3A_352, %dma_wait3A_353] : memref<10624x128xf32, #tpu.memory_space<vmem_shared>> -> memref<10624x128xf32, #tpu.memory_space<vmem_shared>>
      tpu.wait_indirect_dma semaphore(%arg26 : memref<!tpu.dma_semaphore, #tpu.memory_space<semaphore_mem>>) src(%arg16 : memref<64x128xf32, #tpu.memory_space<vmem>>) dst(%dma_wait3A_354 : memref<10624x128xf32, #tpu.memory_space<vmem_shared>>)
      %add3A_355 = arith.constant 1 : i32
      %add3A_356 = arith.addi %add3A_319, %add3A_355 : i32
      %add3A_357 = arith.addi %mul3A_55, %add3A_356 : i32
      "tpu.region"() ({
        %run_scoped3A = tpu.sem_alloc : memref<!tpu.dma_semaphore, #tpu.memory_space<semaphore_mem>>
        %dma_start3A_400 = arith.constant 0 : i32
        %dma_start3A_401 = tpu.memref_slice %arg2[%add3A_357, %dma_start3A_400] : memref<5056x64xi32, #tpu.memory_space<hbm>> -> memref<1x64xi32, #tpu.memory_space<hbm>>
        %dma_start3A_402 = arith.constant 0 : i32
        %dma_start3A_403 = tpu.memref_slice %arg2[%add3A_357, %dma_start3A_402] : memref<5056x64xi32, #tpu.memory_space<hbm>> -> memref<1x64xi32, #tpu.memory_space<hbm>>
        tpu.enqueue_dma source(%dma_start3A_403 : memref<1x64xi32, #tpu.memory_space<hbm>>) target(%arg12 : memref<1x64xi32, #tpu.memory_space<vmem>>) target_semaphore(%run_scoped3A : memref<!tpu.dma_semaphore, #tpu.memory_space<semaphore_mem>>)
        %dma_wait3A_404 = arith.constant 0 : i32
        %dma_wait3A_405 = tpu.memref_slice %arg2[%add3A_357, %dma_wait3A_404] : memref<5056x64xi32, #tpu.memory_space<hbm>> -> memref<1x64xi32, #tpu.memory_space<hbm>>
        %dma_wait3A_406 = arith.constant 0 : i32
        %dma_wait3A_407 = tpu.memref_slice %arg2[%add3A_357, %dma_wait3A_406] : memref<5056x64xi32, #tpu.memory_space<hbm>> -> memref<1x64xi32, #tpu.memory_space<hbm>>
        tpu.wait_dma2 semaphore(%run_scoped3A : memref<!tpu.dma_semaphore, #tpu.memory_space<semaphore_mem>>) src(%dma_wait3A_407 : memref<1x64xi32, #tpu.memory_space<hbm>>) dst(%arg12 : memref<1x64xi32, #tpu.memory_space<vmem>>)
        tpu.yield
      }) : () -> ()
      %add3A_358 = arith.addi %mul3A_55, %add3A_356 : i32
      "tpu.region"() ({
        %run_scoped3A = tpu.sem_alloc : memref<!tpu.dma_semaphore, #tpu.memory_space<semaphore_mem>>
        %dma_start3A_400 = arith.constant 0 : i32
        %dma_start3A_401 = tpu.memref_slice %arg3[%add3A_358, %dma_start3A_400] : memref<5056x64xi32, #tpu.memory_space<hbm>> -> memref<1x64xi32, #tpu.memory_space<hbm>>
        %dma_start3A_402 = arith.constant 0 : i32
        %dma_start3A_403 = tpu.memref_slice %arg3[%add3A_358, %dma_start3A_402] : memref<5056x64xi32, #tpu.memory_space<hbm>> -> memref<1x64xi32, #tpu.memory_space<hbm>>
        tpu.enqueue_dma source(%dma_start3A_403 : memref<1x64xi32, #tpu.memory_space<hbm>>) target(%arg14 : memref<1x64xi32, #tpu.memory_space<vmem>>) target_semaphore(%run_scoped3A : memref<!tpu.dma_semaphore, #tpu.memory_space<semaphore_mem>>)
        %dma_wait3A_404 = arith.constant 0 : i32
        %dma_wait3A_405 = tpu.memref_slice %arg3[%add3A_358, %dma_wait3A_404] : memref<5056x64xi32, #tpu.memory_space<hbm>> -> memref<1x64xi32, #tpu.memory_space<hbm>>
        %dma_wait3A_406 = arith.constant 0 : i32
        %dma_wait3A_407 = tpu.memref_slice %arg3[%add3A_358, %dma_wait3A_406] : memref<5056x64xi32, #tpu.memory_space<hbm>> -> memref<1x64xi32, #tpu.memory_space<hbm>>
        tpu.wait_dma2 semaphore(%run_scoped3A : memref<!tpu.dma_semaphore, #tpu.memory_space<semaphore_mem>>) src(%dma_wait3A_407 : memref<1x64xi32, #tpu.memory_space<hbm>>) dst(%arg14 : memref<1x64xi32, #tpu.memory_space<vmem>>)
        tpu.yield
      }) : () -> ()
      %dma_start3A_359 = arith.constant 0 : i32
      %dma_start3A_360 = arith.constant 0 : i32
      %dma_start3A_361 = tpu.memref_slice %arg12[%dma_start3A_359, %dma_start3A_360] : memref<1x64xi32, #tpu.memory_space<vmem>> -> memref<1x64xi32, #tpu.memory_space<vmem>>
      %dma_start3A_362 = tpu.memref_squeeze %dma_start3A_361 : memref<1x64xi32, #tpu.memory_space<vmem>> -> memref<64xi32, #tpu.memory_space<vmem>>
      %dma_start3A_363 = arith.constant 0 : i32
      %dma_start3A_364 = arith.constant 0 : i32
      %dma_start3A_365 = tpu.memref_slice %arg4[%dma_start3A_363, %dma_start3A_364] : memref<10624x128xf32, #tpu.memory_space<hbm>> -> memref<10624x128xf32, #tpu.memory_space<hbm>>
      tpu.enqueue_indirect_dma source(%dma_start3A_365 : memref<10624x128xf32, #tpu.memory_space<hbm>>) target(%arg16 : memref<64x128xf32, #tpu.memory_space<vmem>>) offsets(%dma_start3A_362 : memref<64xi32, #tpu.memory_space<vmem>>) semaphore(%arg24 : memref<!tpu.dma_semaphore, #tpu.memory_space<semaphore_mem>>)
      %dma_start3A_366 = arith.constant 0 : i32
      %dma_start3A_367 = arith.constant 0 : i32
      %dma_start3A_368 = tpu.memref_slice %arg12[%dma_start3A_366, %dma_start3A_367] : memref<1x64xi32, #tpu.memory_space<vmem>> -> memref<1x64xi32, #tpu.memory_space<vmem>>
      %dma_start3A_369 = tpu.memref_squeeze %dma_start3A_368 : memref<1x64xi32, #tpu.memory_space<vmem>> -> memref<64xi32, #tpu.memory_space<vmem>>
      %dma_start3A_370 = arith.constant 0 : i32
      %dma_start3A_371 = arith.constant 0 : i32
      %dma_start3A_372 = tpu.memref_slice %arg5[%dma_start3A_370, %dma_start3A_371] : memref<10624x16xf32, #tpu.memory_space<hbm>> -> memref<10624x16xf32, #tpu.memory_space<hbm>>
      tpu.enqueue_indirect_dma source(%dma_start3A_372 : memref<10624x16xf32, #tpu.memory_space<hbm>>) target(%arg18 : memref<64x16xf32, #tpu.memory_space<vmem>>) offsets(%dma_start3A_369 : memref<64xi32, #tpu.memory_space<vmem>>) semaphore(%arg24 : memref<!tpu.dma_semaphore, #tpu.memory_space<semaphore_mem>>)
      %dma_start3A_373 = arith.constant 0 : i32
      %dma_start3A_374 = arith.constant 0 : i32
      %dma_start3A_375 = tpu.memref_slice %arg14[%dma_start3A_373, %dma_start3A_374] : memref<1x64xi32, #tpu.memory_space<vmem>> -> memref<1x64xi32, #tpu.memory_space<vmem>>
      %dma_start3A_376 = tpu.memref_squeeze %dma_start3A_375 : memref<1x64xi32, #tpu.memory_space<vmem>> -> memref<64xi32, #tpu.memory_space<vmem>>
      %dma_start3A_377 = arith.constant 0 : i32
      %dma_start3A_378 = arith.constant 0 : i32
      %dma_start3A_379 = tpu.memref_slice %arg6[%dma_start3A_377, %dma_start3A_378] : memref<10624x16xf32, #tpu.memory_space<hbm>> -> memref<10624x16xf32, #tpu.memory_space<hbm>>
      tpu.enqueue_indirect_dma source(%dma_start3A_379 : memref<10624x16xf32, #tpu.memory_space<hbm>>) target(%arg20 : memref<64x16xf32, #tpu.memory_space<vmem>>) offsets(%dma_start3A_376 : memref<64xi32, #tpu.memory_space<vmem>>) semaphore(%arg24 : memref<!tpu.dma_semaphore, #tpu.memory_space<semaphore_mem>>)
      %scan3A_380 = arith.constant 0 : i32
      %scan3A_381 = arith.constant 0 : i32
      %scan3A_382 = arith.constant 64 : i32
      %scan3A_383 = arith.addi %scan3A_381, %scan3A_382 : i32
      %scan3A_384 = arith.constant 1 : i32
      scf.for %scan3A_400 = %scan3A_381 to %scan3A_383 step %scan3A_384  : i32 {
        %get3A = arith.index_cast %scan3A_400 : i32 to index
        %get3A_401 = arith.constant 0 : index
        %get3A_402 = tpu.vector_load %arg17[%get3A, %get3A_401] {strides = array<i32>} : memref<64x16xf32, #tpu.memory_space<vmem>>, vector<1x16xf32>,
        %get3A_403 = vector.shape_cast %get3A_402 : vector<1x16xf32> to vector<16xf32>
        %get3A_404 = arith.index_cast %scan3A_400 : i32 to index
        %get3A_405 = arith.constant 0 : index
        %get3A_406 = tpu.vector_load %arg19[%get3A_404, %get3A_405] {strides = array<i32>} : memref<64x16xf32, #tpu.memory_space<vmem>>, vector<1x16xf32>,
        %get3A_407 = vector.shape_cast %get3A_406 : vector<1x16xf32> to vector<16xf32>
        %add3A_408 = arith.addf %get3A_403, %get3A_407 : vector<16xf32>
        %mul3A_409 = arith.constant 2.000000e-01 : f32
        %mul3A_410 = vector.broadcast %mul3A_409 : f32 to vector<16xf32>
        %mul3A_411 = arith.mulf %add3A_408, %mul3A_410 : vector<16xf32>
        %max3A = arith.maximumf %add3A_408, %mul3A_411 : vector<16xf32>
        %exp3A = math.exp %max3A : vector<16xf32>
        %jit3A = arith.constant 0.000000e+00 : f32
        %broadcast_in_dim3A = vector.broadcast %jit3A : f32 to vector<16xf32>
        %select_n3A = arith.select %lt3A_2, %exp3A, %broadcast_in_dim3A : vector<16xi1>, vector<16xf32>
        %swap3A = arith.index_cast %scan3A_400 : i32 to index
        %swap3A_412 = arith.constant 0 : index
        %swap3A_413 = tpu.vector_load %arg21[%swap3A, %swap3A_412] {strides = array<i32>} : memref<64x16xf32, #tpu.memory_space<vmem>>, vector<1x16xf32>,
        %swap3A_414 = vector.shape_cast %swap3A_413 : vector<1x16xf32> to vector<16xf32>
        %swap3A_415 = vector.shape_cast %select_n3A : vector<16xf32> to vector<1x16xf32>
        tpu.vector_store %arg21[%swap3A, %swap3A_412], %swap3A_415 {strides = array<i32>} : memref<64x16xf32, #tpu.memory_space<vmem>>, vector<1x16xf32>,
        %get3A_416 = arith.index_cast %scan3A_400 : i32 to index
        %get3A_417 = arith.constant 0 : index
        %get3A_418 = tpu.vector_load %arg15[%get3A_416, %get3A_417] {strides = array<i32>} : memref<64x128xf32, #tpu.memory_space<vmem>>, vector<1x16xf32>,
        %get3A_419 = vector.shape_cast %get3A_418 : vector<1x16xf32> to vector<16xf32>
        %slice3A = vector.extract_strided_slice %select_n3A {offsets = [0], sizes = [1], strides = [1]} : vector<16xf32> to vector<1xf32>
        %squeeze3A = vector.extract %slice3A[0] : f32 from vector<1xf32>
        %mul3A_420 = vector.broadcast %squeeze3A : f32 to vector<16xf32>
        %mul3A_421 = arith.mulf %get3A_419, %mul3A_420 : vector<16xf32>
        %swap3A_422 = arith.index_cast %scan3A_400 : i32 to index
        %swap3A_423 = arith.constant 0 : index
        %swap3A_424 = tpu.vector_load %arg15[%swap3A_422, %swap3A_423] {strides = array<i32>} : memref<64x128xf32, #tpu.memory_space<vmem>>, vector<1x16xf32>,
        %swap3A_425 = vector.shape_cast %swap3A_424 : vector<1x16xf32> to vector<16xf32>
        %swap3A_426 = vector.shape_cast %mul3A_421 : vector<16xf32> to vector<1x16xf32>
        tpu.vector_store %arg15[%swap3A_422, %swap3A_423], %swap3A_426 {strides = array<i32>} : memref<64x128xf32, #tpu.memory_space<vmem>>, vector<1x16xf32>,
        %get3A_427 = arith.index_cast %scan3A_400 : i32 to index
        %get3A_428 = arith.constant 16 : index
        %get3A_429 = tpu.vector_load %arg15[%get3A_427, %get3A_428] {strides = array<i32>} : memref<64x128xf32, #tpu.memory_space<vmem>>, vector<1x16xf32>,
        %get3A_430 = vector.shape_cast %get3A_429 : vector<1x16xf32> to vector<16xf32>
        %slice3A_431 = vector.extract_strided_slice %select_n3A {offsets = [0], sizes = [1], strides = [1]} : vector<16xf32> to vector<1xf32>
        %squeeze3A_432 = vector.extract %slice3A_431[0] : f32 from vector<1xf32>
        %mul3A_433 = vector.broadcast %squeeze3A_432 : f32 to vector<16xf32>
        %mul3A_434 = arith.mulf %get3A_430, %mul3A_433 : vector<16xf32>
        %swap3A_435 = arith.index_cast %scan3A_400 : i32 to index
        %swap3A_436 = arith.constant 16 : index
        %swap3A_437 = tpu.vector_load %arg15[%swap3A_435, %swap3A_436] {strides = array<i32>} : memref<64x128xf32, #tpu.memory_space<vmem>>, vector<1x16xf32>,
        %swap3A_438 = vector.shape_cast %swap3A_437 : vector<1x16xf32> to vector<16xf32>
        %swap3A_439 = vector.shape_cast %mul3A_434 : vector<16xf32> to vector<1x16xf32>
        tpu.vector_store %arg15[%swap3A_435, %swap3A_436], %swap3A_439 {strides = array<i32>} : memref<64x128xf32, #tpu.memory_space<vmem>>, vector<1x16xf32>,
        %get3A_440 = arith.index_cast %scan3A_400 : i32 to index
        %get3A_441 = arith.constant 32 : index
        %get3A_442 = tpu.vector_load %arg15[%get3A_440, %get3A_441] {strides = array<i32>} : memref<64x128xf32, #tpu.memory_space<vmem>>, vector<1x16xf32>,
        %get3A_443 = vector.shape_cast %get3A_442 : vector<1x16xf32> to vector<16xf32>
        %slice3A_444 = vector.extract_strided_slice %select_n3A {offsets = [1], sizes = [1], strides = [1]} : vector<16xf32> to vector<1xf32>
        %squeeze3A_445 = vector.extract %slice3A_444[0] : f32 from vector<1xf32>
        %mul3A_446 = vector.broadcast %squeeze3A_445 : f32 to vector<16xf32>
        %mul3A_447 = arith.mulf %get3A_443, %mul3A_446 : vector<16xf32>
        %swap3A_448 = arith.index_cast %scan3A_400 : i32 to index
        %swap3A_449 = arith.constant 32 : index
        %swap3A_450 = tpu.vector_load %arg15[%swap3A_448, %swap3A_449] {strides = array<i32>} : memref<64x128xf32, #tpu.memory_space<vmem>>, vector<1x16xf32>,
        %swap3A_451 = vector.shape_cast %swap3A_450 : vector<1x16xf32> to vector<16xf32>
        %swap3A_452 = vector.shape_cast %mul3A_447 : vector<16xf32> to vector<1x16xf32>
        tpu.vector_store %arg15[%swap3A_448, %swap3A_449], %swap3A_452 {strides = array<i32>} : memref<64x128xf32, #tpu.memory_space<vmem>>, vector<1x16xf32>,
        %get3A_453 = arith.index_cast %scan3A_400 : i32 to index
        %get3A_454 = arith.constant 48 : index
        %get3A_455 = tpu.vector_load %arg15[%get3A_453, %get3A_454] {strides = array<i32>} : memref<64x128xf32, #tpu.memory_space<vmem>>, vector<1x16xf32>,
        %get3A_456 = vector.shape_cast %get3A_455 : vector<1x16xf32> to vector<16xf32>
        %slice3A_457 = vector.extract_strided_slice %select_n3A {offsets = [1], sizes = [1], strides = [1]} : vector<16xf32> to vector<1xf32>
        %squeeze3A_458 = vector.extract %slice3A_457[0] : f32 from vector<1xf32>
        %mul3A_459 = vector.broadcast %squeeze3A_458 : f32 to vector<16xf32>
        %mul3A_460 = arith.mulf %get3A_456, %mul3A_459 : vector<16xf32>
        %swap3A_461 = arith.index_cast %scan3A_400 : i32 to index
        %swap3A_462 = arith.constant 48 : index
        %swap3A_463 = tpu.vector_load %arg15[%swap3A_461, %swap3A_462] {strides = array<i32>} : memref<64x128xf32, #tpu.memory_space<vmem>>, vector<1x16xf32>,
        %swap3A_464 = vector.shape_cast %swap3A_463 : vector<1x16xf32> to vector<16xf32>
        %swap3A_465 = vector.shape_cast %mul3A_460 : vector<16xf32> to vector<1x16xf32>
        tpu.vector_store %arg15[%swap3A_461, %swap3A_462], %swap3A_465 {strides = array<i32>} : memref<64x128xf32, #tpu.memory_space<vmem>>, vector<1x16xf32>,
        %get3A_466 = arith.index_cast %scan3A_400 : i32 to index
        %get3A_467 = arith.constant 64 : index
        %get3A_468 = tpu.vector_load %arg15[%get3A_466, %get3A_467] {strides = array<i32>} : memref<64x128xf32, #tpu.memory_space<vmem>>, vector<1x16xf32>,
        %get3A_469 = vector.shape_cast %get3A_468 : vector<1x16xf32> to vector<16xf32>
        %slice3A_470 = vector.extract_strided_slice %select_n3A {offsets = [2], sizes = [1], strides = [1]} : vector<16xf32> to vector<1xf32>
        %squeeze3A_471 = vector.extract %slice3A_470[0] : f32 from vector<1xf32>
        %mul3A_472 = vector.broadcast %squeeze3A_471 : f32 to vector<16xf32>
        %mul3A_473 = arith.mulf %get3A_469, %mul3A_472 : vector<16xf32>
        %swap3A_474 = arith.index_cast %scan3A_400 : i32 to index
        %swap3A_475 = arith.constant 64 : index
        %swap3A_476 = tpu.vector_load %arg15[%swap3A_474, %swap3A_475] {strides = array<i32>} : memref<64x128xf32, #tpu.memory_space<vmem>>, vector<1x16xf32>,
        %swap3A_477 = vector.shape_cast %swap3A_476 : vector<1x16xf32> to vector<16xf32>
        %swap3A_478 = vector.shape_cast %mul3A_473 : vector<16xf32> to vector<1x16xf32>
        tpu.vector_store %arg15[%swap3A_474, %swap3A_475], %swap3A_478 {strides = array<i32>} : memref<64x128xf32, #tpu.memory_space<vmem>>, vector<1x16xf32>,
        %get3A_479 = arith.index_cast %scan3A_400 : i32 to index
        %get3A_480 = arith.constant 80 : index
        %get3A_481 = tpu.vector_load %arg15[%get3A_479, %get3A_480] {strides = array<i32>} : memref<64x128xf32, #tpu.memory_space<vmem>>, vector<1x16xf32>,
        %get3A_482 = vector.shape_cast %get3A_481 : vector<1x16xf32> to vector<16xf32>
        %slice3A_483 = vector.extract_strided_slice %select_n3A {offsets = [2], sizes = [1], strides = [1]} : vector<16xf32> to vector<1xf32>
        %squeeze3A_484 = vector.extract %slice3A_483[0] : f32 from vector<1xf32>
        %mul3A_485 = vector.broadcast %squeeze3A_484 : f32 to vector<16xf32>
        %mul3A_486 = arith.mulf %get3A_482, %mul3A_485 : vector<16xf32>
        %swap3A_487 = arith.index_cast %scan3A_400 : i32 to index
        %swap3A_488 = arith.constant 80 : index
        %swap3A_489 = tpu.vector_load %arg15[%swap3A_487, %swap3A_488] {strides = array<i32>} : memref<64x128xf32, #tpu.memory_space<vmem>>, vector<1x16xf32>,
        %swap3A_490 = vector.shape_cast %swap3A_489 : vector<1x16xf32> to vector<16xf32>
        %swap3A_491 = vector.shape_cast %mul3A_486 : vector<16xf32> to vector<1x16xf32>
        tpu.vector_store %arg15[%swap3A_487, %swap3A_488], %swap3A_491 {strides = array<i32>} : memref<64x128xf32, #tpu.memory_space<vmem>>, vector<1x16xf32>,
        %get3A_492 = arith.index_cast %scan3A_400 : i32 to index
        %get3A_493 = arith.constant 96 : index
        %get3A_494 = tpu.vector_load %arg15[%get3A_492, %get3A_493] {strides = array<i32>} : memref<64x128xf32, #tpu.memory_space<vmem>>, vector<1x16xf32>,
        %get3A_495 = vector.shape_cast %get3A_494 : vector<1x16xf32> to vector<16xf32>
        %slice3A_496 = vector.extract_strided_slice %select_n3A {offsets = [3], sizes = [1], strides = [1]} : vector<16xf32> to vector<1xf32>
        %squeeze3A_497 = vector.extract %slice3A_496[0] : f32 from vector<1xf32>
        %mul3A_498 = vector.broadcast %squeeze3A_497 : f32 to vector<16xf32>
        %mul3A_499 = arith.mulf %get3A_495, %mul3A_498 : vector<16xf32>
        %swap3A_500 = arith.index_cast %scan3A_400 : i32 to index
        %swap3A_501 = arith.constant 96 : index
        %swap3A_502 = tpu.vector_load %arg15[%swap3A_500, %swap3A_501] {strides = array<i32>} : memref<64x128xf32, #tpu.memory_space<vmem>>, vector<1x16xf32>,
        %swap3A_503 = vector.shape_cast %swap3A_502 : vector<1x16xf32> to vector<16xf32>
        %swap3A_504 = vector.shape_cast %mul3A_499 : vector<16xf32> to vector<1x16xf32>
        tpu.vector_store %arg15[%swap3A_500, %swap3A_501], %swap3A_504 {strides = array<i32>} : memref<64x128xf32, #tpu.memory_space<vmem>>, vector<1x16xf32>,
        %get3A_505 = arith.index_cast %scan3A_400 : i32 to index
        %get3A_506 = arith.constant 112 : index
        %get3A_507 = tpu.vector_load %arg15[%get3A_505, %get3A_506] {strides = array<i32>} : memref<64x128xf32, #tpu.memory_space<vmem>>, vector<1x16xf32>,
        %get3A_508 = vector.shape_cast %get3A_507 : vector<1x16xf32> to vector<16xf32>
        %slice3A_509 = vector.extract_strided_slice %select_n3A {offsets = [3], sizes = [1], strides = [1]} : vector<16xf32> to vector<1xf32>
        %squeeze3A_510 = vector.extract %slice3A_509[0] : f32 from vector<1xf32>
        %mul3A_511 = vector.broadcast %squeeze3A_510 : f32 to vector<16xf32>
        %mul3A_512 = arith.mulf %get3A_508, %mul3A_511 : vector<16xf32>
        %swap3A_513 = arith.index_cast %scan3A_400 : i32 to index
        %swap3A_514 = arith.constant 112 : index
        %swap3A_515 = tpu.vector_load %arg15[%swap3A_513, %swap3A_514] {strides = array<i32>} : memref<64x128xf32, #tpu.memory_space<vmem>>, vector<1x16xf32>,
        %swap3A_516 = vector.shape_cast %swap3A_515 : vector<1x16xf32> to vector<16xf32>
        %swap3A_517 = vector.shape_cast %mul3A_512 : vector<16xf32> to vector<1x16xf32>
        tpu.vector_store %arg15[%swap3A_513, %swap3A_514], %swap3A_517 {strides = array<i32>} : memref<64x128xf32, #tpu.memory_space<vmem>>, vector<1x16xf32>,
      }
      %scan3A_385 = arith.constant 64 : i32
      %dma_start3A_386 = arith.constant 0 : i32
      %dma_start3A_387 = arith.constant 0 : i32
      %dma_start3A_388 = tpu.memref_slice %arg13[%dma_start3A_386, %dma_start3A_387] : memref<1x64xi32, #tpu.memory_space<vmem>> -> memref<1x64xi32, #tpu.memory_space<vmem>>
      %dma_start3A_389 = tpu.memref_squeeze %dma_start3A_388 : memref<1x64xi32, #tpu.memory_space<vmem>> -> memref<64xi32, #tpu.memory_space<vmem>>
      %dma_start3A_390 = arith.constant 0 : i32
      %dma_start3A_391 = arith.constant 0 : i32
      %dma_start3A_392 = tpu.memref_slice %arg10[%dma_start3A_390, %dma_start3A_391] : memref<10624x16xf32, #tpu.memory_space<vmem_shared>> -> memref<10624x16xf32, #tpu.memory_space<vmem_shared>>
      tpu.enqueue_indirect_dma source(%arg21 : memref<64x16xf32, #tpu.memory_space<vmem>>) target(%dma_start3A_392 : memref<10624x16xf32, #tpu.memory_space<vmem_shared>>) offsets(%dma_start3A_389 : memref<64xi32, #tpu.memory_space<vmem>>) semaphore(%arg25 : memref<!tpu.dma_semaphore, #tpu.memory_space<semaphore_mem>>) {add = true}
      %dma_start3A_393 = arith.constant 0 : i32
      %dma_start3A_394 = arith.constant 0 : i32
      %dma_start3A_395 = tpu.memref_slice %arg13[%dma_start3A_393, %dma_start3A_394] : memref<1x64xi32, #tpu.memory_space<vmem>> -> memref<1x64xi32, #tpu.memory_space<vmem>>
      %dma_start3A_396 = tpu.memref_squeeze %dma_start3A_395 : memref<1x64xi32, #tpu.memory_space<vmem>> -> memref<64xi32, #tpu.memory_space<vmem>>
      %dma_start3A_397 = arith.constant 0 : i32
      %dma_start3A_398 = arith.constant 0 : i32
      %dma_start3A_399 = tpu.memref_slice %arg9[%dma_start3A_397, %dma_start3A_398] : memref<10624x128xf32, #tpu.memory_space<vmem_shared>> -> memref<10624x128xf32, #tpu.memory_space<vmem_shared>>
      tpu.enqueue_indirect_dma source(%arg15 : memref<64x128xf32, #tpu.memory_space<vmem>>) target(%dma_start3A_399 : memref<10624x128xf32, #tpu.memory_space<vmem_shared>>) offsets(%dma_start3A_396 : memref<64xi32, #tpu.memory_space<vmem>>) semaphore(%arg25 : memref<!tpu.dma_semaphore, #tpu.memory_space<semaphore_mem>>) {add = true}
    }
    %scan3A_150 = arith.constant 78 : i32
    %dma_wait3A_151 = arith.constant 0 : i32
    %dma_wait3A_152 = arith.constant 0 : i32
    %dma_wait3A_153 = tpu.memref_slice %arg12[%dma_wait3A_151, %dma_wait3A_152] : memref<1x64xi32, #tpu.memory_space<vmem>> -> memref<1x64xi32, #tpu.memory_space<vmem>>
    %dma_wait3A_154 = tpu.memref_squeeze %dma_wait3A_153 : memref<1x64xi32, #tpu.memory_space<vmem>> -> memref<64xi32, #tpu.memory_space<vmem>>
    %dma_wait3A_155 = arith.constant 0 : i32
    %dma_wait3A_156 = arith.constant 0 : i32
    %dma_wait3A_157 = tpu.memref_slice %arg4[%dma_wait3A_155, %dma_wait3A_156] : memref<10624x128xf32, #tpu.memory_space<hbm>> -> memref<10624x128xf32, #tpu.memory_space<hbm>>
    tpu.wait_indirect_dma semaphore(%arg24 : memref<!tpu.dma_semaphore, #tpu.memory_space<semaphore_mem>>) src(%dma_wait3A_157 : memref<10624x128xf32, #tpu.memory_space<hbm>>) dst(%arg16 : memref<64x128xf32, #tpu.memory_space<vmem>>)
    %dma_wait3A_158 = arith.constant 0 : i32
    %dma_wait3A_159 = arith.constant 0 : i32
    %dma_wait3A_160 = tpu.memref_slice %arg12[%dma_wait3A_158, %dma_wait3A_159] : memref<1x64xi32, #tpu.memory_space<vmem>> -> memref<1x64xi32, #tpu.memory_space<vmem>>
    %dma_wait3A_161 = tpu.memref_squeeze %dma_wait3A_160 : memref<1x64xi32, #tpu.memory_space<vmem>> -> memref<64xi32, #tpu.memory_space<vmem>>
    %dma_wait3A_162 = arith.constant 0 : i32
    %dma_wait3A_163 = arith.constant 0 : i32
    %dma_wait3A_164 = tpu.memref_slice %arg5[%dma_wait3A_162, %dma_wait3A_163] : memref<10624x16xf32, #tpu.memory_space<hbm>> -> memref<10624x16xf32, #tpu.memory_space<hbm>>
    tpu.wait_indirect_dma semaphore(%arg24 : memref<!tpu.dma_semaphore, #tpu.memory_space<semaphore_mem>>) src(%dma_wait3A_164 : memref<10624x16xf32, #tpu.memory_space<hbm>>) dst(%arg18 : memref<64x16xf32, #tpu.memory_space<vmem>>)
    %dma_wait3A_165 = arith.constant 0 : i32
    %dma_wait3A_166 = arith.constant 0 : i32
    %dma_wait3A_167 = tpu.memref_slice %arg14[%dma_wait3A_165, %dma_wait3A_166] : memref<1x64xi32, #tpu.memory_space<vmem>> -> memref<1x64xi32, #tpu.memory_space<vmem>>
    %dma_wait3A_168 = tpu.memref_squeeze %dma_wait3A_167 : memref<1x64xi32, #tpu.memory_space<vmem>> -> memref<64xi32, #tpu.memory_space<vmem>>
    %dma_wait3A_169 = arith.constant 0 : i32
    %dma_wait3A_170 = arith.constant 0 : i32
    %dma_wait3A_171 = tpu.memref_slice %arg6[%dma_wait3A_169, %dma_wait3A_170] : memref<10624x16xf32, #tpu.memory_space<hbm>> -> memref<10624x16xf32, #tpu.memory_space<hbm>>
    tpu.wait_indirect_dma semaphore(%arg24 : memref<!tpu.dma_semaphore, #tpu.memory_space<semaphore_mem>>) src(%dma_wait3A_171 : memref<10624x16xf32, #tpu.memory_space<hbm>>) dst(%arg20 : memref<64x16xf32, #tpu.memory_space<vmem>>)
    %scan3A_172 = arith.constant 0 : i32
    %scan3A_173 = arith.constant 0 : i32
    %scan3A_174 = arith.constant 64 : i32
    %scan3A_175 = arith.addi %scan3A_173, %scan3A_174 : i32
    %scan3A_176 = arith.constant 1 : i32
    scf.for %scan3A_227 = %scan3A_173 to %scan3A_175 step %scan3A_176  : i32 {
      %get3A = arith.index_cast %scan3A_227 : i32 to index
      %get3A_228 = arith.constant 0 : index
      %get3A_229 = tpu.vector_load %arg18[%get3A, %get3A_228] {strides = array<i32>} : memref<64x16xf32, #tpu.memory_space<vmem>>, vector<1x16xf32>,
      %get3A_230 = vector.shape_cast %get3A_229 : vector<1x16xf32> to vector<16xf32>
      %get3A_231 = arith.index_cast %scan3A_227 : i32 to index
      %get3A_232 = arith.constant 0 : index
      %get3A_233 = tpu.vector_load %arg20[%get3A_231, %get3A_232] {strides = array<i32>} : memref<64x16xf32, #tpu.memory_space<vmem>>, vector<1x16xf32>,
      %get3A_234 = vector.shape_cast %get3A_233 : vector<1x16xf32> to vector<16xf32>
      %add3A_235 = arith.addf %get3A_230, %get3A_234 : vector<16xf32>
      %mul3A_236 = arith.constant 2.000000e-01 : f32
      %mul3A_237 = vector.broadcast %mul3A_236 : f32 to vector<16xf32>
      %mul3A_238 = arith.mulf %add3A_235, %mul3A_237 : vector<16xf32>
      %max3A = arith.maximumf %add3A_235, %mul3A_238 : vector<16xf32>
      %exp3A = math.exp %max3A : vector<16xf32>
      %jit3A = arith.constant 0.000000e+00 : f32
      %broadcast_in_dim3A = vector.broadcast %jit3A : f32 to vector<16xf32>
      %select_n3A = arith.select %lt3A_2, %exp3A, %broadcast_in_dim3A : vector<16xi1>, vector<16xf32>
      %swap3A = arith.index_cast %scan3A_227 : i32 to index
      %swap3A_239 = arith.constant 0 : index
      %swap3A_240 = tpu.vector_load %arg22[%swap3A, %swap3A_239] {strides = array<i32>} : memref<64x16xf32, #tpu.memory_space<vmem>>, vector<1x16xf32>,
      %swap3A_241 = vector.shape_cast %swap3A_240 : vector<1x16xf32> to vector<16xf32>
      %swap3A_242 = vector.shape_cast %select_n3A : vector<16xf32> to vector<1x16xf32>
      tpu.vector_store %arg22[%swap3A, %swap3A_239], %swap3A_242 {strides = array<i32>} : memref<64x16xf32, #tpu.memory_space<vmem>>, vector<1x16xf32>,
      %get3A_243 = arith.index_cast %scan3A_227 : i32 to index
      %get3A_244 = arith.constant 0 : index
      %get3A_245 = tpu.vector_load %arg16[%get3A_243, %get3A_244] {strides = array<i32>} : memref<64x128xf32, #tpu.memory_space<vmem>>, vector<1x16xf32>,
      %get3A_246 = vector.shape_cast %get3A_245 : vector<1x16xf32> to vector<16xf32>
      %slice3A = vector.extract_strided_slice %select_n3A {offsets = [0], sizes = [1], strides = [1]} : vector<16xf32> to vector<1xf32>
      %squeeze3A = vector.extract %slice3A[0] : f32 from vector<1xf32>
      %mul3A_247 = vector.broadcast %squeeze3A : f32 to vector<16xf32>
      %mul3A_248 = arith.mulf %get3A_246, %mul3A_247 : vector<16xf32>
      %swap3A_249 = arith.index_cast %scan3A_227 : i32 to index
      %swap3A_250 = arith.constant 0 : index
      %swap3A_251 = tpu.vector_load %arg16[%swap3A_249, %swap3A_250] {strides = array<i32>} : memref<64x128xf32, #tpu.memory_space<vmem>>, vector<1x16xf32>,
      %swap3A_252 = vector.shape_cast %swap3A_251 : vector<1x16xf32> to vector<16xf32>
      %swap3A_253 = vector.shape_cast %mul3A_248 : vector<16xf32> to vector<1x16xf32>
      tpu.vector_store %arg16[%swap3A_249, %swap3A_250], %swap3A_253 {strides = array<i32>} : memref<64x128xf32, #tpu.memory_space<vmem>>, vector<1x16xf32>,
      %get3A_254 = arith.index_cast %scan3A_227 : i32 to index
      %get3A_255 = arith.constant 16 : index
      %get3A_256 = tpu.vector_load %arg16[%get3A_254, %get3A_255] {strides = array<i32>} : memref<64x128xf32, #tpu.memory_space<vmem>>, vector<1x16xf32>,
      %get3A_257 = vector.shape_cast %get3A_256 : vector<1x16xf32> to vector<16xf32>
      %slice3A_258 = vector.extract_strided_slice %select_n3A {offsets = [0], sizes = [1], strides = [1]} : vector<16xf32> to vector<1xf32>
      %squeeze3A_259 = vector.extract %slice3A_258[0] : f32 from vector<1xf32>
      %mul3A_260 = vector.broadcast %squeeze3A_259 : f32 to vector<16xf32>
      %mul3A_261 = arith.mulf %get3A_257, %mul3A_260 : vector<16xf32>
      %swap3A_262 = arith.index_cast %scan3A_227 : i32 to index
      %swap3A_263 = arith.constant 16 : index
      %swap3A_264 = tpu.vector_load %arg16[%swap3A_262, %swap3A_263] {strides = array<i32>} : memref<64x128xf32, #tpu.memory_space<vmem>>, vector<1x16xf32>,
      %swap3A_265 = vector.shape_cast %swap3A_264 : vector<1x16xf32> to vector<16xf32>
      %swap3A_266 = vector.shape_cast %mul3A_261 : vector<16xf32> to vector<1x16xf32>
      tpu.vector_store %arg16[%swap3A_262, %swap3A_263], %swap3A_266 {strides = array<i32>} : memref<64x128xf32, #tpu.memory_space<vmem>>, vector<1x16xf32>,
      %get3A_267 = arith.index_cast %scan3A_227 : i32 to index
      %get3A_268 = arith.constant 32 : index
      %get3A_269 = tpu.vector_load %arg16[%get3A_267, %get3A_268] {strides = array<i32>} : memref<64x128xf32, #tpu.memory_space<vmem>>, vector<1x16xf32>,
      %get3A_270 = vector.shape_cast %get3A_269 : vector<1x16xf32> to vector<16xf32>
      %slice3A_271 = vector.extract_strided_slice %select_n3A {offsets = [1], sizes = [1], strides = [1]} : vector<16xf32> to vector<1xf32>
      %squeeze3A_272 = vector.extract %slice3A_271[0] : f32 from vector<1xf32>
      %mul3A_273 = vector.broadcast %squeeze3A_272 : f32 to vector<16xf32>
      %mul3A_274 = arith.mulf %get3A_270, %mul3A_273 : vector<16xf32>
      %swap3A_275 = arith.index_cast %scan3A_227 : i32 to index
      %swap3A_276 = arith.constant 32 : index
      %swap3A_277 = tpu.vector_load %arg16[%swap3A_275, %swap3A_276] {strides = array<i32>} : memref<64x128xf32, #tpu.memory_space<vmem>>, vector<1x16xf32>,
      %swap3A_278 = vector.shape_cast %swap3A_277 : vector<1x16xf32> to vector<16xf32>
      %swap3A_279 = vector.shape_cast %mul3A_274 : vector<16xf32> to vector<1x16xf32>
      tpu.vector_store %arg16[%swap3A_275, %swap3A_276], %swap3A_279 {strides = array<i32>} : memref<64x128xf32, #tpu.memory_space<vmem>>, vector<1x16xf32>,
      %get3A_280 = arith.index_cast %scan3A_227 : i32 to index
      %get3A_281 = arith.constant 48 : index
      %get3A_282 = tpu.vector_load %arg16[%get3A_280, %get3A_281] {strides = array<i32>} : memref<64x128xf32, #tpu.memory_space<vmem>>, vector<1x16xf32>,
      %get3A_283 = vector.shape_cast %get3A_282 : vector<1x16xf32> to vector<16xf32>
      %slice3A_284 = vector.extract_strided_slice %select_n3A {offsets = [1], sizes = [1], strides = [1]} : vector<16xf32> to vector<1xf32>
      %squeeze3A_285 = vector.extract %slice3A_284[0] : f32 from vector<1xf32>
      %mul3A_286 = vector.broadcast %squeeze3A_285 : f32 to vector<16xf32>
      %mul3A_287 = arith.mulf %get3A_283, %mul3A_286 : vector<16xf32>
      %swap3A_288 = arith.index_cast %scan3A_227 : i32 to index
      %swap3A_289 = arith.constant 48 : index
      %swap3A_290 = tpu.vector_load %arg16[%swap3A_288, %swap3A_289] {strides = array<i32>} : memref<64x128xf32, #tpu.memory_space<vmem>>, vector<1x16xf32>,
      %swap3A_291 = vector.shape_cast %swap3A_290 : vector<1x16xf32> to vector<16xf32>
      %swap3A_292 = vector.shape_cast %mul3A_287 : vector<16xf32> to vector<1x16xf32>
      tpu.vector_store %arg16[%swap3A_288, %swap3A_289], %swap3A_292 {strides = array<i32>} : memref<64x128xf32, #tpu.memory_space<vmem>>, vector<1x16xf32>,
      %get3A_293 = arith.index_cast %scan3A_227 : i32 to index
      %get3A_294 = arith.constant 64 : index
      %get3A_295 = tpu.vector_load %arg16[%get3A_293, %get3A_294] {strides = array<i32>} : memref<64x128xf32, #tpu.memory_space<vmem>>, vector<1x16xf32>,
      %get3A_296 = vector.shape_cast %get3A_295 : vector<1x16xf32> to vector<16xf32>
      %slice3A_297 = vector.extract_strided_slice %select_n3A {offsets = [2], sizes = [1], strides = [1]} : vector<16xf32> to vector<1xf32>
      %squeeze3A_298 = vector.extract %slice3A_297[0] : f32 from vector<1xf32>
      %mul3A_299 = vector.broadcast %squeeze3A_298 : f32 to vector<16xf32>
      %mul3A_300 = arith.mulf %get3A_296, %mul3A_299 : vector<16xf32>
      %swap3A_301 = arith.index_cast %scan3A_227 : i32 to index
      %swap3A_302 = arith.constant 64 : index
      %swap3A_303 = tpu.vector_load %arg16[%swap3A_301, %swap3A_302] {strides = array<i32>} : memref<64x128xf32, #tpu.memory_space<vmem>>, vector<1x16xf32>,
      %swap3A_304 = vector.shape_cast %swap3A_303 : vector<1x16xf32> to vector<16xf32>
      %swap3A_305 = vector.shape_cast %mul3A_300 : vector<16xf32> to vector<1x16xf32>
      tpu.vector_store %arg16[%swap3A_301, %swap3A_302], %swap3A_305 {strides = array<i32>} : memref<64x128xf32, #tpu.memory_space<vmem>>, vector<1x16xf32>,
      %get3A_306 = arith.index_cast %scan3A_227 : i32 to index
      %get3A_307 = arith.constant 80 : index
      %get3A_308 = tpu.vector_load %arg16[%get3A_306, %get3A_307] {strides = array<i32>} : memref<64x128xf32, #tpu.memory_space<vmem>>, vector<1x16xf32>,
      %get3A_309 = vector.shape_cast %get3A_308 : vector<1x16xf32> to vector<16xf32>
      %slice3A_310 = vector.extract_strided_slice %select_n3A {offsets = [2], sizes = [1], strides = [1]} : vector<16xf32> to vector<1xf32>
      %squeeze3A_311 = vector.extract %slice3A_310[0] : f32 from vector<1xf32>
      %mul3A_312 = vector.broadcast %squeeze3A_311 : f32 to vector<16xf32>
      %mul3A_313 = arith.mulf %get3A_309, %mul3A_312 : vector<16xf32>
      %swap3A_314 = arith.index_cast %scan3A_227 : i32 to index
      %swap3A_315 = arith.constant 80 : index
      %swap3A_316 = tpu.vector_load %arg16[%swap3A_314, %swap3A_315] {strides = array<i32>} : memref<64x128xf32, #tpu.memory_space<vmem>>, vector<1x16xf32>,
      %swap3A_317 = vector.shape_cast %swap3A_316 : vector<1x16xf32> to vector<16xf32>
      %swap3A_318 = vector.shape_cast %mul3A_313 : vector<16xf32> to vector<1x16xf32>
      tpu.vector_store %arg16[%swap3A_314, %swap3A_315], %swap3A_318 {strides = array<i32>} : memref<64x128xf32, #tpu.memory_space<vmem>>, vector<1x16xf32>,
      %get3A_319 = arith.index_cast %scan3A_227 : i32 to index
      %get3A_320 = arith.constant 96 : index
      %get3A_321 = tpu.vector_load %arg16[%get3A_319, %get3A_320] {strides = array<i32>} : memref<64x128xf32, #tpu.memory_space<vmem>>, vector<1x16xf32>,
      %get3A_322 = vector.shape_cast %get3A_321 : vector<1x16xf32> to vector<16xf32>
      %slice3A_323 = vector.extract_strided_slice %select_n3A {offsets = [3], sizes = [1], strides = [1]} : vector<16xf32> to vector<1xf32>
      %squeeze3A_324 = vector.extract %slice3A_323[0] : f32 from vector<1xf32>
      %mul3A_325 = vector.broadcast %squeeze3A_324 : f32 to vector<16xf32>
      %mul3A_326 = arith.mulf %get3A_322, %mul3A_325 : vector<16xf32>
      %swap3A_327 = arith.index_cast %scan3A_227 : i32 to index
      %swap3A_328 = arith.constant 96 : index
      %swap3A_329 = tpu.vector_load %arg16[%swap3A_327, %swap3A_328] {strides = array<i32>} : memref<64x128xf32, #tpu.memory_space<vmem>>, vector<1x16xf32>,
      %swap3A_330 = vector.shape_cast %swap3A_329 : vector<1x16xf32> to vector<16xf32>
      %swap3A_331 = vector.shape_cast %mul3A_326 : vector<16xf32> to vector<1x16xf32>
      tpu.vector_store %arg16[%swap3A_327, %swap3A_328], %swap3A_331 {strides = array<i32>} : memref<64x128xf32, #tpu.memory_space<vmem>>, vector<1x16xf32>,
      %get3A_332 = arith.index_cast %scan3A_227 : i32 to index
      %get3A_333 = arith.constant 112 : index
      %get3A_334 = tpu.vector_load %arg16[%get3A_332, %get3A_333] {strides = array<i32>} : memref<64x128xf32, #tpu.memory_space<vmem>>, vector<1x16xf32>,
      %get3A_335 = vector.shape_cast %get3A_334 : vector<1x16xf32> to vector<16xf32>
      %slice3A_336 = vector.extract_strided_slice %select_n3A {offsets = [3], sizes = [1], strides = [1]} : vector<16xf32> to vector<1xf32>
      %squeeze3A_337 = vector.extract %slice3A_336[0] : f32 from vector<1xf32>
      %mul3A_338 = vector.broadcast %squeeze3A_337 : f32 to vector<16xf32>
      %mul3A_339 = arith.mulf %get3A_335, %mul3A_338 : vector<16xf32>
      %swap3A_340 = arith.index_cast %scan3A_227 : i32 to index
      %swap3A_341 = arith.constant 112 : index
      %swap3A_342 = tpu.vector_load %arg16[%swap3A_340, %swap3A_341] {strides = array<i32>} : memref<64x128xf32, #tpu.memory_space<vmem>>, vector<1x16xf32>,
      %swap3A_343 = vector.shape_cast %swap3A_342 : vector<1x16xf32> to vector<16xf32>
      %swap3A_344 = vector.shape_cast %mul3A_339 : vector<16xf32> to vector<1x16xf32>
      tpu.vector_store %arg16[%swap3A_340, %swap3A_341], %swap3A_344 {strides = array<i32>} : memref<64x128xf32, #tpu.memory_space<vmem>>, vector<1x16xf32>,
    }
    %scan3A_177 = arith.constant 64 : i32
    %dma_start3A_178 = arith.constant 0 : i32
    %dma_start3A_179 = arith.constant 0 : i32
    %dma_start3A_180 = tpu.memref_slice %arg14[%dma_start3A_178, %dma_start3A_179] : memref<1x64xi32, #tpu.memory_space<vmem>> -> memref<1x64xi32, #tpu.memory_space<vmem>>
    %dma_start3A_181 = tpu.memref_squeeze %dma_start3A_180 : memref<1x64xi32, #tpu.memory_space<vmem>> -> memref<64xi32, #tpu.memory_space<vmem>>
    %dma_start3A_182 = arith.constant 0 : i32
    %dma_start3A_183 = arith.constant 0 : i32
    %dma_start3A_184 = tpu.memref_slice %arg10[%dma_start3A_182, %dma_start3A_183] : memref<10624x16xf32, #tpu.memory_space<vmem_shared>> -> memref<10624x16xf32, #tpu.memory_space<vmem_shared>>
    tpu.enqueue_indirect_dma source(%arg22 : memref<64x16xf32, #tpu.memory_space<vmem>>) target(%dma_start3A_184 : memref<10624x16xf32, #tpu.memory_space<vmem_shared>>) offsets(%dma_start3A_181 : memref<64xi32, #tpu.memory_space<vmem>>) semaphore(%arg26 : memref<!tpu.dma_semaphore, #tpu.memory_space<semaphore_mem>>) {add = true}
    %dma_start3A_185 = arith.constant 0 : i32
    %dma_start3A_186 = arith.constant 0 : i32
    %dma_start3A_187 = tpu.memref_slice %arg14[%dma_start3A_185, %dma_start3A_186] : memref<1x64xi32, #tpu.memory_space<vmem>> -> memref<1x64xi32, #tpu.memory_space<vmem>>
    %dma_start3A_188 = tpu.memref_squeeze %dma_start3A_187 : memref<1x64xi32, #tpu.memory_space<vmem>> -> memref<64xi32, #tpu.memory_space<vmem>>
    %dma_start3A_189 = arith.constant 0 : i32
    %dma_start3A_190 = arith.constant 0 : i32
    %dma_start3A_191 = tpu.memref_slice %arg9[%dma_start3A_189, %dma_start3A_190] : memref<10624x128xf32, #tpu.memory_space<vmem_shared>> -> memref<10624x128xf32, #tpu.memory_space<vmem_shared>>
    tpu.enqueue_indirect_dma source(%arg16 : memref<64x128xf32, #tpu.memory_space<vmem>>) target(%dma_start3A_191 : memref<10624x128xf32, #tpu.memory_space<vmem_shared>>) offsets(%dma_start3A_188 : memref<64xi32, #tpu.memory_space<vmem>>) semaphore(%arg26 : memref<!tpu.dma_semaphore, #tpu.memory_space<semaphore_mem>>) {add = true}
    %dma_wait3A_192 = arith.constant 0 : i32
    %dma_wait3A_193 = arith.constant 0 : i32
    %dma_wait3A_194 = tpu.memref_slice %arg13[%dma_wait3A_192, %dma_wait3A_193] : memref<1x64xi32, #tpu.memory_space<vmem>> -> memref<1x64xi32, #tpu.memory_space<vmem>>
    %dma_wait3A_195 = tpu.memref_squeeze %dma_wait3A_194 : memref<1x64xi32, #tpu.memory_space<vmem>> -> memref<64xi32, #tpu.memory_space<vmem>>
    %dma_wait3A_196 = arith.constant 0 : i32
    %dma_wait3A_197 = arith.constant 0 : i32
    %dma_wait3A_198 = tpu.memref_slice %arg10[%dma_wait3A_196, %dma_wait3A_197] : memref<10624x16xf32, #tpu.memory_space<vmem_shared>> -> memref<10624x16xf32, #tpu.memory_space<vmem_shared>>
    tpu.wait_indirect_dma semaphore(%arg25 : memref<!tpu.dma_semaphore, #tpu.memory_space<semaphore_mem>>) src(%arg21 : memref<64x16xf32, #tpu.memory_space<vmem>>) dst(%dma_wait3A_198 : memref<10624x16xf32, #tpu.memory_space<vmem_shared>>)
    %dma_wait3A_199 = arith.constant 0 : i32
    %dma_wait3A_200 = arith.constant 0 : i32
    %dma_wait3A_201 = tpu.memref_slice %arg13[%dma_wait3A_199, %dma_wait3A_200] : memref<1x64xi32, #tpu.memory_space<vmem>> -> memref<1x64xi32, #tpu.memory_space<vmem>>
    %dma_wait3A_202 = tpu.memref_squeeze %dma_wait3A_201 : memref<1x64xi32, #tpu.memory_space<vmem>> -> memref<64xi32, #tpu.memory_space<vmem>>
    %dma_wait3A_203 = arith.constant 0 : i32
    %dma_wait3A_204 = arith.constant 0 : i32
    %dma_wait3A_205 = tpu.memref_slice %arg9[%dma_wait3A_203, %dma_wait3A_204] : memref<10624x128xf32, #tpu.memory_space<vmem_shared>> -> memref<10624x128xf32, #tpu.memory_space<vmem_shared>>
    tpu.wait_indirect_dma semaphore(%arg25 : memref<!tpu.dma_semaphore, #tpu.memory_space<semaphore_mem>>) src(%arg15 : memref<64x128xf32, #tpu.memory_space<vmem>>) dst(%dma_wait3A_205 : memref<10624x128xf32, #tpu.memory_space<vmem_shared>>)
    %dma_wait3A_206 = arith.constant 0 : i32
    %dma_wait3A_207 = arith.constant 0 : i32
    %dma_wait3A_208 = tpu.memref_slice %arg14[%dma_wait3A_206, %dma_wait3A_207] : memref<1x64xi32, #tpu.memory_space<vmem>> -> memref<1x64xi32, #tpu.memory_space<vmem>>
    %dma_wait3A_209 = tpu.memref_squeeze %dma_wait3A_208 : memref<1x64xi32, #tpu.memory_space<vmem>> -> memref<64xi32, #tpu.memory_space<vmem>>
    %dma_wait3A_210 = arith.constant 0 : i32
    %dma_wait3A_211 = arith.constant 0 : i32
    %dma_wait3A_212 = tpu.memref_slice %arg10[%dma_wait3A_210, %dma_wait3A_211] : memref<10624x16xf32, #tpu.memory_space<vmem_shared>> -> memref<10624x16xf32, #tpu.memory_space<vmem_shared>>
    tpu.wait_indirect_dma semaphore(%arg26 : memref<!tpu.dma_semaphore, #tpu.memory_space<semaphore_mem>>) src(%arg22 : memref<64x16xf32, #tpu.memory_space<vmem>>) dst(%dma_wait3A_212 : memref<10624x16xf32, #tpu.memory_space<vmem_shared>>)
    %dma_wait3A_213 = arith.constant 0 : i32
    %dma_wait3A_214 = arith.constant 0 : i32
    %dma_wait3A_215 = tpu.memref_slice %arg14[%dma_wait3A_213, %dma_wait3A_214] : memref<1x64xi32, #tpu.memory_space<vmem>> -> memref<1x64xi32, #tpu.memory_space<vmem>>
    %dma_wait3A_216 = tpu.memref_squeeze %dma_wait3A_215 : memref<1x64xi32, #tpu.memory_space<vmem>> -> memref<64xi32, #tpu.memory_space<vmem>>
    %dma_wait3A_217 = arith.constant 0 : i32
    %dma_wait3A_218 = arith.constant 0 : i32
    %dma_wait3A_219 = tpu.memref_slice %arg9[%dma_wait3A_217, %dma_wait3A_218] : memref<10624x128xf32, #tpu.memory_space<vmem_shared>> -> memref<10624x128xf32, #tpu.memory_space<vmem_shared>>
    tpu.wait_indirect_dma semaphore(%arg26 : memref<!tpu.dma_semaphore, #tpu.memory_space<semaphore_mem>>) src(%arg16 : memref<64x128xf32, #tpu.memory_space<vmem>>) dst(%dma_wait3A_219 : memref<10624x128xf32, #tpu.memory_space<vmem_shared>>)
    %barrier3A_220 = arith.constant 0 : index
    tpu.barrier barrier_id(%barrier3A_220)
    %mul3A_221 = arith.constant 10624 : i32
    %mul3A_222 = arith.muli %arg0, %mul3A_221 : i32
    %add3A_223 = arith.addi %mul3A_222, %mul3A_9 : i32
    "tpu.region"() ({
      %run_scoped3A = tpu.sem_alloc : memref<!tpu.dma_semaphore, #tpu.memory_space<semaphore_mem>>
      %dma_start3A_227 = arith.constant 0 : i32
      %dma_start3A_228 = tpu.memref_slice %arg7[%add3A_223, %dma_start3A_227] : memref<21248x128xf32, #tpu.memory_space<hbm>> -> memref<664x128xf32, #tpu.memory_space<hbm>>
      %dma_start3A_229 = arith.constant 0 : i32
      %dma_start3A_230 = tpu.memref_slice %arg9[%mul3A_9, %dma_start3A_229] : memref<10624x128xf32, #tpu.memory_space<vmem_shared>> -> memref<664x128xf32, #tpu.memory_space<vmem_shared>>
      tpu.enqueue_dma source(%dma_start3A_230 : memref<664x128xf32, #tpu.memory_space<vmem_shared>>) target(%dma_start3A_228 : memref<664x128xf32, #tpu.memory_space<hbm>>) target_semaphore(%run_scoped3A : memref<!tpu.dma_semaphore, #tpu.memory_space<semaphore_mem>>)
      %dma_wait3A_231 = arith.constant 0 : i32
      %dma_wait3A_232 = tpu.memref_slice %arg7[%add3A_223, %dma_wait3A_231] : memref<21248x128xf32, #tpu.memory_space<hbm>> -> memref<664x128xf32, #tpu.memory_space<hbm>>
      %dma_wait3A_233 = arith.constant 0 : i32
      %dma_wait3A_234 = tpu.memref_slice %arg9[%mul3A_9, %dma_wait3A_233] : memref<10624x128xf32, #tpu.memory_space<vmem_shared>> -> memref<664x128xf32, #tpu.memory_space<vmem_shared>>
      tpu.wait_dma2 semaphore(%run_scoped3A : memref<!tpu.dma_semaphore, #tpu.memory_space<semaphore_mem>>) src(%dma_wait3A_234 : memref<664x128xf32, #tpu.memory_space<vmem_shared>>) dst(%dma_wait3A_232 : memref<664x128xf32, #tpu.memory_space<hbm>>)
      tpu.yield
    }) : () -> ()
    %mul3A_224 = arith.constant 10624 : i32
    %mul3A_225 = arith.muli %arg0, %mul3A_224 : i32
    %add3A_226 = arith.addi %mul3A_225, %mul3A_9 : i32
    "tpu.region"() ({
      %run_scoped3A = tpu.sem_alloc : memref<!tpu.dma_semaphore, #tpu.memory_space<semaphore_mem>>
      %dma_start3A_227 = arith.constant 0 : i32
      %dma_start3A_228 = tpu.memref_slice %arg8[%add3A_226, %dma_start3A_227] : memref<21248x16xf32, #tpu.memory_space<hbm>> -> memref<664x16xf32, #tpu.memory_space<hbm>>
      %dma_start3A_229 = arith.constant 0 : i32
      %dma_start3A_230 = tpu.memref_slice %arg10[%mul3A_9, %dma_start3A_229] : memref<10624x16xf32, #tpu.memory_space<vmem_shared>> -> memref<664x16xf32, #tpu.memory_space<vmem_shared>>
      tpu.enqueue_dma source(%dma_start3A_230 : memref<664x16xf32, #tpu.memory_space<vmem_shared>>) target(%dma_start3A_228 : memref<664x16xf32, #tpu.memory_space<hbm>>) target_semaphore(%run_scoped3A : memref<!tpu.dma_semaphore, #tpu.memory_space<semaphore_mem>>)
      %dma_wait3A_231 = arith.constant 0 : i32
      %dma_wait3A_232 = tpu.memref_slice %arg8[%add3A_226, %dma_wait3A_231] : memref<21248x16xf32, #tpu.memory_space<hbm>> -> memref<664x16xf32, #tpu.memory_space<hbm>>
      %dma_wait3A_233 = arith.constant 0 : i32
      %dma_wait3A_234 = tpu.memref_slice %arg10[%mul3A_9, %dma_wait3A_233] : memref<10624x16xf32, #tpu.memory_space<vmem_shared>> -> memref<664x16xf32, #tpu.memory_space<vmem_shared>>
      tpu.wait_dma2 semaphore(%run_scoped3A : memref<!tpu.dma_semaphore, #tpu.memory_space<semaphore_mem>>) src(%dma_wait3A_234 : memref<664x16xf32, #tpu.memory_space<vmem_shared>>) dst(%dma_wait3A_232 : memref<664x16xf32, #tpu.memory_space<hbm>>)
      tpu.yield
    }) : () -> ()
    return
  }
}

module attributes {stable_mosaic.version = 14 : i64} {
  func.func @_mm_body(%arg0: i32, %arg1: memref<664x128xf32, #tpu.memory_space<vmem>>, %arg2: memref<128x128xf32, #tpu.memory_space<vmem>>, %arg3: memref<128x16xf32, #tpu.memory_space<vmem>>, %arg4: memref<128x16xf32, #tpu.memory_space<vmem>>, %arg5: memref<664x128xf32, #tpu.memory_space<vmem>>, %arg6: memref<664x16xf32, #tpu.memory_space<vmem>>, %arg7: memref<664x16xf32, #tpu.memory_space<vmem>>) attributes {dimension_semantics = [#tpu.dimension_semantics<arbitrary>], iteration_bounds = array<i64: 16>, scalar_prefetch = 0 : i64, scratch_operands = 0 : i64, tpu.core_type = #tpu.core_type<tc>, window_params = [{transform_indices = @transform_0, window_bounds = array<i64: 664, 128>}, {pipeline_mode = #tpu.pipeline_mode<synchronous>, transform_indices = @transform_1, window_bounds = array<i64: 128, 128>}, {pipeline_mode = #tpu.pipeline_mode<synchronous>, transform_indices = @transform_2, window_bounds = array<i64: 128, 16>}, {pipeline_mode = #tpu.pipeline_mode<synchronous>, transform_indices = @transform_3, window_bounds = array<i64: 128, 16>}, {transform_indices = @transform_4, window_bounds = array<i64: 664, 128>}, {transform_indices = @transform_5, window_bounds = array<i64: 664, 16>}, {transform_indices = @transform_6, window_bounds = array<i64: 664, 16>}]} {
    %get3A = arith.constant 0 : index
    %get3A_0 = arith.constant 0 : index
    %get3A_1 = vector.load %arg1[%get3A, %get3A_0] : memref<664x128xf32, #tpu.memory_space<vmem>>, vector<664x128xf32>
    %get3A_2 = arith.constant 0 : index
    %get3A_3 = arith.constant 0 : index
    %get3A_4 = vector.load %arg2[%get3A_2, %get3A_3] : memref<128x128xf32, #tpu.memory_space<vmem>>, vector<128x128xf32>
    %dot_general3A = arith.constant dense<0.000000e+00> : vector<664x128xf32>
    %dot_general3A_5 = tpu.matmul %get3A_1, %get3A_4, %dot_general3A {dimension_numbers = #tpu.dot_dimension_numbers<[1], [0], [0], [1], [0, 0, 1, 1], [], []>, transpose_lhs_hint = false} : vector<664x128xf32>, vector<128x128xf32>, vector<664x128xf32> -> vector<664x128xf32>
    %swap3A = arith.constant 0 : index
    %swap3A_6 = arith.constant 0 : index
    %swap3A_7 = vector.load %arg5[%swap3A, %swap3A_6] : memref<664x128xf32, #tpu.memory_space<vmem>>, vector<664x128xf32>
    tpu.vector_store %arg5[%swap3A, %swap3A_6], %dot_general3A_5 {strides = array<i32>} : memref<664x128xf32, #tpu.memory_space<vmem>>, vector<664x128xf32>,
    %get3A_8 = arith.constant 0 : index
    %get3A_9 = arith.constant 0 : index
    %get3A_10 = vector.load %arg3[%get3A_8, %get3A_9] : memref<128x16xf32, #tpu.memory_space<vmem>>, vector<128x16xf32>
    %dot_general3A_11 = arith.constant dense<0.000000e+00> : vector<664x16xf32>
    %dot_general3A_12 = tpu.matmul %dot_general3A_5, %get3A_10, %dot_general3A_11 {dimension_numbers = #tpu.dot_dimension_numbers<[1], [0], [0], [1], [0, 0, 1, 1], [], []>, transpose_lhs_hint = false} : vector<664x128xf32>, vector<128x16xf32>, vector<664x16xf32> -> vector<664x16xf32>
    %swap3A_13 = arith.constant 0 : index
    %swap3A_14 = arith.constant 0 : index
    %swap3A_15 = vector.load %arg6[%swap3A_13, %swap3A_14] : memref<664x16xf32, #tpu.memory_space<vmem>>, vector<664x16xf32>
    tpu.vector_store %arg6[%swap3A_13, %swap3A_14], %dot_general3A_12 {strides = array<i32>} : memref<664x16xf32, #tpu.memory_space<vmem>>, vector<664x16xf32>,
    %get3A_16 = arith.constant 0 : index
    %get3A_17 = arith.constant 0 : index
    %get3A_18 = vector.load %arg4[%get3A_16, %get3A_17] : memref<128x16xf32, #tpu.memory_space<vmem>>, vector<128x16xf32>
    %dot_general3A_19 = arith.constant dense<0.000000e+00> : vector<664x16xf32>
    %dot_general3A_20 = tpu.matmul %dot_general3A_5, %get3A_18, %dot_general3A_19 {dimension_numbers = #tpu.dot_dimension_numbers<[1], [0], [0], [1], [0, 0, 1, 1], [], []>, transpose_lhs_hint = false} : vector<664x128xf32>, vector<128x16xf32>, vector<664x16xf32> -> vector<664x16xf32>
    %swap3A_21 = arith.constant 0 : index
    %swap3A_22 = arith.constant 0 : index
    %swap3A_23 = vector.load %arg7[%swap3A_21, %swap3A_22] : memref<664x16xf32, #tpu.memory_space<vmem>>, vector<664x16xf32>
    tpu.vector_store %arg7[%swap3A_21, %swap3A_22], %dot_general3A_20 {strides = array<i32>} : memref<664x16xf32, #tpu.memory_space<vmem>>, vector<664x16xf32>,
    return
  }
  func.func @transform_0(%arg0: i32) -> (i32, i32) {
    %c0_i32 = arith.constant 0 : i32
    %c0_i32_0 = arith.constant 0 : i32
    return %arg0, %c0_i32 : i32, i32
  }
  func.func @transform_1(%arg0: i32) -> (i32, i32) {
    %c0_i32 = arith.constant 0 : i32
    %c0_i32_0 = arith.constant 0 : i32
    %c0_i32_1 = arith.constant 0 : i32
    return %c0_i32, %c0_i32_0 : i32, i32
  }
  func.func @transform_2(%arg0: i32) -> (i32, i32) {
    %c0_i32 = arith.constant 0 : i32
    %c0_i32_0 = arith.constant 0 : i32
    %c0_i32_1 = arith.constant 0 : i32
    return %c0_i32, %c0_i32_0 : i32, i32
  }
  func.func @transform_3(%arg0: i32) -> (i32, i32) {
    %c0_i32 = arith.constant 0 : i32
    %c0_i32_0 = arith.constant 0 : i32
    %c0_i32_1 = arith.constant 0 : i32
    return %c0_i32, %c0_i32_0 : i32, i32
  }
  func.func @transform_4(%arg0: i32) -> (i32, i32) {
    %c0_i32 = arith.constant 0 : i32
    %c0_i32_0 = arith.constant 0 : i32
    return %arg0, %c0_i32 : i32, i32
  }
  func.func @transform_5(%arg0: i32) -> (i32, i32) {
    %c0_i32 = arith.constant 0 : i32
    %c0_i32_0 = arith.constant 0 : i32
    return %arg0, %c0_i32 : i32, i32
  }
  func.func @transform_6(%arg0: i32) -> (i32, i32) {
    %c0_i32 = arith.constant 0 : i32
    %c0_i32_0 = arith.constant 0 : i32
    return %arg0, %c0_i32 : i32, i32
  }
}

module attributes {stable_mosaic.version = 14 : i64} {
  func.func @_fin_body(%arg0: i32, %arg1: memref<2x1000x128xf32, #tpu.memory_space<vmem>>, %arg2: memref<2x1000x16xf32, #tpu.memory_space<vmem>>, %arg3: memref<1000x128xf32, #tpu.memory_space<vmem>>) attributes {dimension_semantics = [#tpu.dimension_semantics<arbitrary>], iteration_bounds = array<i64: 10>, scalar_prefetch = 0 : i64, scratch_operands = 0 : i64, tpu.core_type = #tpu.core_type<tc>, window_params = [{transform_indices = @transform_0, window_bounds = array<i64: 2, 1000, 128>}, {transform_indices = @transform_1, window_bounds = array<i64: 2, 1000, 16>}, {transform_indices = @transform_2, window_bounds = array<i64: 1000, 128>}]} {
    %get3A = arith.constant 0 : index
    %get3A_0 = arith.constant 0 : index
    %get3A_1 = arith.constant 0 : index
    %get3A_2 = vector.load %arg1[%get3A, %get3A_0, %get3A_1] : memref<2x1000x128xf32, #tpu.memory_space<vmem>>, vector<2x1000x128xf32>
    %get3A_3 = arith.constant 0 : index
    %get3A_4 = arith.constant 0 : index
    %get3A_5 = arith.constant 0 : index
    %get3A_6 = vector.load %arg2[%get3A_3, %get3A_4, %get3A_5] : memref<2x1000x16xf32, #tpu.memory_space<vmem>>, vector<2x1000x16xf32>
    %slice3A = vector.extract_strided_slice %get3A_2 {offsets = [0, 0, 0], sizes = [1, 1000, 128], strides = [1, 1, 1]} : vector<2x1000x128xf32> to vector<1x1000x128xf32>
    %squeeze3A = vector.shape_cast %slice3A : vector<1x1000x128xf32> to vector<1000x128xf32>
    %slice3A_7 = vector.extract_strided_slice %get3A_2 {offsets = [1, 0, 0], sizes = [1, 1000, 128], strides = [1, 1, 1]} : vector<2x1000x128xf32> to vector<1x1000x128xf32>
    %squeeze3A_8 = vector.shape_cast %slice3A_7 : vector<1x1000x128xf32> to vector<1000x128xf32>
    %add3A = arith.addf %squeeze3A, %squeeze3A_8 : vector<1000x128xf32>
    %slice3A_9 = vector.extract_strided_slice %get3A_6 {offsets = [0, 0, 0], sizes = [1, 1000, 16], strides = [1, 1, 1]} : vector<2x1000x16xf32> to vector<1x1000x16xf32>
    %squeeze3A_10 = vector.shape_cast %slice3A_9 : vector<1x1000x16xf32> to vector<1000x16xf32>
    %slice3A_11 = vector.extract_strided_slice %get3A_6 {offsets = [1, 0, 0], sizes = [1, 1000, 16], strides = [1, 1, 1]} : vector<2x1000x16xf32> to vector<1x1000x16xf32>
    %squeeze3A_12 = vector.shape_cast %slice3A_11 : vector<1x1000x16xf32> to vector<1000x16xf32>
    %add3A_13 = arith.addf %squeeze3A_10, %squeeze3A_12 : vector<1000x16xf32>
    %slice3A_14 = vector.extract_strided_slice %add3A_13 {offsets = [0, 0], sizes = [1000, 1], strides = [1, 1]} : vector<1000x16xf32> to vector<1000x1xf32>
    %broadcast_in_dim3A = vector.shape_cast %slice3A_14 : vector<1000x1xf32> to vector<1000x1xf32>
    %broadcast_in_dim3A_15 = vector.broadcast %broadcast_in_dim3A : vector<1000x1xf32> to vector<1000x32xf32>
    %slice3A_16 = vector.extract_strided_slice %add3A_13 {offsets = [0, 1], sizes = [1000, 1], strides = [1, 1]} : vector<1000x16xf32> to vector<1000x1xf32>
    %broadcast_in_dim3A_17 = vector.shape_cast %slice3A_16 : vector<1000x1xf32> to vector<1000x1xf32>
    %broadcast_in_dim3A_18 = vector.broadcast %broadcast_in_dim3A_17 : vector<1000x1xf32> to vector<1000x32xf32>
    %slice3A_19 = vector.extract_strided_slice %add3A_13 {offsets = [0, 2], sizes = [1000, 1], strides = [1, 1]} : vector<1000x16xf32> to vector<1000x1xf32>
    %broadcast_in_dim3A_20 = vector.shape_cast %slice3A_19 : vector<1000x1xf32> to vector<1000x1xf32>
    %broadcast_in_dim3A_21 = vector.broadcast %broadcast_in_dim3A_20 : vector<1000x1xf32> to vector<1000x32xf32>
    %slice3A_22 = vector.extract_strided_slice %add3A_13 {offsets = [0, 3], sizes = [1000, 1], strides = [1, 1]} : vector<1000x16xf32> to vector<1000x1xf32>
    %broadcast_in_dim3A_23 = vector.shape_cast %slice3A_22 : vector<1000x1xf32> to vector<1000x1xf32>
    %broadcast_in_dim3A_24 = vector.broadcast %broadcast_in_dim3A_23 : vector<1000x1xf32> to vector<1000x32xf32>
    %concatenate3A = tpu.concatenate %broadcast_in_dim3A_15, %broadcast_in_dim3A_18, %broadcast_in_dim3A_21, %broadcast_in_dim3A_24 in 1 : vector<1000x32xf32>, vector<1000x32xf32>, vector<1000x32xf32>, vector<1000x32xf32> -> vector<1000x128xf32>
    %add3A_25 = arith.constant 1.000000e-16 : f32
    %add3A_26 = vector.broadcast %add3A_25 : f32 to vector<1000x128xf32>
    %add3A_27 = arith.addf %concatenate3A, %add3A_26 : vector<1000x128xf32>
    %div3A = arith.divf %add3A, %add3A_27 : vector<1000x128xf32>
    %swap3A = arith.constant 0 : index
    %swap3A_28 = arith.constant 0 : index
    %swap3A_29 = vector.load %arg3[%swap3A, %swap3A_28] : memref<1000x128xf32, #tpu.memory_space<vmem>>, vector<1000x128xf32>
    tpu.vector_store %arg3[%swap3A, %swap3A_28], %div3A {strides = array<i32>} : memref<1000x128xf32, #tpu.memory_space<vmem>>, vector<1000x128xf32>,
    return
  }
  func.func @transform_0(%arg0: i32) -> (i32, i32, i32) {
    %c0_i32 = arith.constant 0 : i32
    %c0_i32_0 = arith.constant 0 : i32
    %c0_i32_1 = arith.constant 0 : i32
    return %c0_i32, %arg0, %c0_i32_0 : i32, i32, i32
  }
  func.func @transform_1(%arg0: i32) -> (i32, i32, i32) {
    %c0_i32 = arith.constant 0 : i32
    %c0_i32_0 = arith.constant 0 : i32
    %c0_i32_1 = arith.constant 0 : i32
    return %c0_i32, %arg0, %c0_i32_0 : i32, i32, i32
  }
  func.func @transform_2(%arg0: i32) -> (i32, i32) {
    %c0_i32 = arith.constant 0 : i32
    %c0_i32_0 = arith.constant 0 : i32
    return %arg0, %c0_i32 : i32, i32
  }
}

</mosaic_0001>

<sc_bundles>
// kernel: kernel.5.cloned.1.call-start
scs
__scs_entry_jumppad:
0x0: {  	(pc) =	sbr.rel $0x88, $3  }
0x1: {  	(tag) =	ssettag $0x0;
	lr =	simm.s32 $0x1  }
0x2: {  	[smem:$0x3F9C] =	sst lr;
	_ =	strace $0xD0000000  }
0x3: {  	_ = 	snop  }
0x4: {  	_ = 	snop  }
0x5: {  	_ = 	snop  }
0x6: {  	_ = 	snop  }
0x7: {  	_ = 	snop  }
__scs_overlays_trampoline_lowered:
0x8: {  	[smem:$0x3FAB] =	sst s0  }
0x9: {  	[smem:$0x3FAC] =	sst s1  }
0xa: {  	[smem:$0x3FAD] =	sst s2  }
0xb: {  	[smem:$0x3FAE] =	sst s3  }
0xc: {  	[smem:$0x3FAF] =	sst s4  }
0xd: {  	[smem:$0x3FB0] =	sst s5  }
0xe: {  	[smem:$0x3FB1] =	sst s6  }
0xf: {  	[smem:$0x3FB2] =	sst s7  }
0x10: {  	[smem:$0x3FB3] =	sst s8  }
0x11: {  	[smem:$0x3FB4] =	sst s9;
	s0 =	simm.s32 @!p0 $0x0  }
0x12: {  	s1 =	sld [smem:$0x3F9A];
	s0 =	simm.s32 @p0 $0x1  }
0x13: {  	[smem:$0x3FB5] =	sst s0;
	s0 =	simm.s32 @!p1 $0x0  }
0x14: {  	s2 =	sld [smem:$0x3F99];
	s0 =	simm.s32 @p1 $0x1  }
0x15: {  	[smem:$0x3FB6] =	sst s0;
	s0 =	simm.s32 @!p2 $0x0  }
0x16: {  	s3 =	sld [smem:$0x3FDB];
	s0 =	simm.s32 @p2 $0x1  }
0x17: {  	s4 =	simm.s32 $0x1BF5;
	[smem:$0x3FB8] =	sst s0  }
0x18: {  	s0 =	sld [smem:$0x3F9B];
	_ =	swait.ge [sflag:s4], $0x0  }
0x19: {  	s7 =	sld [smem:$0x3F9C]  }
0x1a: {  	s8 =	sadd.s32 $0xFFFFE003, lr  }
0x1b: {  	s9 =	sadd.s32 $0xFFFFFEF7, lr;
	s5 =	simm.s32 $0xFFFFFFFF;
	p2 =	slt.u32 s8, $0xFFFFF086  }
0x1c: {  	p1 =	slt.u32 s9, $0xF7A;
	s5 =	simm.s32 @!p2 $0x0  }
0x1d: {  	s5 =	simm.s32 @p1 $0x1;
	p0 =	seq.s32 s7, s2  }
0x1e: {  	s7 =	smul.u32 @!p0 $0xF7A, s2;
	p2 =	seq.s32 @!p0 s5, $0x0  }
0x1f: {  	s9 =	smul.u32 $0xF7A, s1;
	s8 =	simm.s32 @!p0 $0x1BF5;
	p2 =	por !p2, p0  }
0x20: {  	[sflag:s8] =	ssyncset.s32 @!p0 $0xFFFFF086;
	s6 =	sadd.s32 @!p0 s3, s7;
	s7 =	simm.s32 @!p0 $0x108  }
0x21: {  	s3 =	sadd.s32 s3, s9;
	s6 =	sadd.s32 @!p0 $0x88, s6;
	s7 =	simm.s32 @p2 $0x1082  }
0x22: {  	[simem:s7], [sflag:s8] =	dma.local @!p0 [hbm:s6], $0xF7A  }
0x23: {  	s9 =	sor.u32 $0xD0000000, s2;
	s6 =	simm.s32 $0x108;
	_ =	swait.ge @!p0 [sflag:s8], $0x0  }
0x24: {  	s3 =	sadd.s32 $0x88, s3;
	s6 =	simm.s32 @!p1 $0x1082;
	[sflag:s4] =	ssyncset.s32 $0xFFFFF086  }
0x25: {  	[simem:s6], [sflag:s4] =	dma.local [hbm:s3], $0xF7A  }
0x26: {  	[smem:$0x3F9C] =	sst s1;
	(tag) =	ssettag s2;
	_ =	strace s9  }
0x27: {  	s1 =	sld [smem:$0x3FAC]  }
0x28: {  	s2 =	sld [smem:$0x3FAD]  }
0x29: {  	s4 =	sld [smem:$0x3FAF]  }
0x2a: {  	p0 =	seq.s32 s5, $0x0;
	s5 =	sld [smem:$0x3FB0]  }
0x2b: {  	s6 =	sld [smem:$0x3FB1]  }
0x2c: {  	s7 =	sld [smem:$0x3FB2]  }
0x2d: {  	s3 =	simm.s32 $0x108;
	s8 =	sld [smem:$0x3FB3]  }
0x2e: {  	s3 =	simm.s32 @!p0 $0x1082;
	s9 =	sld [smem:$0x3FB4]  }
0x2f: {  	lr =	sadd.s32 s0, s3;
	s0 =	sld [smem:$0x3FAB]  }
0x30: {  	s3 =	sld [smem:$0x3FAE]  }
0x31: {  	[smem:$0x3FB7] =	sst s10  }
0x32: {  	s10 =	sld [smem:$0x3FB5];
	_ =	sdelay $0x3  }
0x33: {  	p0 =	seq.s32 s10, $0x1;
	s10 =	sld [smem:$0x3FB7];
	_ =	sdelay $0x3  }
0x34: {  	[smem:$0x3FB7] =	sst s10  }
0x35: {  	s10 =	sld [smem:$0x3FB6];
	_ =	sdelay $0x3  }
0x36: {  	p1 =	seq.s32 s10, $0x1;
	s10 =	sld [smem:$0x3FB7];
	_ =	sdelay $0x3  }
0x37: {  	[smem:$0x3FB7] =	sst s10  }
0x38: {  	s10 =	sld [smem:$0x3FB8]  }
0x39: {  	_ = 	snop;
	(pc) =	sbr.ind lr, $3  }
0x3a: {  	_ = 	snop  }
0x3b: {  	_ = 	snop  }
0x3c: {  	p2 =	seq.s32 s10, $0x1;
	s10 =	sld [smem:$0x3FB7]  }
0x3d: {  	_ =	shalt  }
0x3e: {  	_ =	shalt  }
0x3f: {  	_ =	shalt  }
0x40: {  	_ =	shalt  }
0x41: {  	_ =	shalt  }
0x42: {  	_ =	shalt  }
0x43: {  	_ =	shalt  }
0x44: {  	_ =	shalt  }
0x45: {  	_ =	shalt  }
0x46: {  	_ =	shalt  }
0x47: {  	_ =	shalt  }
0x48: {  	_ =	shalt  }
0x49: {  	_ =	shalt  }
0x4a: {  	_ =	shalt  }
0x4b: {  	_ =	shalt  }
0x4c: {  	_ =	shalt  }
0x4d: {  	_ =	shalt  }
0x4e: {  	_ =	shalt  }
0x4f: {  	_ =	shalt  }
0x50: {  	_ =	shalt  }
0x51: {  	_ =	shalt  }
0x52: {  	_ =	shalt  }
0x53: {  	_ =	shalt  }
0x54: {  	_ =	shalt  }
0x55: {  	_ =	shalt  }
0x56: {  	_ =	shalt  }
0x57: {  	_ =	shalt  }
0x58: {  	_ =	shalt  }
0x59: {  	_ =	shalt  }
0x5a: {  	_ =	shalt  }
0x5b: {  	_ =	shalt  }
0x5c: {  	_ =	shalt  }
0x5d: {  	_ =	shalt  }
0x5e: {  	_ =	shalt  }
0x5f: {  	_ =	shalt  }
0x60: {  	_ =	shalt  }
0x61: {  	_ =	shalt  }
0x62: {  	_ =	shalt  }
0x63: {  	_ =	shalt  }
0x64: {  	_ =	shalt  }
0x65: {  	_ =	shalt  }
0x66: {  	_ =	shalt  }
0x67: {  	_ =	shalt  }
0x68: {  	_ =	shalt  }
0x69: {  	_ =	shalt  }
0x6a: {  	_ =	shalt  }
0x6b: {  	_ =	shalt  }
0x6c: {  	_ =	shalt  }
0x6d: {  	_ =	shalt  }
0x6e: {  	_ =	shalt  }
0x6f: {  	_ =	shalt  }
0x70: {  	_ =	shalt  }
0x71: {  	_ =	shalt  }
0x72: {  	_ =	shalt  }
0x73: {  	_ =	shalt  }
0x74: {  	_ =	shalt  }
0x75: {  	_ =	shalt  }
0x76: {  	_ =	shalt  }
0x77: {  	_ =	shalt  }
0x78: {  	_ =	shalt  }
0x79: {  	_ =	shalt  }
0x7a: {  	_ =	shalt  }
0x7b: {  	_ =	shalt  }
0x7c: {  	_ =	shalt  }
0x7d: {  	_ =	shalt  }
0x7e: {  	_ =	shalt  }
0x7f: {  	_ =	shalt  }
0x80: {  	_ =	shalt  }
0x81: {  	_ =	shalt  }
0x82: {  	_ =	shalt  }
0x83: {  	_ =	shalt  }
0x84: {  	_ =	shalt  }
0x85: {  	_ =	shalt  }
0x86: {  	_ =	shalt  }
0x87: {  	_ =	shalt  }
.Lfunc_end0:
.L_simem_size_0:
called_computation_lowered:
.L_overlay_start_0:
0x88: {  	s2 =	sld [smem:$0x3FD9]  }
0x89: {  	s3 =	sld [smem:$0x3FFE];
	_ =	sdelay $0x1  }
0x8a: {  	s1 =	srdreg.scid  }
0x8b: {  	s0 =	sand.u32 $0x1, s1  }
0x8c: {  	s17 =	sshll.u32 s0, $0xA;
	s2 =	sadd.s32 s3, s2  }
0x8d: {  	s2 =	sadd.s32 s2, s17  }
0x8e: {  	[smem:$0x3FC3] =	sst s2  }
0x8f: {  	_ = 	snop  }
0x90: {  	s2 =	sld [smem:$0x3FD0];
	(tm) =	ssettm $0x1  }
0x91: {  	s18 =	sld [smem:$0x3FFB];
	_ =	sdelay $0x3  }
0x92: {  	_ =	strace s18  }
0x93: {  	s3 =	sld [smem:$0x3FFC];
	_ =	sdelay $0x3  }
0x94: {  	_ =	strace s3  }
0x95: {  	s3 =	sld [smem:$0x3FFD];
	_ =	sdelay $0x3  }
0x96: {  	_ =	strace s3  }
0x97: {  	_ =	strace $0x8FFFFFFF  }
0x98: {  	s19 =	sld [smem:$0x3FDB];
	_ =	sdelay $0x1  }
0x99: {  	s4 =	simm.s32 $_scs_section_size  }
0x9a: {  	s5 =	simm.s32 $_size__tile_overlayer_lowered;
	s6 =	simm.s32 $_tile_overlayer_lowered  }
0x9b: {  	s22 =	simm.s32 $0x1BFF;
	s21 =	sshll.u32 s6, $0x1;
	s3 =	sadd.s32 s4, s19  }
0x9c: {  	s7 =	simm.s32 $0x0;
	s20 =	sshll.u32 s5, $0x1;
	s5 =	sadd.s32 s21, s3  }
0x9d: {  	[timem:s7], [sflag:s22] =	dma.local [hbm:s5], s20  }
0x9e: {  	_ =	swait.ge [sflag:s22], s20  }
0x9f: {  	s4 =	ssub.s32 $0x0, s20;
	[sflag:s22] =	ssyncset.done $0x0  }
0xa0: {  	[sflag:s22] =	ssyncadd.s32 s4;
	_ =	sdelay $0x1  }
0xa1: {  	s23 =	simm.s32 $0x1B8B  }
0xa2: {  	_ =	swait.ge [sflag:s23], $0x1  }
0xa3: {  	[sflag:s23] =	ssyncset.done $0x0  }
0xa4: {  	s25 =	simm.s32 $0x1B8E;
	s24 =	sld [smem:$0x3FFE];
	[sflag:s23] =	ssyncadd.s32 $0xFFFFFFFF  }
0xa5: {  	s26 =	simm.s32 $execute0_lowered;
	[smem:$0x3FD2] =	sst s25  }
0xa6: {  	s5 =	sshll.u32 s26, $0x1;
	_ =	strace $0x80000046;
	[dreg:$0x1] =	wrdreg $0xFFFFFFFF  }
0xa7: {  	s28 =	simm.s32 $_size_execute0_lowered;
	s3 =	sadd.s32 s3, s5;
	[dreg:$0x0] =	wrdreg $0x0  }
0xa8: {  	s5 =	sshll.u32 s28, $0x1;
	[dreg:$0x2] =	wrdreg s3  }
0xa9: {  	[dreg:$0x3] =	wrdreg s5  }
0xaa: {  	[dreg:$0x4] =	wrdreg $0xC0  }
0xab: {  	_ =	task [dreg:s7], $0x5FFFF  }
0xac: {  	[dreg:$0x1] =	wrdreg $0xFFFFFFFF  }
0xad: {  	[dreg:$0x0] =	wrdreg $0x60  }
0xae: {  	[dreg:$0x2] =	wrdreg s24  }
0xaf: {  	[dreg:$0x3] =	wrdreg s2  }
0xb0: {  	[dreg:$0x4] =	wrdreg $0x0  }
0xb1: {  	[dreg:$0x5] =	wrdreg $0x14C000  }
0xb2: {  	[dreg:$0x6] =	wrdreg $0x9  }
0xb3: {  	_ =	task.clear_ibuf [dreg:s7], $0x7FFFF;
	_ =	strace $0x90000046  }
0xb4: {  	s29 =	simm.s32 $0x9;
	_ =	strace $0x80000048  }
0xb5: {  	_ =	swait.ge [sflag:s29], $0x1  }
0xb6: {  	[sflag:s29] =	ssyncadd.s32 $0xFFFFFFFF  }
0xb7: {  	_ =	strace $0x90000048  }
0xb8: {  	_ =	sfence  }
0xb9: {  	s30 =	sld [smem:$0x0];
	_ =	sdelay $0x2  }
0xba: {  	s31 =	sshll.u32 s1, $0xD;
	s1 =	sshrl.u32 s1, $0x2  }
0xbb: {  	s3 =	sand.u32 $0x4000, s31;
	s1 =	sadd.s32 s1, s30  }
0xbc: {  	s0 =	sor.u32 s3, s0;
	s1 =	sshll.u32 s1, $0x11  }
0xbd: {  	s0 =	sor.u32 s1, s0  }
0xbe: {  	s0 =	sadd.s32 $0x8F2B, s0  }
0xbf: {  	[sflag:s0] =	ssyncadd.remote.s32 $0x1  }
0xc0: {  	_ =	sfence.sel $0xFFFF  }
0xc1: {  	[dreg:$0x0] =	wrdreg $0xFFFFFFFF;
	(pc) =	sbr.abs _section_cstart, $3  }
0xc2: {  	[dreg:$0x1] =	wrdreg $0xFFFFFFFF  }
0xc3: {  	_ =	task.clear_ibuf [dreg:s7], $0x2FFFF;
	_ =	strace $0x9FFFFFFF  }
0xc4: {  	(tm) =	ssettm $0x7FFFFFFF  }
0xc5: {  	_ =	shalt  }
tec
execute0_lowered:
.L_overlay_start_1:
0x0: {  	(tag) =	ssettag $0x1  }
0x1: {  	s0 =	rddreg [dreg:$0x0]  }
0x2: {  	s10 =	rddreg [dreg:$0x1]  }
0x3: {  	s2 =	rddreg [dreg:$0x2]  }
0x4: {  	s3 =	rddreg [dreg:$0x3]  }
0x5: {  	s1 =	srdreg.scid;
	s17 =	stileid.u32  }
0x6: {  	s19 =	simm.s32 $0x0;
	s29 =	simm.s32 $0x1;
	s30 =	simm.s32 $0x175C0  }
0x7: {  	s31 =	simm.s32 $0x17640;
	s4 =	sand.u32 $0x1, s1;
	s1 =	smul.u32 $0x298, s17  }
0x8: {  	[smem:$0x7FF] =	sst s19;
	s5 =	sadd.s32 $0x34E00, s0;
	s13 =	smul.u32 $0x53000, s17  }
0x9: {  	s6 =	sadd.s32 $0x3EC00, s0;
	s7 =	sadd.s32 $0xE00, s0;
	s16 =	smul.u32 $0xA600, s17  }
0xa: {  	s9 =	sadd.s32 $0x2FA00, s0;
	s8 =	smul.u32 $0x2980, s4;
	s26 =	ssub.s32 $0x2, s4  }
0xb: {  	_ =	strace $0x80000047;
	s15 =	sshll.u32 s4, $0x4;
	s14 =	sshrl.u32 s26, $0x1  }
0xc: {  	s13 =	sshrl.u32 s13, $0x2;
	s18 =	sadd.s32 $0x80, s1;
	s21 =	sadd.s32 $0xC0, s1  }
0xd: {  	s24 =	sadd.s32 $0x100, s1;
	s11 =	sadd.s32 s1, s8;
	s8 =	sadd.s32 $0x2A600, s0  }
0xe: {  	s4 =	ssub.s32 s26, s14;
	s26 =	sadd.s32 s13, s2;
	s14 =	sshrl.u32 s16, $0x2  }
0xf: {  	s20 =	sshll.u32 s18, $0x7;
	s22 =	sshll.u32 s21, $0x7;
	s23 =	sshll.u32 s21, $0x4  }
0x10: {  	s25 =	sshll.u32 s24, $0x7;
	s12 =	sshll.u32 s11, $0x4;
	s28 =	sadd.s32 s14, s3  }
0x11: {  	s11 =	sshll.u32 s11, $0x1;
	[dreg:$0x6] =	wrdreg s26;
	s0 =	sadd.s32 s12, s0  }
0x12: {  	s12 =	sor.u32 s17, s15;
	s15 =	sadd.s32 $0x40, s1;
	s10 =	sadd.s32 s10, s11  }
0x13: {  	[dreg:$0x7] =	wrdreg s28;
	s16 =	sshll.u32 s15, $0x7;
	s14 =	sshll.u32 s15, $0x4  }
0x14: {  	[dreg:$0xe] =	wrdreg s10;
	s15 =	sadd.s32 $0x140, s1;
	s0 =	sadd.s32 $0x48A00, s0  }
0x15: {  	s13 =	sadd.s32 s16, s2;
	s17 =	sadd.s32 s14, s3;
	[smem:$0x7FC] =	sst s0  }
0x16: {  	s14 =	sadd.s32 s20, s2;
	s16 =	sadd.s32 s25, s2;
	[dreg:$0x8] =	wrdreg s13  }
0x17: {  	s10 =	sshll.u32 s15, $0x4;
	s20 =	sadd.s32 $0x180, s1;
	[dreg:$0x9] =	wrdreg s17  }
0x18: {  	s25 =	sadd.s32 $0x200, s1;
	s0 =	simm.s32 $0x19680;
	[dreg:$0xa] =	wrdreg s14  }
0x19: {  	s13 =	sshll.u32 s18, $0x4;
	s14 =	sshll.u32 s24, $0x4;
	[dreg:$0xf] =	wrdreg s16  }
0x1a: {  	s18 =	sshll.u32 s15, $0x7;
	s10 =	sadd.s32 s10, s3;
	s21 =	sshll.u32 s20, $0x7  }
0x1b: {  	s15 =	sadd.s32 $0x240, s1;
	s13 =	sadd.s32 s13, s3;
	[dreg:$0x12] =	wrdreg s10  }
0x1c: {  	s17 =	sadd.s32 s14, s3;
	s11 =	sadd.s32 s18, s2;
	[dreg:$0xb] =	wrdreg s13  }
0x1d: {  	s10 =	sadd.s32 s21, s2;
	s14 =	sshll.u32 s25, $0x4;
	[dreg:$0x10] =	wrdreg s17  }
0x1e: {  	s16 =	sshll.u32 s15, $0x7;
	s21 =	smul.u32 $0x9E, s12;
	[dreg:$0x11] =	wrdreg s11  }
0x1f: {  	s13 =	sadd.s32 s22, s2;
	s11 =	sshll.u32 s20, $0x4;
	[dreg:$0x13] =	wrdreg s10  }
0x20: {  	s20 =	smul.u32 $0x4F0, s12;
	[dreg:$0xc] =	wrdreg s13;
	s13 =	sadd.s32 s23, s3  }
0x21: {  	s12 =	simm.s32 $0x1C280;
	s22 =	sadd.s32 s11, s3;
	[dreg:$0xd] =	wrdreg s13  }
0x22: {  	s23 =	sadd.s32 $0x1C0, s1;
	s1 =	sadd.s32 $0x280, s1;
	[dreg:$0x14] =	wrdreg s22  }
0x23: {  	s24 =	sshll.u32 s23, $0x7;
	s10 =	sshll.u32 s23, $0x4;
	s18 =	sshll.u32 s1, $0x7  }
0x24: {  	s1 =	sshll.u32 s1, $0x4;
	s22 =	sadd.s32 s5, s20;
	s23 =	sadd.s32 s6, s20  }
0x25: {  	s13 =	simm.s32 $0x2;
	s11 =	sadd.s32 s24, s2;
	[dreg:$0x1d] =	wrdreg s22  }
0x26: {  	s10 =	sadd.s32 s10, s3;
	s1 =	sadd.s32 s1, s3;
	[dreg:$0x1e] =	wrdreg s23  }
0x27: {  	s24 =	sor.u32 $0x8, s20;
	s20 =	simm.s32 $0x17680;
	[dreg:$0x15] =	wrdreg s11  }
0x28: {  	s22 =	simm.s32 $0x1C680;
	s23 =	simm.s32 $0x17580;
	[dreg:$0x16] =	wrdreg s10  }
0x29: {  	s11 =	sshll.u32 s25, $0x7;
	[dreg:$0x1c] =	wrdreg s1;
	s25 =	smax.u32 s4, $0x1  }
0x2a: {  	s10 =	sadd.s32 s11, s2;
	s11 =	sshll.u32 s15, $0x4;
	[smem:$0x7FD] =	sst s25  }
0x2b: {  	s25 =	simm.s32 $0x40;
	[dreg:$0x17] =	wrdreg s10;
	s10 =	sadd.s32 s14, s3  }
0x2c: {  	s15 =	simm.s32 $0x1CA80;
	s17 =	sadd.s32 s11, s3;
	[dreg:$0x18] =	wrdreg s10  }
0x2d: {  	s11 =	sadd.s32 s5, s24;
	s14 =	simm.s32 $0x3;
	[dreg:$0x1a] =	wrdreg s17  }
0x2e: {  	s10 =	sadd.s32 s16, s2;
	[dreg:$0x1f] =	wrdreg s11;
	s16 =	sadd.s32 $0x2, s21  }
0x2f: {  	s17 =	sadd.s32 $0x3, s21;
	[dreg:$0x19] =	wrdreg s10;
	s10 =	sadd.s32 s18, s2  }
0x30: {  	s21 =	simm.s32 $0x5;
	[dreg:$0x1b] =	wrdreg s10;
	s10 =	sadd.s32 s6, s24  }
0x31: {  	v0 =	vimm.f32 $0.0e+00;
	vm0 =	vmmov $0xf;
	s18 =	simm.s32 $0x4;
	s24 =	simm.s32 $0x17600;
	[smem:$0x7FB] =	sst s10  }
.LBB2_1:
0x32: {  	s4 =	simm.s32 $0x176C0  }
0x33: {  	[tilespmem:s4+$0xFFFFFFD0] =	vst v0  }
0x34: {  	[tilespmem:s4+$0xFFFFFFE0] =	vst v0  }
0x35: {  	[tilespmem:s4+$0xFFFFFFF0] =	vst v0  }
0x36: {  	[tilespmem:s4+$0x0] =	vst v0  }
0x37: {  	[tilespmem:s4+$0x10] =	vst v0  }
0x38: {  	[tilespmem:s4+$0x20] =	vst v0  }
0x39: {  	[tilespmem:s4+$0x30] =	vst v0  }
0x3a: {  	s11 =	simm.s32 $0x0;
	s10 =	simm.s32 $0x40;
	[tilespmem:s4+$0xFFFFFFC0] =	vst v0  }
.LBB2_2:
0x3b: {  	p0 =	sne.s32 s10, $0xFC0;
	[tilespmem:s11+$0x1C680] =	vst v0;
	s4 =	sadd.s32 $0x80, s4  }
0x3c: {  	[tilespmem:s4+$0xFFFFFFD0] =	vst v0  }
0x3d: {  	[tilespmem:s4+$0xFFFFFFE0] =	vst v0  }
0x3e: {  	[tilespmem:s4+$0xFFFFFFF0] =	vst v0  }
.Ltmp0:
0x3f: {  	[tilespmem:s4+$0x0] =	vst v0;
	(pc) =	sbr.rel @p0 .LBB2_2-.Ltmp0, $4  }
0x40: {  	[tilespmem:s4+$0x10] =	vst v0  }
0x41: {  	[tilespmem:s4+$0x20] =	vst v0  }
0x42: {  	[tilespmem:s4+$0x30] =	vst v0  }
0x43: {  	s11 =	sshra.s32 s10, $0x2;
	s10 =	sadd.s32 $0x40, s10;
	[tilespmem:s4+$0xFFFFFFC0] =	vst v0  }
0x44: {  	[dreg:$0x5] =	wrdreg s19;
	[tilespmem:s11+$0x1C680] =	vst v0  }
0x45: {  	[spmem:s26] =	stream.linear.scatter [tilespmem:s20], [sflag:$0x5], $0x2000, $0x38;
	[tilespmem:$0x1CE80] =	vst v63  }
0x46: {  	_ =	swait.ge [sflag:s21], $0x2000  }
0x47: {  	[sflag:s21] =	ssyncset.done $0x0  }
0x48: {  	[sflag:s21] =	ssyncadd.s32 $0xFFFFE000  }
0x49: {  	[spmem:s28] =	stream.linear.scatter [tilespmem:s22], [sflag:$0x5], $0x400, $0x38;
	[tilespmem:$0x1CE80] =	vst v63  }
0x4a: {  	_ =	swait.ge [sflag:s21], $0x400  }
0x4b: {  	[sflag:s21] =	ssyncset.done $0x0  }
0x4c: {  	s1 =	rddreg [dreg:$0x8];
	[sflag:s21] =	ssyncadd.s32 $0xFFFFFC00  }
0x4d: {  	[spmem:s1] =	stream.linear.scatter [tilespmem:s20], [sflag:$0x5], $0x2000, $0x38;
	[tilespmem:$0x1CE80] =	vst v63  }
0x4e: {  	_ =	swait.ge [sflag:s21], $0x2000  }
0x4f: {  	[sflag:s21] =	ssyncset.done $0x0  }
0x50: {  	s11 =	rddreg [dreg:$0x9];
	[sflag:s21] =	ssyncadd.s32 $0xFFFFE000  }
0x51: {  	[spmem:s11] =	stream.linear.scatter [tilespmem:s22], [sflag:$0x5], $0x400, $0x38;
	[tilespmem:$0x1CE80] =	vst v63  }
0x52: {  	_ =	swait.ge [sflag:s21], $0x400  }
0x53: {  	[sflag:s21] =	ssyncset.done $0x0  }
0x54: {  	s19 =	rddreg [dreg:$0xa];
	[sflag:s21] =	ssyncadd.s32 $0xFFFFFC00  }
0x55: {  	[spmem:s19] =	stream.linear.scatter [tilespmem:s20], [sflag:$0x5], $0x2000, $0x38;
	[tilespmem:$0x1CE80] =	vst v63  }
0x56: {  	_ =	swait.ge [sflag:s21], $0x2000  }
0x57: {  	[sflag:s21] =	ssyncset.done $0x0  }
0x58: {  	s26 =	rddreg [dreg:$0xb];
	[sflag:s21] =	ssyncadd.s32 $0xFFFFE000  }
0x59: {  	[spmem:s26] =	stream.linear.scatter [tilespmem:s22], [sflag:$0x5], $0x400, $0x38;
	[tilespmem:$0x1CE80] =	vst v63  }
0x5a: {  	_ =	swait.ge [sflag:s21], $0x400  }
0x5b: {  	[sflag:s21] =	ssyncset.done $0x0  }
0x5c: {  	s28 =	rddreg [dreg:$0xc];
	[sflag:s21] =	ssyncadd.s32 $0xFFFFFC00  }
0x5d: {  	[spmem:s28] =	stream.linear.scatter [tilespmem:s20], [sflag:$0x5], $0x2000, $0x38;
	[tilespmem:$0x1CE80] =	vst v63  }
0x5e: {  	_ =	swait.ge [sflag:s21], $0x2000  }
0x5f: {  	[sflag:s21] =	ssyncset.done $0x0  }
0x60: {  	s4 =	rddreg [dreg:$0xd];
	[sflag:s21] =	ssyncadd.s32 $0xFFFFE000  }
0x61: {  	[spmem:s4] =	stream.linear.scatter [tilespmem:s22], [sflag:$0x5], $0x400, $0x38;
	[tilespmem:$0x1CE80] =	vst v63  }
0x62: {  	_ =	swait.ge [sflag:s21], $0x400  }
0x63: {  	[sflag:s21] =	ssyncset.done $0x0  }
0x64: {  	s10 =	rddreg [dreg:$0xf];
	[sflag:s21] =	ssyncadd.s32 $0xFFFFFC00  }
0x65: {  	[spmem:s10] =	stream.linear.scatter [tilespmem:s20], [sflag:$0x5], $0x2000, $0x38;
	[tilespmem:$0x1CE80] =	vst v63  }
0x66: {  	_ =	swait.ge [sflag:s21], $0x2000  }
0x67: {  	[sflag:s21] =	ssyncset.done $0x0  }
0x68: {  	s11 =	rddreg [dreg:$0x10];
	[sflag:s21] =	ssyncadd.s32 $0xFFFFE000  }
0x69: {  	[spmem:s11] =	stream.linear.scatter [tilespmem:s22], [sflag:$0x5], $0x400, $0x38;
	[tilespmem:$0x1CE80] =	vst v63  }
0x6a: {  	_ =	swait.ge [sflag:s21], $0x400  }
0x6b: {  	[sflag:s21] =	ssyncset.done $0x0  }
0x6c: {  	s19 =	rddreg [dreg:$0x11];
	[sflag:s21] =	ssyncadd.s32 $0xFFFFFC00  }
0x6d: {  	[spmem:s19] =	stream.linear.scatter [tilespmem:s20], [sflag:$0x5], $0x2000, $0x38;
	[tilespmem:$0x1CE80] =	vst v63  }
0x6e: {  	_ =	swait.ge [sflag:s21], $0x2000  }
0x6f: {  	[sflag:s21] =	ssyncset.done $0x0  }
0x70: {  	s26 =	rddreg [dreg:$0x12];
	[sflag:s21] =	ssyncadd.s32 $0xFFFFE000  }
0x71: {  	[spmem:s26] =	stream.linear.scatter [tilespmem:s22], [sflag:$0x5], $0x400, $0x38;
	[tilespmem:$0x1CE80] =	vst v63  }
0x72: {  	_ =	swait.ge [sflag:s21], $0x400  }
0x73: {  	[sflag:s21] =	ssyncset.done $0x0  }
0x74: {  	s28 =	rddreg [dreg:$0x13];
	[sflag:s21] =	ssyncadd.s32 $0xFFFFFC00  }
0x75: {  	[spmem:s28] =	stream.linear.scatter [tilespmem:s20], [sflag:$0x5], $0x2000, $0x38;
	[tilespmem:$0x1CE80] =	vst v63  }
0x76: {  	_ =	swait.ge [sflag:s21], $0x2000  }
0x77: {  	[sflag:s21] =	ssyncset.done $0x0  }
0x78: {  	s4 =	rddreg [dreg:$0x14];
	[sflag:s21] =	ssyncadd.s32 $0xFFFFE000  }
0x79: {  	[spmem:s4] =	stream.linear.scatter [tilespmem:s22], [sflag:$0x5], $0x400, $0x38;
	[tilespmem:$0x1CE80] =	vst v63  }
0x7a: {  	_ =	swait.ge [sflag:s21], $0x400  }
0x7b: {  	[sflag:s21] =	ssyncset.done $0x0  }
0x7c: {  	s10 =	rddreg [dreg:$0x15];
	[sflag:s21] =	ssyncadd.s32 $0xFFFFFC00  }
0x7d: {  	[spmem:s10] =	stream.linear.scatter [tilespmem:s20], [sflag:$0x5], $0x2000, $0x38;
	[tilespmem:$0x1CE80] =	vst v63  }
0x7e: {  	_ =	swait.ge [sflag:s21], $0x2000  }
0x7f: {  	[sflag:s21] =	ssyncset.done $0x0  }
0x80: {  	s11 =	rddreg [dreg:$0x16];
	[sflag:s21] =	ssyncadd.s32 $0xFFFFE000  }
0x81: {  	[spmem:s11] =	stream.linear.scatter [tilespmem:s22], [sflag:$0x5], $0x400, $0x38;
	[tilespmem:$0x1CE80] =	vst v63  }
0x82: {  	_ =	swait.ge [sflag:s21], $0x400  }
0x83: {  	[sflag:s21] =	ssyncset.done $0x0  }
0x84: {  	s19 =	rddreg [dreg:$0x17];
	[sflag:s21] =	ssyncadd.s32 $0xFFFFFC00  }
0x85: {  	[spmem:s19] =	stream.linear.scatter [tilespmem:s20], [sflag:$0x5], $0x2000, $0x38;
	[tilespmem:$0x1CE80] =	vst v63  }
0x86: {  	_ =	swait.ge [sflag:s21], $0x2000  }
0x87: {  	[sflag:s21] =	ssyncset.done $0x0  }
0x88: {  	s26 =	rddreg [dreg:$0x18];
	[sflag:s21] =	ssyncadd.s32 $0xFFFFE000  }
0x89: {  	[spmem:s26] =	stream.linear.scatter [tilespmem:s22], [sflag:$0x5], $0x400, $0x38;
	[tilespmem:$0x1CE80] =	vst v63  }
0x8a: {  	_ =	swait.ge [sflag:s21], $0x400  }
0x8b: {  	[sflag:s21] =	ssyncset.done $0x0  }
0x8c: {  	s28 =	rddreg [dreg:$0x19];
	[sflag:s21] =	ssyncadd.s32 $0xFFFFFC00  }
0x8d: {  	[spmem:s28] =	stream.linear.scatter [tilespmem:s20], [sflag:$0x5], $0x2000, $0x38;
	[tilespmem:$0x1CE80] =	vst v63  }
0x8e: {  	_ =	swait.ge [sflag:s21], $0x2000  }
0x8f: {  	[sflag:s21] =	ssyncset.done $0x0  }
0x90: {  	s4 =	rddreg [dreg:$0x1a];
	[sflag:s21] =	ssyncadd.s32 $0xFFFFE000  }
0x91: {  	[spmem:s4] =	stream.linear.scatter [tilespmem:s22], [sflag:$0x5], $0x400, $0x38;
	[tilespmem:$0x1CE80] =	vst v63  }
0x92: {  	_ =	swait.ge [sflag:s21], $0x400  }
0x93: {  	[sflag:s21] =	ssyncset.done $0x0  }
0x94: {  	s10 =	rddreg [dreg:$0x1b];
	[sflag:s21] =	ssyncadd.s32 $0xFFFFFC00  }
0x95: {  	[spmem:s10] =	stream.linear.scatter [tilespmem:s20], [sflag:$0x5], $0xC00, $0x38;
	[tilespmem:$0x1CE80] =	vst v63  }
0x96: {  	_ =	swait.ge [sflag:s21], $0xC00  }
0x97: {  	[sflag:s21] =	ssyncset.done $0x0  }
0x98: {  	s11 =	rddreg [dreg:$0x1c];
	[sflag:s21] =	ssyncadd.s32 $0xFFFFF400  }
0x99: {  	[spmem:s11] =	stream.linear.scatter [tilespmem:s22], [sflag:$0x5], $0x180, $0x38;
	[tilespmem:$0x1CE80] =	vst v63  }
0x9a: {  	_ =	swait.ge [sflag:s21], $0x180  }
0x9b: {  	[sflag:s21] =	ssyncset.done $0x0  }
0x9c: {  	[sflag:s21] =	ssyncadd.s32 $0xFFFFFE80  }
0x9d: {  	[bflag:$0x0] =	sbarrier.arrive $0xFFFF  }
0x9e: {  	s4 =	simm.s32 $0x0;
	s19 =	rddreg [dreg:$0x1d]  }
0x9f: {  	[tilespmem:s23], [sflag:$0x5] =	stream.linear.gather [hbm4b:s19+s4], $0x40, $0x38;
	[tilespmem:$0x1CE80] =	vst v63  }
0xa0: {  	_ =	swait.ge [sflag:s21], $0x40  }
0xa1: {  	[sflag:s21] =	ssyncset.done $0x0  }
0xa2: {  	s26 =	rddreg [dreg:$0x1e];
	[sflag:s21] =	ssyncadd.s32 $0xFFFFFFC0  }
0xa3: {  	[tilespmem:s24], [sflag:$0x5] =	stream.linear.gather [hbm4b:s26+s4], $0x40, $0x38;
	[tilespmem:$0x1CE80] =	vst v63  }
0xa4: {  	_ =	swait.ge [sflag:s21], $0x40  }
0xa5: {  	[sflag:s21] =	ssyncset.done $0x0  }
0xa6: {  	[sflag:s21] =	ssyncadd.s32 $0xFFFFFFC0  }
0xa7: {  	[tilespmem:s20], [sflag:$0x1] =	stream.indirect.gather [hbm4b:s7+s25], $0x80, s23, s25, $0xb8;
	[tilespmem:$0x1CE80] =	vst v63  }
0xa8: {  	s28 =	simm.s32 $0x1B680  }
0xa9: {  	[tilespmem:s28], [sflag:$0x1] =	stream.indirect.gather [hbm4b:s8+s25], $0x10, s23, s25, $0xb8;
	[tilespmem:$0x1CE80] =	vst v63  }
0xaa: {  	s10 =	simm.s32 $0x1BE80  }
0xab: {  	[tilespmem:s10], [sflag:$0x1] =	stream.indirect.gather [hbm4b:s9+s25], $0x10, s24, s25, $0xb8;
	[tilespmem:$0x1CE80] =	vst v63  }
0xac: {  	_ =	swait.ge [sflag:s29], $0x2000  }
0xad: {  	[sflag:s29] =	ssyncset.done $0x0  }
0xae: {  	[sflag:s29] =	ssyncadd.s32 $0xFFFFE000  }
0xaf: {  	_ =	swait.ge [sflag:s29], $0x400  }
0xb0: {  	[sflag:s29] =	ssyncset.done $0x0  }
0xb1: {  	[sflag:s29] =	ssyncadd.s32 $0xFFFFFC00  }
0xb2: {  	_ =	swait.ge [sflag:s29], $0x400  }
0xb3: {  	[sflag:s29] =	ssyncset.done $0x0  }
0xb4: {  	s11 =	rddreg [dreg:$0x1f];
	[sflag:s29] =	ssyncadd.s32 $0xFFFFFC00  }
0xb5: {  	[tilespmem:s30], [sflag:$0x5] =	stream.linear.gather [hbm4b:s11+s4], $0x40, $0x38;
	[tilespmem:$0x1CE80] =	vst v63  }
0xb6: {  	_ =	swait.ge [sflag:s21], $0x40  }
0xb7: {  	s19 =	sld [smem:$0x7FB]  }
0xb8: {  	[sflag:s21] =	ssyncset.done $0x0  }
0xb9: {  	[sflag:s21] =	ssyncadd.s32 $0xFFFFFFC0  }
0xba: {  	[tilespmem:s31], [sflag:$0x5] =	stream.linear.gather [hbm4b:s19+s4], $0x40, $0x38;
	[tilespmem:$0x1CE80] =	vst v63  }
0xbb: {  	_ =	swait.ge [sflag:s21], $0x40  }
0xbc: {  	[sflag:s21] =	ssyncset.done $0x0  }
0xbd: {  	[sflag:s21] =	ssyncadd.s32 $0xFFFFFFC0  }
0xbe: {  	[tilespmem:s0], [sflag:$0x2] =	stream.indirect.gather [hbm4b:s7+s25], $0x80, s30, s25, $0xb8;
	[tilespmem:$0x1CE80] =	vst v63  }
0xbf: {  	s26 =	simm.s32 $0x1BA80  }
0xc0: {  	[tilespmem:s26], [sflag:$0x2] =	stream.indirect.gather [hbm4b:s8+s25], $0x10, s30, s25, $0xb8;
	[tilespmem:$0x1CE80] =	vst v63  }
0xc1: {  	s28 =	simm.s32 $0x0  }
0xc2: {  	[tilespmem:s12], [sflag:$0x2] =	stream.indirect.gather [hbm4b:s9+s25], $0x10, s31, s25, $0xb8;
	[tilespmem:$0x1CE80] =	vst v63  }
0xc3: {  	v1 =	vld [tilespmem:s28+$0x1B680]  }
0xc4: {  	v2 =	vld [tilespmem:s28+$0x1BE80];
	_ =	sdelay $0x4  }
0xc5: {  	v1 =	vadd.f32 v2, v1;
	_ =	sdelay $0x1  }
0xc6: {  	v2 =	vmul.f32 $2.000000030e-01, v1;
	_ =	sdelay $0x1  }
0xc7: {  	v1 =	vmax.f32 v1, v2  }
0xc8: {  	v1 =	vmul.f32 $1.442695020e+00, v1;
	_ =	sdelay $0x1  }
0xc9: {  	(erf) = vpow2.f32 v1;
	_ =	sdelay $0x8  }
0xca: {  	v1 =	vpop (erf)  }
0xcb: {  	v2 =	vnsel vm0, $0x0, v1  }
0xcc: {  	s10 =	simm.s32 $0x176C0;
	[tilespmem:s28+$0x1C680] =	vst v2  }
0xcd: {  	v10 =	vld [tilespmem:s10+$0x30]  }
0xce: {  	v9 =	vld [tilespmem:s10+$0xFFFFFFE0]  }
0xcf: {  	v7 =	vld [tilespmem:s10+$0x10]  }
0xd0: {  	v4 =	vbroadcast v1, $0x3;
	v3 =	vld [tilespmem:s10+$0x20]  }
0xd1: {  	v8 =	vbroadcast v1, $0x2;
	v5 =	vld [tilespmem:s10+$0xFFFFFFD0]  }
0xd2: {  	s11 =	simm.s32 $0x176C0;
	s4 =	simm.s32 $0x40;
	v2 =	vbroadcast v1, $0x1;
	v6 =	vld [tilespmem:s10+$0x0];
	v10 =	vmul.f32 v10, v4  }
.LBB2_4:
0xd3: {  	p0 =	sne.s32 s4, $0xFC0  }
0xd4: {  	v9 =	vmul.f32 v2, v9;
	v11 =	vld [tilespmem:s10+$0xFFFFFFF0];
	s11 =	sadd.s32 $0x80, s11;
	s19 =	smov.u32 s4;
	s4 =	sadd.s32 $0x40, s4  }
0xd5: {  	v1 =	vbroadcast v1, $0x0;
	v12 =	vld [tilespmem:s10+$0xFFFFFFC0];
	v7 =	vmul.f32 v7, v8;
	[tilespmem:s10+$0x30] =	vst v10  }
0xd6: {  	[tilespmem:s10+$0xFFFFFFE0] =	vst v9;
	v3 =	vmul.f32 v3, v4  }
0xd7: {  	v4 =	vmul.f32 v1, v5;
	[tilespmem:s10+$0x10] =	vst v7  }
0xd8: {  	v5 =	vmul.f32 v6, v8;
	[tilespmem:s10+$0x20] =	vst v3  }
0xd9: {  	[tilespmem:s10+$0xFFFFFFD0] =	vst v4;
	v2 =	vmul.f32 v11, v2  }
0xda: {  	v1 =	vmul.f32 v1, v12;
	[tilespmem:s10+$0x0] =	vst v5  }
0xdb: {  	[tilespmem:s10+$0xFFFFFFF0] =	vst v2  }
0xdc: {  	s19 =	sshra.s32 s19, $0x2;
	[tilespmem:s10+$0xFFFFFFC0] =	vst v1;
	s10 =	smov.u32 s11  }
0xdd: {  	v1 =	vld [tilespmem:s19+$0x1B680]  }
0xde: {  	v2 =	vld [tilespmem:s19+$0x1BE80];
	_ =	sdelay $0x4  }
0xdf: {  	v1 =	vadd.f32 v2, v1;
	_ =	sdelay $0x1  }
0xe0: {  	v2 =	vmul.f32 $2.000000030e-01, v1;
	_ =	sdelay $0x1  }
0xe1: {  	v1 =	vmax.f32 v1, v2  }
0xe2: {  	v1 =	vmul.f32 $1.442695020e+00, v1;
	_ =	sdelay $0x1  }
0xe3: {  	(erf) = vpow2.f32 v1;
	_ =	sdelay $0x8  }
0xe4: {  	v1 =	vpop (erf)  }
0xe5: {  	v2 =	vnsel vm0, $0x0, v1  }
0xe6: {  	[tilespmem:s19+$0x1C680] =	vst v2  }
0xe7: {  	v10 =	vld [tilespmem:s11+$0x30]  }
.Ltmp1:
0xe8: {  	v9 =	vld [tilespmem:s11+$0xFFFFFFE0];
	(pc) =	sbr.rel @p0 .LBB2_4-.Ltmp1, $4  }
0xe9: {  	v7 =	vld [tilespmem:s11+$0x10]  }
0xea: {  	v4 =	vbroadcast v1, $0x3;
	v3 =	vld [tilespmem:s11+$0x20]  }
0xeb: {  	v2 =	vbroadcast v1, $0x1;
	v5 =	vld [tilespmem:s11+$0xFFFFFFD0]  }
0xec: {  	v8 =	vbroadcast v1, $0x2;
	v6 =	vld [tilespmem:s11+$0x0];
	v10 =	vmul.f32 v10, v4  }
0xed: {  	v9 =	vmul.f32 v2, v9;
	v11 =	vld [tilespmem:s10+$0xFFFFFFF0]  }
0xee: {  	v12 =	vld [tilespmem:s10+$0xFFFFFFC0];
	v1 =	vbroadcast v1, $0x0;
	v7 =	vmul.f32 v7, v8;
	[tilespmem:s10+$0x30] =	vst v10  }
0xef: {  	[tilespmem:s10+$0xFFFFFFE0] =	vst v9;
	v3 =	vmul.f32 v3, v4  }
0xf0: {  	v62 =	vmul.f32 v1, v5;
	[tilespmem:s10+$0x10] =	vst v7  }
0xf1: {  	v63 =	vmul.f32 v6, v8;
	[tilespmem:s10+$0x20] =	vst v3  }
0xf2: {  	[tilespmem:s10+$0xFFFFFFD0] =	vst v62;
	v2 =	vmul.f32 v11, v2  }
0xf3: {  	v1 =	vmul.f32 v1, v12;
	[tilespmem:s10+$0x0] =	vst v63  }
0xf4: {  	[tilespmem:s10+$0xFFFFFFF0] =	vst v2  }
0xf5: {  	[tilespmem:s10+$0xFFFFFFC0] =	vst v1  }
0xf6: {  	[spmem:s3] =	stream.indirect.scatter.add.f32 [tilespmem:s22], [sflag:$0x3], $0x10, s24, s25, $0xb8;
	[tilespmem:$0x1CE80] =	vst v63  }
0xf7: {  	s19 =	simm.s32 $0x0;
	s10 =	simm.s32 $0x0  }
0xf8: {  	[spmem:s2] =	stream.indirect.scatter.add.f32 [tilespmem:s20], [sflag:$0x3], $0x80, s24, s25, $0xb8;
	[tilespmem:$0x1CE80] =	vst v63  }
.LBB2_6:
0xf9: {  	_ =	swait.ge [sflag:s13], $0x2000  }
0xfa: {  	[sflag:s13] =	ssyncset.done $0x0  }
0xfb: {  	[sflag:s13] =	ssyncadd.s32 $0xFFFFE000  }
0xfc: {  	_ =	swait.ge [sflag:s13], $0x400  }
0xfd: {  	[sflag:s13] =	ssyncset.done $0x0  }
0xfe: {  	[sflag:s13] =	ssyncadd.s32 $0xFFFFFC00  }
0xff: {  	_ =	swait.ge [sflag:s13], $0x400  }
0x100: {  	[sflag:s13] =	ssyncset.done $0x0  }
0x101: {  	[sflag:s13] =	ssyncadd.s32 $0xFFFFFC00  }
0x102: {  	_ =	swait.ge [sflag:s14], $0x400  }
0x103: {  	s11 =	sshll.u32 s10, $0x1;
	[sflag:s14] =	ssyncset.done $0x0  }
0x104: {  	s4 =	sadd.s32 s11, s16;
	[sflag:s14] =	ssyncadd.s32 $0xFFFFFC00  }
0x105: {  	s4 =	sshll.u32 s4, $0x3;
	_ =	swait.ge [sflag:s14], $0x2000  }
0x106: {  	s4 =	sand.u32 $0x1FFFFFF0, s4;
	[sflag:s14] =	ssyncset.done $0x0  }
0x107: {  	s26 =	sadd.s32 s5, s4;
	[sflag:s14] =	ssyncadd.s32 $0xFFFFE000  }
0x108: {  	[tilespmem:s23], [sflag:$0x5] =	stream.linear.gather [hbm4b:s26+s19], $0x40, $0x38;
	[tilespmem:$0x1CE80] =	vst v63  }
0x109: {  	_ =	swait.ge [sflag:s21], $0x40  }
0x10a: {  	[sflag:s21] =	ssyncset.done $0x0  }
0x10b: {  	s4 =	sadd.s32 s6, s4;
	[sflag:s21] =	ssyncadd.s32 $0xFFFFFFC0  }
0x10c: {  	[tilespmem:s24], [sflag:$0x5] =	stream.linear.gather [hbm4b:s4+s19], $0x40, $0x38;
	[tilespmem:$0x1CE80] =	vst v63  }
0x10d: {  	_ =	swait.ge [sflag:s21], $0x40  }
0x10e: {  	[sflag:s21] =	ssyncset.done $0x0  }
0x10f: {  	[sflag:s21] =	ssyncadd.s32 $0xFFFFFFC0  }
0x110: {  	[tilespmem:s20], [sflag:$0x1] =	stream.indirect.gather [hbm4b:s7+s25], $0x80, s23, s25, $0xb8;
	[tilespmem:$0x1CE80] =	vst v63  }
0x111: {  	s1 =	simm.s32 $0x1B680  }
0x112: {  	[tilespmem:s1], [sflag:$0x1] =	stream.indirect.gather [hbm4b:s8+s25], $0x10, s23, s25, $0xb8;
	[tilespmem:$0x1CE80] =	vst v63  }
0x113: {  	s26 =	simm.s32 $0x1BE80;
	s1 =	simm.s32 $0x0  }
0x114: {  	[tilespmem:s26], [sflag:$0x1] =	stream.indirect.gather [hbm4b:s9+s25], $0x10, s24, s25, $0xb8;
	[tilespmem:$0x1CE80] =	vst v63  }
0x115: {  	v1 =	vld [tilespmem:s1+$0x1BA80]  }
0x116: {  	v2 =	vld [tilespmem:s1+$0x1C280];
	_ =	sdelay $0x4  }
0x117: {  	v1 =	vadd.f32 v2, v1;
	_ =	sdelay $0x1  }
0x118: {  	v2 =	vmul.f32 $2.000000030e-01, v1;
	_ =	sdelay $0x1  }
0x119: {  	v1 =	vmax.f32 v1, v2  }
0x11a: {  	v1 =	vmul.f32 $1.442695020e+00, v1;
	_ =	sdelay $0x1  }
0x11b: {  	(erf) = vpow2.f32 v1;
	_ =	sdelay $0x8  }
0x11c: {  	v1 =	vpop (erf)  }
0x11d: {  	v2 =	vnsel vm0, $0x0, v1  }
0x11e: {  	s4 =	simm.s32 $0x196C0;
	[tilespmem:s1+$0x1CA80] =	vst v2  }
0x11f: {  	v10 =	vld [tilespmem:s4+$0x30]  }
0x120: {  	v9 =	vld [tilespmem:s4+$0xFFFFFFE0]  }
0x121: {  	v7 =	vld [tilespmem:s4+$0x10]  }
0x122: {  	v4 =	vbroadcast v1, $0x3;
	v3 =	vld [tilespmem:s4+$0x20]  }
0x123: {  	v8 =	vbroadcast v1, $0x2;
	v5 =	vld [tilespmem:s4+$0xFFFFFFD0]  }
0x124: {  	s28 =	simm.s32 $0x196C0;
	s26 =	simm.s32 $0x40;
	v2 =	vbroadcast v1, $0x1;
	v6 =	vld [tilespmem:s4+$0x0];
	v10 =	vmul.f32 v10, v4  }
.LBB2_7:
0x125: {  	p0 =	sne.s32 s26, $0xFC0  }
0x126: {  	v9 =	vmul.f32 v2, v9;
	v11 =	vld [tilespmem:s4+$0xFFFFFFF0];
	s28 =	sadd.s32 $0x80, s28;
	s1 =	smov.u32 s26;
	s26 =	sadd.s32 $0x40, s26  }
0x127: {  	v1 =	vbroadcast v1, $0x0;
	v12 =	vld [tilespmem:s4+$0xFFFFFFC0];
	v7 =	vmul.f32 v7, v8;
	[tilespmem:s4+$0x30] =	vst v10  }
0x128: {  	[tilespmem:s4+$0xFFFFFFE0] =	vst v9;
	v3 =	vmul.f32 v3, v4  }
0x129: {  	v4 =	vmul.f32 v1, v5;
	[tilespmem:s4+$0x10] =	vst v7  }
0x12a: {  	v5 =	vmul.f32 v6, v8;
	[tilespmem:s4+$0x20] =	vst v3  }
0x12b: {  	[tilespmem:s4+$0xFFFFFFD0] =	vst v4;
	v2 =	vmul.f32 v11, v2  }
0x12c: {  	v1 =	vmul.f32 v1, v12;
	[tilespmem:s4+$0x0] =	vst v5  }
0x12d: {  	[tilespmem:s4+$0xFFFFFFF0] =	vst v2  }
0x12e: {  	s1 =	sshra.s32 s1, $0x2;
	[tilespmem:s4+$0xFFFFFFC0] =	vst v1;
	s4 =	smov.u32 s28  }
0x12f: {  	v1 =	vld [tilespmem:s1+$0x1BA80]  }
0x130: {  	v2 =	vld [tilespmem:s1+$0x1C280];
	_ =	sdelay $0x4  }
0x131: {  	v1 =	vadd.f32 v2, v1;
	_ =	sdelay $0x1  }
0x132: {  	v2 =	vmul.f32 $2.000000030e-01, v1;
	_ =	sdelay $0x1  }
0x133: {  	v1 =	vmax.f32 v1, v2  }
0x134: {  	v1 =	vmul.f32 $1.442695020e+00, v1;
	_ =	sdelay $0x1  }
0x135: {  	(erf) = vpow2.f32 v1;
	_ =	sdelay $0x8  }
0x136: {  	v1 =	vpop (erf)  }
0x137: {  	v2 =	vnsel vm0, $0x0, v1  }
0x138: {  	[tilespmem:s1+$0x1CA80] =	vst v2  }
0x139: {  	v10 =	vld [tilespmem:s28+$0x30]  }
.Ltmp2:
0x13a: {  	v9 =	vld [tilespmem:s28+$0xFFFFFFE0];
	(pc) =	sbr.rel @p0 .LBB2_7-.Ltmp2, $4  }
0x13b: {  	v7 =	vld [tilespmem:s28+$0x10]  }
0x13c: {  	v4 =	vbroadcast v1, $0x3;
	v3 =	vld [tilespmem:s28+$0x20]  }
0x13d: {  	v2 =	vbroadcast v1, $0x1;
	v5 =	vld [tilespmem:s28+$0xFFFFFFD0]  }
0x13e: {  	v8 =	vbroadcast v1, $0x2;
	v6 =	vld [tilespmem:s28+$0x0];
	v10 =	vmul.f32 v10, v4  }
0x13f: {  	v9 =	vmul.f32 v2, v9;
	v11 =	vld [tilespmem:s4+$0xFFFFFFF0]  }
0x140: {  	v12 =	vld [tilespmem:s4+$0xFFFFFFC0];
	v1 =	vbroadcast v1, $0x0;
	v7 =	vmul.f32 v7, v8;
	[tilespmem:s4+$0x30] =	vst v10  }
0x141: {  	[tilespmem:s4+$0xFFFFFFE0] =	vst v9;
	v3 =	vmul.f32 v3, v4  }
0x142: {  	v4 =	vmul.f32 v1, v5;
	[tilespmem:s4+$0x10] =	vst v7  }
0x143: {  	v5 =	vmul.f32 v6, v8;
	[tilespmem:s4+$0x20] =	vst v3  }
0x144: {  	[tilespmem:s4+$0xFFFFFFD0] =	vst v4;
	v2 =	vmul.f32 v11, v2  }
0x145: {  	v1 =	vmul.f32 v1, v12;
	[tilespmem:s4+$0x0] =	vst v5  }
0x146: {  	[tilespmem:s4+$0xFFFFFFF0] =	vst v2  }
0x147: {  	[tilespmem:s4+$0xFFFFFFC0] =	vst v1  }
0x148: {  	[spmem:s3] =	stream.indirect.scatter.add.f32 [tilespmem:s15], [sflag:$0x4], $0x10, s31, s25, $0xb8;
	[tilespmem:$0x1CE80] =	vst v63  }
0x149: {  	_ = 	snop  }
0x14a: {  	[spmem:s2] =	stream.indirect.scatter.add.f32 [tilespmem:s0], [sflag:$0x4], $0x80, s31, s25, $0xb8;
	[tilespmem:$0x1CE80] =	vst v63  }
0x14b: {  	_ =	swait.ge [sflag:s29], $0x2000  }
0x14c: {  	[sflag:s29] =	ssyncset.done $0x0  }
0x14d: {  	[sflag:s29] =	ssyncadd.s32 $0xFFFFE000  }
0x14e: {  	_ =	swait.ge [sflag:s29], $0x400  }
0x14f: {  	[sflag:s29] =	ssyncset.done $0x0  }
0x150: {  	[sflag:s29] =	ssyncadd.s32 $0xFFFFFC00  }
0x151: {  	_ =	swait.ge [sflag:s29], $0x400  }
0x152: {  	[sflag:s29] =	ssyncset.done $0x0  }
0x153: {  	[sflag:s29] =	ssyncadd.s32 $0xFFFFFC00  }
0x154: {  	_ =	swait.ge [sflag:s18], $0x400  }
0x155: {  	[sflag:s18] =	ssyncset.done $0x0  }
0x156: {  	s1 =	sadd.s32 s11, s17;
	[sflag:s18] =	ssyncadd.s32 $0xFFFFFC00  }
0x157: {  	s1 =	sshll.u32 s1, $0x3;
	_ =	swait.ge [sflag:s18], $0x2000  }
0x158: {  	s1 =	sand.u32 $0x1FFFFFF8, s1;
	[sflag:s18] =	ssyncset.done $0x0  }
0x159: {  	s28 =	simm.s32 $0x0;
	s26 =	sadd.s32 s5, s1;
	[sflag:s18] =	ssyncadd.s32 $0xFFFFE000  }
0x15a: {  	[tilespmem:s30], [sflag:$0x5] =	stream.linear.gather [hbm4b:s26+s28], $0x40, $0x38;
	[tilespmem:$0x1CE80] =	vst v63  }
0x15b: {  	_ =	swait.ge [sflag:s21], $0x40  }
0x15c: {  	[sflag:s21] =	ssyncset.done $0x0  }
0x15d: {  	s1 =	sadd.s32 s6, s1;
	[sflag:s21] =	ssyncadd.s32 $0xFFFFFFC0  }
0x15e: {  	[tilespmem:s31], [sflag:$0x5] =	stream.linear.gather [hbm4b:s1+s28], $0x40, $0x38;
	[tilespmem:$0x1CE80] =	vst v63  }
0x15f: {  	_ =	swait.ge [sflag:s21], $0x40  }
0x160: {  	[sflag:s21] =	ssyncset.done $0x0  }
0x161: {  	[sflag:s21] =	ssyncadd.s32 $0xFFFFFFC0  }
0x162: {  	[tilespmem:s0], [sflag:$0x2] =	stream.indirect.gather [hbm4b:s7+s25], $0x80, s30, s25, $0xb8;
	[tilespmem:$0x1CE80] =	vst v63  }
0x163: {  	s26 =	simm.s32 $0x1BA80  }
0x164: {  	[tilespmem:s26], [sflag:$0x2] =	stream.indirect.gather [hbm4b:s8+s25], $0x10, s30, s25, $0xb8;
	[tilespmem:$0x1CE80] =	vst v63  }
0x165: {  	s28 =	simm.s32 $0x0  }
0x166: {  	[tilespmem:s12], [sflag:$0x2] =	stream.indirect.gather [hbm4b:s9+s25], $0x10, s31, s25, $0xb8;
	[tilespmem:$0x1CE80] =	vst v63  }
0x167: {  	v1 =	vld [tilespmem:s28+$0x1B680]  }
0x168: {  	v2 =	vld [tilespmem:s28+$0x1BE80];
	_ =	sdelay $0x4  }
0x169: {  	v1 =	vadd.f32 v2, v1;
	_ =	sdelay $0x1  }
0x16a: {  	v2 =	vmul.f32 $2.000000030e-01, v1;
	_ =	sdelay $0x1  }
0x16b: {  	v1 =	vmax.f32 v1, v2  }
0x16c: {  	v1 =	vmul.f32 $1.442695020e+00, v1;
	_ =	sdelay $0x1  }
0x16d: {  	(erf) = vpow2.f32 v1;
	_ =	sdelay $0x8  }
0x16e: {  	v1 =	vpop (erf)  }
0x16f: {  	v2 =	vnsel vm0, $0x0, v1  }
0x170: {  	s4 =	simm.s32 $0x176C0;
	[tilespmem:s28+$0x1C680] =	vst v2  }
0x171: {  	v10 =	vld [tilespmem:s4+$0x30]  }
0x172: {  	v9 =	vld [tilespmem:s4+$0xFFFFFFE0]  }
0x173: {  	v7 =	vld [tilespmem:s4+$0x10]  }
0x174: {  	v4 =	vbroadcast v1, $0x3;
	v3 =	vld [tilespmem:s4+$0x20]  }
0x175: {  	v8 =	vbroadcast v1, $0x2;
	v5 =	vld [tilespmem:s4+$0xFFFFFFD0]  }
0x176: {  	s11 =	simm.s32 $0x40;
	s26 =	simm.s32 $0x176C0;
	v2 =	vbroadcast v1, $0x1;
	v6 =	vld [tilespmem:s4+$0x0];
	v10 =	vmul.f32 v10, v4  }
.LBB2_9:
0x177: {  	p0 =	sne.s32 s11, $0xFC0  }
0x178: {  	v9 =	vmul.f32 v2, v9;
	v11 =	vld [tilespmem:s4+$0xFFFFFFF0];
	s26 =	sadd.s32 $0x80, s26;
	s1 =	smov.u32 s11;
	s11 =	sadd.s32 $0x40, s11  }
0x179: {  	v1 =	vbroadcast v1, $0x0;
	v12 =	vld [tilespmem:s4+$0xFFFFFFC0];
	v7 =	vmul.f32 v7, v8;
	[tilespmem:s4+$0x30] =	vst v10  }
0x17a: {  	[tilespmem:s4+$0xFFFFFFE0] =	vst v9;
	v3 =	vmul.f32 v3, v4  }
0x17b: {  	v4 =	vmul.f32 v1, v5;
	[tilespmem:s4+$0x10] =	vst v7  }
0x17c: {  	v5 =	vmul.f32 v6, v8;
	[tilespmem:s4+$0x20] =	vst v3  }
0x17d: {  	[tilespmem:s4+$0xFFFFFFD0] =	vst v4;
	v2 =	vmul.f32 v11, v2  }
0x17e: {  	v1 =	vmul.f32 v1, v12;
	[tilespmem:s4+$0x0] =	vst v5  }
0x17f: {  	[tilespmem:s4+$0xFFFFFFF0] =	vst v2  }
0x180: {  	s1 =	sshra.s32 s1, $0x2;
	[tilespmem:s4+$0xFFFFFFC0] =	vst v1;
	s4 =	smov.u32 s26  }
0x181: {  	v1 =	vld [tilespmem:s1+$0x1B680]  }
0x182: {  	v2 =	vld [tilespmem:s1+$0x1BE80];
	_ =	sdelay $0x4  }
0x183: {  	v1 =	vadd.f32 v2, v1;
	_ =	sdelay $0x1  }
0x184: {  	v2 =	vmul.f32 $2.000000030e-01, v1;
	_ =	sdelay $0x1  }
0x185: {  	v1 =	vmax.f32 v1, v2  }
0x186: {  	v1 =	vmul.f32 $1.442695020e+00, v1;
	_ =	sdelay $0x1  }
0x187: {  	(erf) = vpow2.f32 v1;
	_ =	sdelay $0x8  }
0x188: {  	v1 =	vpop (erf)  }
0x189: {  	v2 =	vnsel vm0, $0x0, v1  }
0x18a: {  	[tilespmem:s1+$0x1C680] =	vst v2  }
0x18b: {  	v10 =	vld [tilespmem:s26+$0x30]  }
.Ltmp3:
0x18c: {  	v9 =	vld [tilespmem:s26+$0xFFFFFFE0];
	(pc) =	sbr.rel @p0 .LBB2_9-.Ltmp3, $4  }
0x18d: {  	v7 =	vld [tilespmem:s26+$0x10]  }
0x18e: {  	v4 =	vbroadcast v1, $0x3;
	v3 =	vld [tilespmem:s26+$0x20]  }
0x18f: {  	v2 =	vbroadcast v1, $0x1;
	v5 =	vld [tilespmem:s26+$0xFFFFFFD0]  }
0x190: {  	v8 =	vbroadcast v1, $0x2;
	v6 =	vld [tilespmem:s26+$0x0];
	v10 =	vmul.f32 v10, v4  }
0x191: {  	v9 =	vmul.f32 v2, v9;
	v11 =	vld [tilespmem:s4+$0xFFFFFFF0]  }
0x192: {  	v12 =	vld [tilespmem:s4+$0xFFFFFFC0];
	v1 =	vbroadcast v1, $0x0;
	v7 =	vmul.f32 v7, v8;
	[tilespmem:s4+$0x30] =	vst v10  }
0x193: {  	[tilespmem:s4+$0xFFFFFFE0] =	vst v9;
	v3 =	vmul.f32 v3, v4  }
0x194: {  	v62 =	vmul.f32 v1, v5;
	[tilespmem:s4+$0x10] =	vst v7  }
0x195: {  	v63 =	vmul.f32 v6, v8;
	[tilespmem:s4+$0x20] =	vst v3  }
0x196: {  	s10 =	sadd.s32 $0x1, s10;
	[tilespmem:s4+$0xFFFFFFD0] =	vst v62;
	v2 =	vmul.f32 v11, v2  }
0x197: {  	p0 =	sne.s32 s10, $0x4E;
	v1 =	vmul.f32 v1, v12;
	[tilespmem:s4+$0x0] =	vst v63  }
.Ltmp4:
0x198: {  	[tilespmem:s4+$0xFFFFFFF0] =	vst v2;
	(pc) =	sbr.rel @p0 .LBB2_6-.Ltmp4, $4  }
0x199: {  	[tilespmem:s4+$0xFFFFFFC0] =	vst v1  }
0x19a: {  	[spmem:s3] =	stream.indirect.scatter.add.f32 [tilespmem:s22], [sflag:$0x3], $0x10, s24, s25, $0xb8;
	[tilespmem:$0x1CE80] =	vst v63  }
0x19b: {  	_ = 	snop  }
0x19c: {  	[spmem:s2] =	stream.indirect.scatter.add.f32 [tilespmem:s20], [sflag:$0x3], $0x80, s24, s25, $0xb8;
	[tilespmem:$0x1CE80] =	vst v63  }
0x19d: {  	_ =	swait.ge [sflag:s13], $0x2000  }
0x19e: {  	[sflag:s13] =	ssyncset.done $0x0  }
0x19f: {  	[sflag:s13] =	ssyncadd.s32 $0xFFFFE000  }
0x1a0: {  	_ =	swait.ge [sflag:s13], $0x400  }
0x1a1: {  	[sflag:s13] =	ssyncset.done $0x0  }
0x1a2: {  	[sflag:s13] =	ssyncadd.s32 $0xFFFFFC00  }
0x1a3: {  	_ =	swait.ge [sflag:s13], $0x400  }
0x1a4: {  	[sflag:s13] =	ssyncset.done $0x0  }
0x1a5: {  	s1 =	simm.s32 $0x0;
	[sflag:s13] =	ssyncadd.s32 $0xFFFFFC00  }
0x1a6: {  	v1 =	vld [tilespmem:s1+$0x1BA80]  }
0x1a7: {  	v2 =	vld [tilespmem:s1+$0x1C280];
	_ =	sdelay $0x4  }
0x1a8: {  	v1 =	vadd.f32 v2, v1;
	_ =	sdelay $0x1  }
0x1a9: {  	v2 =	vmul.f32 $2.000000030e-01, v1;
	_ =	sdelay $0x1  }
0x1aa: {  	v1 =	vmax.f32 v1, v2  }
0x1ab: {  	v1 =	vmul.f32 $1.442695020e+00, v1;
	_ =	sdelay $0x1  }
0x1ac: {  	(erf) = vpow2.f32 v1;
	_ =	sdelay $0x8  }
0x1ad: {  	v1 =	vpop (erf)  }
0x1ae: {  	v2 =	vnsel vm0, $0x0, v1  }
0x1af: {  	s4 =	simm.s32 $0x196C0;
	[tilespmem:s1+$0x1CA80] =	vst v2  }
0x1b0: {  	v10 =	vld [tilespmem:s4+$0x30]  }
0x1b1: {  	v9 =	vld [tilespmem:s4+$0xFFFFFFE0]  }
0x1b2: {  	v7 =	vld [tilespmem:s4+$0x10]  }
0x1b3: {  	v4 =	vbroadcast v1, $0x3;
	v3 =	vld [tilespmem:s4+$0x20]  }
0x1b4: {  	v8 =	vbroadcast v1, $0x2;
	v5 =	vld [tilespmem:s4+$0xFFFFFFD0]  }
0x1b5: {  	s10 =	simm.s32 $0x40;
	s11 =	simm.s32 $0x196C0;
	v2 =	vbroadcast v1, $0x1;
	v6 =	vld [tilespmem:s4+$0x0];
	v10 =	vmul.f32 v10, v4  }
.LBB2_12:
0x1b6: {  	p0 =	sne.s32 s10, $0xFC0  }
0x1b7: {  	v9 =	vmul.f32 v2, v9;
	v11 =	vld [tilespmem:s4+$0xFFFFFFF0];
	s11 =	sadd.s32 $0x80, s11;
	s1 =	smov.u32 s10;
	s10 =	sadd.s32 $0x40, s10  }
0x1b8: {  	v1 =	vbroadcast v1, $0x0;
	v12 =	vld [tilespmem:s4+$0xFFFFFFC0];
	v7 =	vmul.f32 v7, v8;
	[tilespmem:s4+$0x30] =	vst v10  }
0x1b9: {  	[tilespmem:s4+$0xFFFFFFE0] =	vst v9;
	v3 =	vmul.f32 v3, v4  }
0x1ba: {  	v4 =	vmul.f32 v1, v5;
	[tilespmem:s4+$0x10] =	vst v7  }
0x1bb: {  	v5 =	vmul.f32 v6, v8;
	[tilespmem:s4+$0x20] =	vst v3  }
0x1bc: {  	[tilespmem:s4+$0xFFFFFFD0] =	vst v4;
	v2 =	vmul.f32 v11, v2  }
0x1bd: {  	v1 =	vmul.f32 v1, v12;
	[tilespmem:s4+$0x0] =	vst v5  }
0x1be: {  	[tilespmem:s4+$0xFFFFFFF0] =	vst v2  }
0x1bf: {  	s1 =	sshra.s32 s1, $0x2;
	[tilespmem:s4+$0xFFFFFFC0] =	vst v1;
	s4 =	smov.u32 s11  }
0x1c0: {  	v1 =	vld [tilespmem:s1+$0x1BA80]  }
0x1c1: {  	v2 =	vld [tilespmem:s1+$0x1C280];
	_ =	sdelay $0x4  }
0x1c2: {  	v1 =	vadd.f32 v2, v1;
	_ =	sdelay $0x1  }
0x1c3: {  	v2 =	vmul.f32 $2.000000030e-01, v1;
	_ =	sdelay $0x1  }
0x1c4: {  	v1 =	vmax.f32 v1, v2  }
0x1c5: {  	v1 =	vmul.f32 $1.442695020e+00, v1;
	_ =	sdelay $0x1  }
0x1c6: {  	(erf) = vpow2.f32 v1;
	_ =	sdelay $0x8  }
0x1c7: {  	v1 =	vpop (erf)  }
0x1c8: {  	v2 =	vnsel vm0, $0x0, v1  }
0x1c9: {  	[tilespmem:s1+$0x1CA80] =	vst v2  }
0x1ca: {  	v10 =	vld [tilespmem:s11+$0x30]  }
.Ltmp5:
0x1cb: {  	v9 =	vld [tilespmem:s11+$0xFFFFFFE0];
	(pc) =	sbr.rel @p0 .LBB2_12-.Ltmp5, $4  }
0x1cc: {  	v7 =	vld [tilespmem:s11+$0x10]  }
0x1cd: {  	v4 =	vbroadcast v1, $0x3;
	v3 =	vld [tilespmem:s11+$0x20]  }
0x1ce: {  	v2 =	vbroadcast v1, $0x1;
	v5 =	vld [tilespmem:s11+$0xFFFFFFD0]  }
0x1cf: {  	v8 =	vbroadcast v1, $0x2;
	v6 =	vld [tilespmem:s11+$0x0];
	v10 =	vmul.f32 v10, v4  }
0x1d0: {  	v9 =	vmul.f32 v2, v9;
	v11 =	vld [tilespmem:s4+$0xFFFFFFF0]  }
0x1d1: {  	v12 =	vld [tilespmem:s4+$0xFFFFFFC0];
	v1 =	vbroadcast v1, $0x0;
	v7 =	vmul.f32 v7, v8;
	[tilespmem:s4+$0x30] =	vst v10  }
0x1d2: {  	[tilespmem:s4+$0xFFFFFFE0] =	vst v9;
	v3 =	vmul.f32 v3, v4  }
0x1d3: {  	v62 =	vmul.f32 v1, v5;
	[tilespmem:s4+$0x10] =	vst v7  }
0x1d4: {  	v63 =	vmul.f32 v6, v8;
	[tilespmem:s4+$0x20] =	vst v3  }
0x1d5: {  	[tilespmem:s4+$0xFFFFFFD0] =	vst v62;
	v2 =	vmul.f32 v11, v2  }
0x1d6: {  	v1 =	vmul.f32 v1, v12;
	[tilespmem:s4+$0x0] =	vst v63  }
0x1d7: {  	[tilespmem:s4+$0xFFFFFFF0] =	vst v2  }
0x1d8: {  	[tilespmem:s4+$0xFFFFFFC0] =	vst v1  }
0x1d9: {  	[spmem:s3] =	stream.indirect.scatter.add.f32 [tilespmem:s15], [sflag:$0x4], $0x10, s31, s25, $0xb8;
	[tilespmem:$0x1CE80] =	vst v63  }
0x1da: {  	_ = 	snop  }
0x1db: {  	[spmem:s2] =	stream.indirect.scatter.add.f32 [tilespmem:s0], [sflag:$0x4], $0x80, s31, s25, $0xb8;
	[tilespmem:$0x1CE80] =	vst v63  }
0x1dc: {  	_ =	swait.ge [sflag:s14], $0x400  }
0x1dd: {  	[sflag:s14] =	ssyncset.done $0x0  }
0x1de: {  	[sflag:s14] =	ssyncadd.s32 $0xFFFFFC00  }
0x1df: {  	_ =	swait.ge [sflag:s14], $0x2000  }
0x1e0: {  	[sflag:s14] =	ssyncset.done $0x0  }
0x1e1: {  	[sflag:s14] =	ssyncadd.s32 $0xFFFFE000  }
0x1e2: {  	_ =	swait.ge [sflag:s18], $0x400  }
0x1e3: {  	[sflag:s18] =	ssyncset.done $0x0  }
0x1e4: {  	[sflag:s18] =	ssyncadd.s32 $0xFFFFFC00  }
0x1e5: {  	_ =	swait.ge [sflag:s18], $0x2000  }
0x1e6: {  	[sflag:s18] =	ssyncset.done $0x0  }
0x1e7: {  	[sflag:s18] =	ssyncadd.s32 $0xFFFFE000  }
0x1e8: {  	[bflag:$0x0] =	sbarrier.arrive $0xFFFF  }
0x1e9: {  	s1 =	stileid.u32;
	s10 =	sld [smem:$0x7FC]  }
0x1ea: {  	s1 =	sshll.u32 s1, $0x6;
	s26 =	rddreg [dreg:$0x6]  }
0x1eb: {  	s1 =	sor.u32 $0x1C05, s1;
	s19 =	sshrl.u32 s26, $0x3  }
0x1ec: {  	[hbm:s10], [sflag:s1] =	dma.local [spmem:s19], $0x2980  }
0x1ed: {  	_ =	swait.ge [sflag:s21], $0x2980  }
0x1ee: {  	[sflag:s21] =	ssyncset.done $0x0;
	s28 =	rddreg [dreg:$0x7]  }
0x1ef: {  	s19 =	rddreg [dreg:$0xe];
	[sflag:s21] =	ssyncadd.s32 $0xFFFFD680;
	s11 =	sshrl.u32 s28, $0x3  }
0x1f0: {  	[hbm:s19], [sflag:s1] =	dma.local [spmem:s11], $0x530  }
0x1f1: {  	_ =	swait.ge [sflag:s21], $0x530  }
0x1f2: {  	s11 =	sld [smem:$0x7FD]  }
0x1f3: {  	s19 =	rddreg [dreg:$0x5]  }
0x1f4: {  	s19 =	sadd.s32 $0x1, s19  }
0x1f5: {  	p0 =	sne.s32 s19, s11  }
.Ltmp6:
0x1f6: {  	_ = 	snop;
	(pc) =	sbr.rel @p0 .LBB2_1-.Ltmp6, $3  }
0x1f7: {  	_ =	sdelay $0x1  }
0x1f8: {  	[sflag:s21] =	ssyncset.done $0x0  }
0x1f9: {  	[sflag:s21] =	ssyncadd.s32 $0xFFFFFAD0  }
0x1fa: {  	_ =	sfence.sel $0x180000  }
0x1fb: {  	[bflag:$0x0] =	sbarrier.arrive $0xFFFF  }
0x1fc: {  	_ =	strace $0x90000047  }
0x1fd: {  	s0 =	stileid.u32;
	[bflag:$0x2] =	sbarrier.arrive $0xFFFF  }
0x1fe: {  	p0 =	sne.s32 s0, $0x0;
	s0 =	rddreg [dreg:$0x4]  }
0x1ff: {  	s0 =	sadd.s32 @!p0 $0x100000, s0  }
0x200: {  	[sflag:s0] =	ssyncadd.tile.s32 @!p0 $0x1;
	_ =	shalt  }
.Lfunc_end2:
_tile_overlayer_lowered:
.L_overlay_start_2:
0x201: {  	(tag) =	ssettag $0x2  }
0x202: {  	s0 =	rddreg [dreg:$0x0];
	s2 =	stileid.u32  }
0x203: {  	s1 =	rddreg [dreg:$0x1];
	p0 =	sne.s32 s2, $0x0  }
0x204: {  	s3 =	rddreg [dreg:$0x2];
	[bflag:$0x3] =	sbarrier.arrive $0xFFFF;
	s2 =	simm.s32 @!p0 $0x1C05  }
0x205: {  	[timem:s3], [sflag:s2] =	dma.local @!p0 [hbm:s0], s1  }
0x206: {  	s0 =	simm.s32 @!p0 $0x5  }
0x207: {  	_ =	swait.ge @!p0 [sflag:s0], s1  }
0x208: {  	s1 =	ssub.s32 @!p0 $0x0, s1;
	[sflag:s0] =	ssyncset.done @!p0 $0x0  }
0x209: {  	[sflag:s0] =	ssyncadd.s32 @!p0 s1  }
0x20a: {  	[bflag:$0x3] =	sbarrier.arrive $0xFFFF  }
0x20b: {  	_ =	shalt  }

</sc_bundles>
